<compile_context>
chip_gen: v7x
topology: tpu7x:2x2x1
jax: 0.10.2.dev20260603
libtpu: 0.0.44.dev20260713+nightly
codegen_flags: <defaults>
</compile_context>

<pallas_src>
import functools

import jax
import jax.numpy as jnp
from jax import lax
from jax.experimental import pallas as pl
from jax.experimental.pallas import tpu as pltpu
from jax.experimental.pallas import tpu_sc as plsc

N = 10000
E = 320000
DH = 128
DO = 8
DOP = 16
NC = 2
NS = 16
NW = NC * NS
EW = E // NW
K = 80
NCHUNK = EW // K
RQ = 624
TAIL = N - NS * RQ
NH = N // 2
NHP = NH + 8
GB = NH
RH = 312
HTAIL = NHP - NS * RH

_MESH = dict(core_axis_name="c", subcore_axis_name="s")

import numpy as _np
_PLACE = _np.zeros((8, DO, DH), _np.float32)
for _k in range(8):
    for _j in range(DO):
        _PLACE[_k, _j, 16 * _k + _j] = 1.0


NR = 80


def _sc_degree(dst_r, eye_h, zeros_h):

    @functools.partial(
        pl.kernel,
        out_type=jax.ShapeDtypeStruct((NC, NR, DH), jnp.float32),
        mesh=plsc.VectorSubcoreMesh(**_MESH),
        scratch_types=[
            pltpu.VMEM((NCHUNK, K), jnp.int32),
            pltpu.VMEM((NCHUNK, K), jnp.int32),
            pltpu.VMEM((K, DH), jnp.float32),
            pltpu.VMEM((K, DH), jnp.float32),
            pltpu.VMEM_SHARED((NR, DH), jnp.float32),
            pltpu.SemaphoreType.DMA,
            pltpu.SemaphoreType.DMA,
        ],
    )
    def deg_kernel(dst_hbm, eye_hbm, z_hbm, out_hbm,
                   idx_g, idx_r, buf0, buf1, acc, sem0, sem1):
        c = lax.axis_index("c")
        s = lax.axis_index("s")
        wid = c * NS + s

        @pl.when(s < NR // 8)
        def _():
            pltpu.sync_copy(z_hbm.at[pl.ds(s * 8, 8)], acc.at[pl.ds(s * 8, 8)])

        pltpu.sync_copy(dst_hbm.at[wid], idx_r)

        @pl.loop(0, NCHUNK)
        def _(i):
            for k in range(K // 16):
                v = idx_r[i, pl.ds(k * 16, 16)]
                r = lax.shift_right_logical(v, 7)
                idx_g[i, pl.ds(k * 16, 16)] = (v - r * 128) + wid * DH
                idx_r[i, pl.ds(k * 16, 16)] = r

        plsc.subcore_barrier()

        pltpu.async_copy(eye_hbm.at[idx_g.at[0]], buf0, sem0)

        @pl.loop(0, NCHUNK - 1, step=2)
        def _(i):
            pltpu.async_copy(eye_hbm.at[idx_g.at[i + 1]], buf1, sem1)
            pltpu.make_async_copy(eye_hbm.at[idx_g.at[i]], buf0, sem0).wait()
            pltpu.sync_copy(buf0, acc.at[idx_r.at[i]], add=True)
            pltpu.async_copy(eye_hbm.at[idx_g.at[i + 2]], buf0, sem0)
            pltpu.make_async_copy(eye_hbm.at[idx_g.at[i + 1]], buf1, sem1).wait()
            pltpu.sync_copy(buf1, acc.at[idx_r.at[i + 1]], add=True)

        last = NCHUNK - 1
        pltpu.make_async_copy(eye_hbm.at[idx_g.at[last]], buf0, sem0).wait()
        pltpu.sync_copy(buf0, acc.at[idx_r.at[last]], add=True)

        plsc.subcore_barrier()

        @pl.when(s < NR // 8)
        def _():
            pltpu.sync_copy(acc.at[pl.ds(s * 8, 8)],
                            out_hbm.at[c, pl.ds(s * 8, 8)])

    return deg_kernel(dst_r, eye_h, zeros_h)


NCH2 = 2 * NCHUNK


def _sc_aggregate(src_r, dst_r, rows, zeros_h):

    @functools.partial(
        pl.kernel,
        out_type=jax.ShapeDtypeStruct((NC, NHP, DH), jnp.float32),
        mesh=plsc.VectorSubcoreMesh(**_MESH),
        scratch_types=[
            pltpu.VMEM((NCH2, K), jnp.int32),
            pltpu.VMEM((NCH2, K), jnp.int32),
            pltpu.VMEM((K, DH), jnp.float32),
            pltpu.VMEM((K, DH), jnp.float32),
            pltpu.VMEM_SHARED((NHP, DH), jnp.float32),
            pltpu.SemaphoreType.DMA,
            pltpu.SemaphoreType.DMA,
        ],
    )
    def agg_kernel(src_hbm, dst_hbm, rows_hbm, z_hbm, out_hbm,
                   idx_s, idx_d, buf0, buf1, acc, sem0, sem1):
        c = lax.axis_index("c")
        s = lax.axis_index("s")
        base = c * NH
        pltpu.sync_copy(z_hbm.at[pl.ds(s * RH, RH)], acc.at[pl.ds(s * RH, RH)])

        @pl.when(s == NS - 1)
        def _():
            pltpu.sync_copy(z_hbm.at[pl.ds(NS * RH, HTAIL)],
                            acc.at[pl.ds(NS * RH, HTAIL)])

        pltpu.sync_copy(src_hbm.at[s], idx_s.at[pl.ds(0, NCHUNK)])
        pltpu.sync_copy(src_hbm.at[s + NS], idx_s.at[pl.ds(NCHUNK, NCHUNK)])
        pltpu.sync_copy(dst_hbm.at[s], idx_d.at[pl.ds(0, NCHUNK)])
        pltpu.sync_copy(dst_hbm.at[s + NS], idx_d.at[pl.ds(NCHUNK, NCHUNK)])

        @pl.loop(0, NCH2)
        def _(i):
            for k in range(K // 16):
                v = idx_d[i, pl.ds(k * 16, 16)]
                keep = jnp.logical_and(v >= base, v < base + NH)
                idx_d[i, pl.ds(k * 16, 16)] = jnp.where(keep, v - base, GB)

        plsc.subcore_barrier()

        pltpu.async_copy(rows_hbm.at[idx_s.at[0]], buf0, sem0)

        @pl.loop(0, NCH2 - 2, step=2)
        def _(i):
            pltpu.async_copy(rows_hbm.at[idx_s.at[i + 1]], buf1, sem1)
            pltpu.make_async_copy(rows_hbm.at[idx_s.at[i]], buf0, sem0).wait()
            pltpu.sync_copy(buf0, acc.at[idx_d.at[i]], add=True)
            pltpu.async_copy(rows_hbm.at[idx_s.at[i + 2]], buf0, sem0)
            pltpu.make_async_copy(rows_hbm.at[idx_s.at[i + 1]], buf1, sem1).wait()
            pltpu.sync_copy(buf1, acc.at[idx_d.at[i + 1]], add=True)

        pltpu.async_copy(rows_hbm.at[idx_s.at[NCH2 - 1]], buf1, sem1)
        pltpu.make_async_copy(rows_hbm.at[idx_s.at[NCH2 - 2]], buf0, sem0).wait()
        pltpu.sync_copy(buf0, acc.at[idx_d.at[NCH2 - 2]], add=True)
        pltpu.make_async_copy(rows_hbm.at[idx_s.at[NCH2 - 1]], buf1, sem1).wait()
        pltpu.sync_copy(buf1, acc.at[idx_d.at[NCH2 - 1]], add=True)

        plsc.subcore_barrier()
        pltpu.sync_copy(acc.at[pl.ds(s * RH, RH)],
                        out_hbm.at[c, pl.ds(s * RH, RH)])

        @pl.when(s == NS - 1)
        def _():
            pltpu.sync_copy(acc.at[pl.ds(NS * RH, HTAIL)],
                            out_hbm.at[c, pl.ds(NS * RH, HTAIL)])

    return agg_kernel(src_r, dst_r, rows, zeros_h)


NR2 = 1256


def _sc_aggregate8(src_r, dst_r, table, zeros_h):

    @functools.partial(
        pl.kernel,
        out_type=jax.ShapeDtypeStruct((NC, NR2, DH), jnp.float32),
        mesh=plsc.VectorSubcoreMesh(**_MESH),
        scratch_types=[
            pltpu.VMEM((NCHUNK, K), jnp.int32),
            pltpu.VMEM((NCHUNK, K), jnp.int32),
            pltpu.VMEM((K, DH), jnp.float32),
            pltpu.VMEM((K, DH), jnp.float32),
            pltpu.VMEM_SHARED((NR2, DH), jnp.float32),
            pltpu.SemaphoreType.DMA,
            pltpu.SemaphoreType.DMA,
        ],
    )
    def agg8_kernel(src_hbm, dst_hbm, tab_hbm, z_hbm, out_hbm,
                    idx_s, idx_d, buf0, buf1, acc, sem0, sem1):
        c = lax.axis_index("c")
        s = lax.axis_index("s")
        wid = c * NS + s

        @pl.when(s < NS - 1)
        def _():
            pltpu.sync_copy(z_hbm.at[pl.ds(s * 80, 80)],
                            acc.at[pl.ds(s * 80, 80)])

        @pl.when(s == NS - 1)
        def _():
            pltpu.sync_copy(z_hbm.at[pl.ds(1200, NR2 - 1200)],
                            acc.at[pl.ds(1200, NR2 - 1200)])

        pltpu.sync_copy(src_hbm.at[wid], idx_s)
        pltpu.sync_copy(dst_hbm.at[wid], idx_d)

        @pl.loop(0, NCHUNK)
        def _(i):
            for k in range(K // 16):
                v = idx_d[i, pl.ds(k * 16, 16)]
                r = lax.shift_right_logical(v, 3)
                idx_s[i, pl.ds(k * 16, 16)] = (
                    (v - r * 8) * N + idx_s[i, pl.ds(k * 16, 16)])
                idx_d[i, pl.ds(k * 16, 16)] = r

        plsc.subcore_barrier()

        pltpu.async_copy(tab_hbm.at[idx_s.at[0]], buf0, sem0)

        @pl.loop(0, NCHUNK - 1, step=2)
        def _(i):
            pltpu.async_copy(tab_hbm.at[idx_s.at[i + 1]], buf1, sem1)
            pltpu.make_async_copy(tab_hbm.at[idx_s.at[i]], buf0, sem0).wait()
            pltpu.sync_copy(buf0, acc.at[idx_d.at[i]], add=True)
            pltpu.async_copy(tab_hbm.at[idx_s.at[i + 2]], buf0, sem0)
            pltpu.make_async_copy(tab_hbm.at[idx_s.at[i + 1]], buf1, sem1).wait()
            pltpu.sync_copy(buf1, acc.at[idx_d.at[i + 1]], add=True)

        last = NCHUNK - 1
        pltpu.make_async_copy(tab_hbm.at[idx_s.at[last]], buf0, sem0).wait()
        pltpu.sync_copy(buf0, acc.at[idx_d.at[last]], add=True)

        plsc.subcore_barrier()

        @pl.when(s < NS - 1)
        def _():
            pltpu.sync_copy(acc.at[pl.ds(s * 80, 80)],
                            out_hbm.at[c, pl.ds(s * 80, 80)])

        @pl.when(s == NS - 1)
        def _():
            pltpu.sync_copy(acc.at[pl.ds(1200, NR2 - 1200)],
                            out_hbm.at[c, pl.ds(1200, NR2 - 1200)])

    return agg8_kernel(src_r, dst_r, table, zeros_h)


def _tc_build_table(m, w2, p):

    def body(m_ref, w2_ref, p_ref, o_ref):
        y2 = jnp.dot(m_ref[...], w2_ref[...],
                     preferred_element_type=jnp.float32)
        o_ref[0, :, :] = jnp.dot(y2, p_ref[0],
                                 preferred_element_type=jnp.float32)

    return pl.pallas_call(
        body,
        grid=(8,),
        in_specs=[pl.BlockSpec((N, DH), lambda k: (0, 0)),
                  pl.BlockSpec((DH, DO), lambda k: (0, 0)),
                  pl.BlockSpec((1, DO, DH), lambda k: (k, 0, 0))],
        out_specs=pl.BlockSpec((1, N, DH), lambda k: (k, 0, 0)),
        out_shape=jax.ShapeDtypeStruct((8, N, DH), jnp.float32),
    )(m, w2, p)


def _tc_matmul(x, w):
    def body(x_ref, w_ref, o_ref):
        o_ref[...] = jnp.dot(x_ref[...], w_ref[...],
                             preferred_element_type=jnp.float32)

    return pl.pallas_call(
        body, out_shape=jax.ShapeDtypeStruct((x.shape[0], w.shape[1]),
                                             jnp.float32))(x, w)


def _tc_scale(xw, deg):

    def body(xw_ref, deg_ref, y_ref, dinv_ref):
        dinv = lax.rsqrt(deg_ref[...] + 1.0)
        dinv_ref[...] = dinv
        y_ref[...] = xw_ref[...] * dinv

    return pl.pallas_call(
        body,
        out_shape=[jax.ShapeDtypeStruct((N, DH), jnp.float32),
                   jax.ShapeDtypeStruct((N, 1), jnp.float32)])(xw, deg)


def _tc_mid(p1, y1, dinv, b1):

    def body(p1_ref, y1_ref, dinv_ref, b1_ref, o_ref):
        agg = jnp.concatenate([p1_ref[0, 0:NH], p1_ref[1, 0:NH]], axis=0)
        dv = dinv_ref[...]
        h = jnp.maximum((agg + y1_ref[...]) * dv + b1_ref[...], 0.0)
        o_ref[...] = h * dv

    return pl.pallas_call(
        body, out_shape=jax.ShapeDtypeStruct((N, DH), jnp.float32))(
            p1, y1, dinv, b1)


def _tc_final(aggy2, m, dinv, w2, b2):

    def body(agg_ref, m_ref, dinv_ref, w2_ref, b2_ref, o_ref):
        y2 = jnp.dot(m_ref[...], w2_ref[...],
                     preferred_element_type=jnp.float32)
        o_ref[...] = (agg_ref[...] + y2) * dinv_ref[...] + b2_ref[...]

    return pl.pallas_call(
        body, out_shape=jax.ShapeDtypeStruct((N, DO), jnp.float32))(
            aggy2, m, dinv, w2, b2)


def kernel(x, edge_index, W1, b1, W2, b2):
    src_r = edge_index[0].reshape(NW, NCHUNK, K)
    dst_r = edge_index[1].reshape(NW, NCHUNK, K)
    zeros_h = jnp.zeros((NHP, DH), jnp.float32)
    eye128 = jnp.tile(jnp.eye(DH, dtype=jnp.float32), (NW, 1))
    b1r = b1.reshape(1, DH)
    b2r = b2.reshape(1, DO)

    degp = _sc_degree(dst_r, eye128, zeros_h)
    deg = (degp[0] + degp[1]).reshape(NR * DH)[:N].reshape(N, 1)
    xw = _tc_matmul(x, W1)
    y1, dinv = _tc_scale(xw, deg)
    p1 = _sc_aggregate(src_r, dst_r, y1, zeros_h)
    m = _tc_mid(p1, y1, dinv, b1r)
    table = _tc_build_table(m, W2, jnp.asarray(_PLACE)).reshape(8 * N, DH)
    aggp = _sc_aggregate8(src_r, dst_r, table, zeros_h)
    aggy2 = (aggp[0] + aggp[1]).reshape(NR2 * 8, 16)[:N, :DO]
    return _tc_final(aggy2, m, dinv, W2, b2r)

# --- scband reference (transcript-rebuilt; emitter-appended) ---
"""Pipeline reference for scband-net-86337432584203 (READ-ONLY COPY).

The authoritative reference and input builder live on the scoring server;
editing this copy changes nothing except your own understanding.
"""

import jax, jax.numpy as jnp
import numpy as np

N_NODES = 10000
N_EDGES = 320000
D_IN = 128
D_HID = 128
D_OUT = 8


def setup_inputs(seed: int = 0) -> dict:
    key = jax.random.key(seed)
    k1, k2, k3, k4, k5, k6 = jax.random.split(key, 6)
    x = jax.random.normal(k1, (N_NODES, D_IN), dtype=jnp.float32)
    edge_index = jax.random.randint(k2, (2, N_EDGES), 0, N_NODES, dtype=jnp.int32)
    # GCNConv learned params (lin weight applied as x @ W, plus bias)
    W1 = jax.random.normal(k3, (D_IN, D_HID), dtype=jnp.float32) * (1.0 / np.sqrt(D_IN))
    b1 = jnp.zeros((D_HID,), dtype=jnp.float32)
    W2 = jax.random.normal(k4, (D_HID, D_OUT), dtype=jnp.float32) * (1.0 / np.sqrt(D_HID))
    b2 = jnp.zeros((D_OUT,), dtype=jnp.float32)
    return {"x": x, "edge_index": edge_index, "W1": W1, "b1": b1, "W2": W2, "b2": b2}


def _gcn_conv(x, src, dst, W, b, num_nodes):
    # PyG GCNConv: add self-loops, symmetric normalization, scatter-add aggregation
    xw = x @ W
    deg = jnp.zeros((num_nodes,), dtype=x.dtype).at[dst].add(1.0)
    dinv = jnp.where(deg > 0, jax.lax.rsqrt(jnp.maximum(deg, 1e-12)), 0.0)
    norm = dinv[src] * dinv[dst]
    msgs = norm[:, None] * jnp.take(xw, src, axis=0)
    out = jnp.zeros((num_nodes, W.shape[1]), dtype=x.dtype).at[dst].add(msgs)
    return out + b


def reference(x, edge_index, W1, b1, W2, b2):
    num_nodes = x.shape[0]
    loops = jnp.arange(num_nodes, dtype=edge_index.dtype)
    src = jnp.concatenate([edge_index[0], loops])
    dst = jnp.concatenate([edge_index[1], loops])
    h = _gcn_conv(x, src, dst, W1, b1, num_nodes)
    h = jax.nn.relu(h)
    z = _gcn_conv(h, src, dst, W2, b2, num_nodes)
    return z

if __name__ == "__main__":
    import jax
    _d = setup_inputs()
    print(jax.jit(kernel)(*tuple(_d.values())))

</pallas_src>

<mosaic_0001>
#map = affine_map<(d0, d1) -> (0, 0, 0)>
#map1 = affine_map<(d0, d1) -> (0, 0)>
module attributes {stable_mosaic.version = 14 : i64} {
  func.func @deg_kernel(%arg0: i32, %arg1: i32, %arg2: memref<32x125x80xi32, #tpu.memory_space<hbm>>, %arg3: memref<4096x128xf32, #tpu.memory_space<hbm>>, %arg4: memref<5008x128xf32, #tpu.memory_space<hbm>>, %arg5: memref<2x80x128xf32, #tpu.memory_space<hbm>>, %arg6: memref<125x80xi32, #tpu.memory_space<vmem>>, %arg7: memref<125x80xi32, #tpu.memory_space<vmem>>, %arg8: memref<80x128xf32, #tpu.memory_space<vmem>>, %arg9: memref<80x128xf32, #tpu.memory_space<vmem>>, %arg10: memref<80x128xf32, #tpu.memory_space<vmem_shared>>, %arg11: memref<!tpu.dma_semaphore, #tpu.memory_space<semaphore_mem>>, %arg12: memref<!tpu.dma_semaphore, #tpu.memory_space<semaphore_mem>>) attributes {dimension_semantics = [#tpu.dimension_semantics<core_parallel>, #tpu.dimension_semantics<subcore_parallel>], iteration_bounds = array<i64: 2, 16>, scalar_prefetch = 0 : i64, scratch_operands = 7 : i64, tpu.core_type = #tpu.core_type<sc_vector_subcore>, window_params = [{transform_indices = #map}, {transform_indices = #map1}, {transform_indices = #map1}, {transform_indices = #map}]} {
    %mul3A = arith.constant 16 : i32
    %mul3A_0 = arith.muli %arg0, %mul3A : i32
    %add3A = arith.addi %mul3A_0, %arg1 : i32
    %lt3A = arith.constant 10 : i32
    %lt3A_1 = arith.cmpi slt, %arg1, %lt3A : i32
    %convert_element_type3A = arith.extui %lt3A_1 : i1 to i32
    %cond3A = arith.constant 0 : i32
    %cond3A_2 = arith.cmpi ne, %convert_element_type3A, %cond3A : i32
    scf.if %cond3A_2 {
      %mul3A_30 = arith.constant 8 : i32
      %mul3A_31 = arith.muli %arg1, %mul3A_30 : i32
      %mul3A_32 = arith.constant 8 : i32
      %mul3A_33 = arith.muli %arg1, %mul3A_32 : i32
      "tpu.region"() ({
        %run_scoped3A_34 = tpu.sem_alloc : memref<!tpu.dma_semaphore, #tpu.memory_space<semaphore_mem>>
        %dma_start3A_35 = arith.constant 0 : i32
        %dma_start3A_36 = tpu.memref_slice %arg10[%mul3A_33, %dma_start3A_35] : memref<80x128xf32, #tpu.memory_space<vmem_shared>> -> memref<8x128xf32, #tpu.memory_space<vmem_shared>>
        %dma_start3A_37 = arith.constant 0 : i32
        %dma_start3A_38 = tpu.memref_slice %arg4[%mul3A_31, %dma_start3A_37] : memref<5008x128xf32, #tpu.memory_space<hbm>> -> memref<8x128xf32, #tpu.memory_space<hbm>>
        tpu.enqueue_dma source(%dma_start3A_38 : memref<8x128xf32, #tpu.memory_space<hbm>>) target(%dma_start3A_36 : memref<8x128xf32, #tpu.memory_space<vmem_shared>>) target_semaphore(%run_scoped3A_34 : memref<!tpu.dma_semaphore, #tpu.memory_space<semaphore_mem>>)
        %dma_wait3A_39 = arith.constant 0 : i32
        %dma_wait3A_40 = tpu.memref_slice %arg10[%mul3A_33, %dma_wait3A_39] : memref<80x128xf32, #tpu.memory_space<vmem_shared>> -> memref<8x128xf32, #tpu.memory_space<vmem_shared>>
        %dma_wait3A_41 = arith.constant 0 : i32
        %dma_wait3A_42 = tpu.memref_slice %arg4[%mul3A_31, %dma_wait3A_41] : memref<5008x128xf32, #tpu.memory_space<hbm>> -> memref<8x128xf32, #tpu.memory_space<hbm>>
        tpu.wait_dma2 semaphore(%run_scoped3A_34 : memref<!tpu.dma_semaphore, #tpu.memory_space<semaphore_mem>>) src(%dma_wait3A_42 : memref<8x128xf32, #tpu.memory_space<hbm>>) dst(%dma_wait3A_40 : memref<8x128xf32, #tpu.memory_space<vmem_shared>>)
        tpu.yield
      }) : () -> ()
    } else {
    }
    "tpu.region"() ({
      %run_scoped3A_30 = tpu.sem_alloc : memref<!tpu.dma_semaphore, #tpu.memory_space<semaphore_mem>>
      %dma_start3A_31 = arith.constant 0 : i32
      %dma_start3A_32 = arith.constant 0 : i32
      %dma_start3A_33 = tpu.memref_slice %arg2[%add3A, %dma_start3A_31, %dma_start3A_32] : memref<32x125x80xi32, #tpu.memory_space<hbm>> -> memref<1x125x80xi32, #tpu.memory_space<hbm>>
      %dma_start3A_34 = tpu.memref_squeeze %dma_start3A_33 : memref<1x125x80xi32, #tpu.memory_space<hbm>> -> memref<125x80xi32, #tpu.memory_space<hbm>>
      %dma_start3A_35 = arith.constant 0 : i32
      %dma_start3A_36 = arith.constant 0 : i32
      %dma_start3A_37 = tpu.memref_slice %arg2[%add3A, %dma_start3A_35, %dma_start3A_36] : memref<32x125x80xi32, #tpu.memory_space<hbm>> -> memref<1x125x80xi32, #tpu.memory_space<hbm>>
      %dma_start3A_38 = tpu.memref_squeeze %dma_start3A_37 : memref<1x125x80xi32, #tpu.memory_space<hbm>> -> memref<125x80xi32, #tpu.memory_space<hbm>>
      tpu.enqueue_dma source(%dma_start3A_38 : memref<125x80xi32, #tpu.memory_space<hbm>>) target(%arg7 : memref<125x80xi32, #tpu.memory_space<vmem>>) target_semaphore(%run_scoped3A_30 : memref<!tpu.dma_semaphore, #tpu.memory_space<semaphore_mem>>)
      %dma_wait3A_39 = arith.constant 0 : i32
      %dma_wait3A_40 = arith.constant 0 : i32
      %dma_wait3A_41 = tpu.memref_slice %arg2[%add3A, %dma_wait3A_39, %dma_wait3A_40] : memref<32x125x80xi32, #tpu.memory_space<hbm>> -> memref<1x125x80xi32, #tpu.memory_space<hbm>>
      %dma_wait3A_42 = tpu.memref_squeeze %dma_wait3A_41 : memref<1x125x80xi32, #tpu.memory_space<hbm>> -> memref<125x80xi32, #tpu.memory_space<hbm>>
      %dma_wait3A_43 = arith.constant 0 : i32
      %dma_wait3A_44 = arith.constant 0 : i32
      %dma_wait3A_45 = tpu.memref_slice %arg2[%add3A, %dma_wait3A_43, %dma_wait3A_44] : memref<32x125x80xi32, #tpu.memory_space<hbm>> -> memref<1x125x80xi32, #tpu.memory_space<hbm>>
      %dma_wait3A_46 = tpu.memref_squeeze %dma_wait3A_45 : memref<1x125x80xi32, #tpu.memory_space<hbm>> -> memref<125x80xi32, #tpu.memory_space<hbm>>
      tpu.wait_dma2 semaphore(%run_scoped3A_30 : memref<!tpu.dma_semaphore, #tpu.memory_space<semaphore_mem>>) src(%dma_wait3A_46 : memref<125x80xi32, #tpu.memory_space<hbm>>) dst(%arg7 : memref<125x80xi32, #tpu.memory_space<vmem>>)
      tpu.yield
    }) : () -> ()
    %scan3A = arith.constant 0 : i32
    %scan3A_3 = arith.constant 125 : i32
    %scan3A_4 = arith.addi %scan3A, %scan3A_3 : i32
    %scan3A_5 = arith.constant 1 : i32
    scf.for %scan3A_30 = %scan3A to %scan3A_4 step %scan3A_5  : i32 {
      %mul3A_31 = arith.constant 1 : i32
      %mul3A_32 = arith.muli %scan3A_30, %mul3A_31 : i32
      %add3A_33 = arith.constant 0 : i32
      %add3A_34 = arith.addi %add3A_33, %mul3A_32 : i32
      %get3A = arith.index_cast %add3A_34 : i32 to index
      %get3A_35 = arith.constant 0 : index
      %get3A_36 = tpu.vector_load %arg7[%get3A, %get3A_35] {strides = array<i32>} : memref<125x80xi32, #tpu.memory_space<vmem>>, vector<1x16xi32>,
      %get3A_37 = vector.shape_cast %get3A_36 : vector<1x16xi32> to vector<16xi32>
      %shift_right_logical3A = arith.constant 7 : i32
      %shift_right_logical3A_38 = vector.broadcast %shift_right_logical3A : i32 to vector<16xi32>
      %shift_right_logical3A_39 = arith.shrui %get3A_37, %shift_right_logical3A_38 : vector<16xi32>
      %mul3A_40 = arith.constant 128 : i32
      %mul3A_41 = vector.broadcast %mul3A_40 : i32 to vector<16xi32>
      %mul3A_42 = arith.muli %shift_right_logical3A_39, %mul3A_41 : vector<16xi32>
      %sub3A = arith.subi %get3A_37, %mul3A_42 : vector<16xi32>
      %mul3A_43 = arith.constant 128 : i32
      %mul3A_44 = arith.muli %add3A, %mul3A_43 : i32
      %add3A_45 = vector.broadcast %mul3A_44 : i32 to vector<16xi32>
      %add3A_46 = arith.addi %sub3A, %add3A_45 : vector<16xi32>
      %swap3A = arith.index_cast %add3A_34 : i32 to index
      %swap3A_47 = arith.constant 0 : index
      %swap3A_48 = tpu.vector_load %arg6[%swap3A, %swap3A_47] {strides = array<i32>} : memref<125x80xi32, #tpu.memory_space<vmem>>, vector<1x16xi32>,
      %swap3A_49 = vector.shape_cast %swap3A_48 : vector<1x16xi32> to vector<16xi32>
      %swap3A_50 = vector.shape_cast %add3A_46 : vector<16xi32> to vector<1x16xi32>
      tpu.vector_store %arg6[%swap3A, %swap3A_47], %swap3A_50 {strides = array<i32>} : memref<125x80xi32, #tpu.memory_space<vmem>>, vector<1x16xi32>,
      %swap3A_51 = arith.index_cast %add3A_34 : i32 to index
      %swap3A_52 = arith.constant 0 : index
      %swap3A_53 = tpu.vector_load %arg7[%swap3A_51, %swap3A_52] {strides = array<i32>} : memref<125x80xi32, #tpu.memory_space<vmem>>, vector<1x16xi32>,
      %swap3A_54 = vector.shape_cast %swap3A_53 : vector<1x16xi32> to vector<16xi32>
      %swap3A_55 = vector.shape_cast %shift_right_logical3A_39 : vector<16xi32> to vector<1x16xi32>
      tpu.vector_store %arg7[%swap3A_51, %swap3A_52], %swap3A_55 {strides = array<i32>} : memref<125x80xi32, #tpu.memory_space<vmem>>, vector<1x16xi32>,
      %get3A_56 = arith.index_cast %add3A_34 : i32 to index
      %get3A_57 = arith.constant 16 : index
      %get3A_58 = tpu.vector_load %arg7[%get3A_56, %get3A_57] {strides = array<i32>} : memref<125x80xi32, #tpu.memory_space<vmem>>, vector<1x16xi32>,
      %get3A_59 = vector.shape_cast %get3A_58 : vector<1x16xi32> to vector<16xi32>
      %shift_right_logical3A_60 = arith.constant 7 : i32
      %shift_right_logical3A_61 = vector.broadcast %shift_right_logical3A_60 : i32 to vector<16xi32>
      %shift_right_logical3A_62 = arith.shrui %get3A_59, %shift_right_logical3A_61 : vector<16xi32>
      %mul3A_63 = arith.constant 128 : i32
      %mul3A_64 = vector.broadcast %mul3A_63 : i32 to vector<16xi32>
      %mul3A_65 = arith.muli %shift_right_logical3A_62, %mul3A_64 : vector<16xi32>
      %sub3A_66 = arith.subi %get3A_59, %mul3A_65 : vector<16xi32>
      %mul3A_67 = arith.constant 128 : i32
      %mul3A_68 = arith.muli %add3A, %mul3A_67 : i32
      %add3A_69 = vector.broadcast %mul3A_68 : i32 to vector<16xi32>
      %add3A_70 = arith.addi %sub3A_66, %add3A_69 : vector<16xi32>
      %swap3A_71 = arith.index_cast %add3A_34 : i32 to index
      %swap3A_72 = arith.constant 16 : index
      %swap3A_73 = tpu.vector_load %arg6[%swap3A_71, %swap3A_72] {strides = array<i32>} : memref<125x80xi32, #tpu.memory_space<vmem>>, vector<1x16xi32>,
      %swap3A_74 = vector.shape_cast %swap3A_73 : vector<1x16xi32> to vector<16xi32>
      %swap3A_75 = vector.shape_cast %add3A_70 : vector<16xi32> to vector<1x16xi32>
      tpu.vector_store %arg6[%swap3A_71, %swap3A_72], %swap3A_75 {strides = array<i32>} : memref<125x80xi32, #tpu.memory_space<vmem>>, vector<1x16xi32>,
      %swap3A_76 = arith.index_cast %add3A_34 : i32 to index
      %swap3A_77 = arith.constant 16 : index
      %swap3A_78 = tpu.vector_load %arg7[%swap3A_76, %swap3A_77] {strides = array<i32>} : memref<125x80xi32, #tpu.memory_space<vmem>>, vector<1x16xi32>,
      %swap3A_79 = vector.shape_cast %swap3A_78 : vector<1x16xi32> to vector<16xi32>
      %swap3A_80 = vector.shape_cast %shift_right_logical3A_62 : vector<16xi32> to vector<1x16xi32>
      tpu.vector_store %arg7[%swap3A_76, %swap3A_77], %swap3A_80 {strides = array<i32>} : memref<125x80xi32, #tpu.memory_space<vmem>>, vector<1x16xi32>,
      %get3A_81 = arith.index_cast %add3A_34 : i32 to index
      %get3A_82 = arith.constant 32 : index
      %get3A_83 = tpu.vector_load %arg7[%get3A_81, %get3A_82] {strides = array<i32>} : memref<125x80xi32, #tpu.memory_space<vmem>>, vector<1x16xi32>,
      %get3A_84 = vector.shape_cast %get3A_83 : vector<1x16xi32> to vector<16xi32>
      %shift_right_logical3A_85 = arith.constant 7 : i32
      %shift_right_logical3A_86 = vector.broadcast %shift_right_logical3A_85 : i32 to vector<16xi32>
      %shift_right_logical3A_87 = arith.shrui %get3A_84, %shift_right_logical3A_86 : vector<16xi32>
      %mul3A_88 = arith.constant 128 : i32
      %mul3A_89 = vector.broadcast %mul3A_88 : i32 to vector<16xi32>
      %mul3A_90 = arith.muli %shift_right_logical3A_87, %mul3A_89 : vector<16xi32>
      %sub3A_91 = arith.subi %get3A_84, %mul3A_90 : vector<16xi32>
      %mul3A_92 = arith.constant 128 : i32
      %mul3A_93 = arith.muli %add3A, %mul3A_92 : i32
      %add3A_94 = vector.broadcast %mul3A_93 : i32 to vector<16xi32>
      %add3A_95 = arith.addi %sub3A_91, %add3A_94 : vector<16xi32>
      %swap3A_96 = arith.index_cast %add3A_34 : i32 to index
      %swap3A_97 = arith.constant 32 : index
      %swap3A_98 = tpu.vector_load %arg6[%swap3A_96, %swap3A_97] {strides = array<i32>} : memref<125x80xi32, #tpu.memory_space<vmem>>, vector<1x16xi32>,
      %swap3A_99 = vector.shape_cast %swap3A_98 : vector<1x16xi32> to vector<16xi32>
      %swap3A_100 = vector.shape_cast %add3A_95 : vector<16xi32> to vector<1x16xi32>
      tpu.vector_store %arg6[%swap3A_96, %swap3A_97], %swap3A_100 {strides = array<i32>} : memref<125x80xi32, #tpu.memory_space<vmem>>, vector<1x16xi32>,
      %swap3A_101 = arith.index_cast %add3A_34 : i32 to index
      %swap3A_102 = arith.constant 32 : index
      %swap3A_103 = tpu.vector_load %arg7[%swap3A_101, %swap3A_102] {strides = array<i32>} : memref<125x80xi32, #tpu.memory_space<vmem>>, vector<1x16xi32>,
      %swap3A_104 = vector.shape_cast %swap3A_103 : vector<1x16xi32> to vector<16xi32>
      %swap3A_105 = vector.shape_cast %shift_right_logical3A_87 : vector<16xi32> to vector<1x16xi32>
      tpu.vector_store %arg7[%swap3A_101, %swap3A_102], %swap3A_105 {strides = array<i32>} : memref<125x80xi32, #tpu.memory_space<vmem>>, vector<1x16xi32>,
      %get3A_106 = arith.index_cast %add3A_34 : i32 to index
      %get3A_107 = arith.constant 48 : index
      %get3A_108 = tpu.vector_load %arg7[%get3A_106, %get3A_107] {strides = array<i32>} : memref<125x80xi32, #tpu.memory_space<vmem>>, vector<1x16xi32>,
      %get3A_109 = vector.shape_cast %get3A_108 : vector<1x16xi32> to vector<16xi32>
      %shift_right_logical3A_110 = arith.constant 7 : i32
      %shift_right_logical3A_111 = vector.broadcast %shift_right_logical3A_110 : i32 to vector<16xi32>
      %shift_right_logical3A_112 = arith.shrui %get3A_109, %shift_right_logical3A_111 : vector<16xi32>
      %mul3A_113 = arith.constant 128 : i32
      %mul3A_114 = vector.broadcast %mul3A_113 : i32 to vector<16xi32>
      %mul3A_115 = arith.muli %shift_right_logical3A_112, %mul3A_114 : vector<16xi32>
      %sub3A_116 = arith.subi %get3A_109, %mul3A_115 : vector<16xi32>
      %mul3A_117 = arith.constant 128 : i32
      %mul3A_118 = arith.muli %add3A, %mul3A_117 : i32
      %add3A_119 = vector.broadcast %mul3A_118 : i32 to vector<16xi32>
      %add3A_120 = arith.addi %sub3A_116, %add3A_119 : vector<16xi32>
      %swap3A_121 = arith.index_cast %add3A_34 : i32 to index
      %swap3A_122 = arith.constant 48 : index
      %swap3A_123 = tpu.vector_load %arg6[%swap3A_121, %swap3A_122] {strides = array<i32>} : memref<125x80xi32, #tpu.memory_space<vmem>>, vector<1x16xi32>,
      %swap3A_124 = vector.shape_cast %swap3A_123 : vector<1x16xi32> to vector<16xi32>
      %swap3A_125 = vector.shape_cast %add3A_120 : vector<16xi32> to vector<1x16xi32>
      tpu.vector_store %arg6[%swap3A_121, %swap3A_122], %swap3A_125 {strides = array<i32>} : memref<125x80xi32, #tpu.memory_space<vmem>>, vector<1x16xi32>,
      %swap3A_126 = arith.index_cast %add3A_34 : i32 to index
      %swap3A_127 = arith.constant 48 : index
      %swap3A_128 = tpu.vector_load %arg7[%swap3A_126, %swap3A_127] {strides = array<i32>} : memref<125x80xi32, #tpu.memory_space<vmem>>, vector<1x16xi32>,
      %swap3A_129 = vector.shape_cast %swap3A_128 : vector<1x16xi32> to vector<16xi32>
      %swap3A_130 = vector.shape_cast %shift_right_logical3A_112 : vector<16xi32> to vector<1x16xi32>
      tpu.vector_store %arg7[%swap3A_126, %swap3A_127], %swap3A_130 {strides = array<i32>} : memref<125x80xi32, #tpu.memory_space<vmem>>, vector<1x16xi32>,
      %get3A_131 = arith.index_cast %add3A_34 : i32 to index
      %get3A_132 = arith.constant 64 : index
      %get3A_133 = tpu.vector_load %arg7[%get3A_131, %get3A_132] {strides = array<i32>} : memref<125x80xi32, #tpu.memory_space<vmem>>, vector<1x16xi32>,
      %get3A_134 = vector.shape_cast %get3A_133 : vector<1x16xi32> to vector<16xi32>
      %shift_right_logical3A_135 = arith.constant 7 : i32
      %shift_right_logical3A_136 = vector.broadcast %shift_right_logical3A_135 : i32 to vector<16xi32>
      %shift_right_logical3A_137 = arith.shrui %get3A_134, %shift_right_logical3A_136 : vector<16xi32>
      %mul3A_138 = arith.constant 128 : i32
      %mul3A_139 = vector.broadcast %mul3A_138 : i32 to vector<16xi32>
      %mul3A_140 = arith.muli %shift_right_logical3A_137, %mul3A_139 : vector<16xi32>
      %sub3A_141 = arith.subi %get3A_134, %mul3A_140 : vector<16xi32>
      %mul3A_142 = arith.constant 128 : i32
      %mul3A_143 = arith.muli %add3A, %mul3A_142 : i32
      %add3A_144 = vector.broadcast %mul3A_143 : i32 to vector<16xi32>
      %add3A_145 = arith.addi %sub3A_141, %add3A_144 : vector<16xi32>
      %swap3A_146 = arith.index_cast %add3A_34 : i32 to index
      %swap3A_147 = arith.constant 64 : index
      %swap3A_148 = tpu.vector_load %arg6[%swap3A_146, %swap3A_147] {strides = array<i32>} : memref<125x80xi32, #tpu.memory_space<vmem>>, vector<1x16xi32>,
      %swap3A_149 = vector.shape_cast %swap3A_148 : vector<1x16xi32> to vector<16xi32>
      %swap3A_150 = vector.shape_cast %add3A_145 : vector<16xi32> to vector<1x16xi32>
      tpu.vector_store %arg6[%swap3A_146, %swap3A_147], %swap3A_150 {strides = array<i32>} : memref<125x80xi32, #tpu.memory_space<vmem>>, vector<1x16xi32>,
      %swap3A_151 = arith.index_cast %add3A_34 : i32 to index
      %swap3A_152 = arith.constant 64 : index
      %swap3A_153 = tpu.vector_load %arg7[%swap3A_151, %swap3A_152] {strides = array<i32>} : memref<125x80xi32, #tpu.memory_space<vmem>>, vector<1x16xi32>,
      %swap3A_154 = vector.shape_cast %swap3A_153 : vector<1x16xi32> to vector<16xi32>
      %swap3A_155 = vector.shape_cast %shift_right_logical3A_137 : vector<16xi32> to vector<1x16xi32>
      tpu.vector_store %arg7[%swap3A_151, %swap3A_152], %swap3A_155 {strides = array<i32>} : memref<125x80xi32, #tpu.memory_space<vmem>>, vector<1x16xi32>,
    }
    %scan3A_6 = arith.constant 125 : i32
    %barrier3A = arith.constant 0 : index
    tpu.barrier barrier_id(%barrier3A)
    %dma_start3A = arith.constant 0 : i32
    %dma_start3A_7 = arith.constant 0 : i32
    %dma_start3A_8 = tpu.memref_slice %arg6[%dma_start3A, %dma_start3A_7] : memref<125x80xi32, #tpu.memory_space<vmem>> -> memref<1x80xi32, #tpu.memory_space<vmem>>
    %dma_start3A_9 = tpu.memref_squeeze %dma_start3A_8 : memref<1x80xi32, #tpu.memory_space<vmem>> -> memref<80xi32, #tpu.memory_space<vmem>>
    %dma_start3A_10 = arith.constant 0 : i32
    %dma_start3A_11 = arith.constant 0 : i32
    %dma_start3A_12 = tpu.memref_slice %arg3[%dma_start3A_10, %dma_start3A_11] : memref<4096x128xf32, #tpu.memory_space<hbm>> -> memref<4096x128xf32, #tpu.memory_space<hbm>>
    tpu.enqueue_indirect_dma source(%dma_start3A_12 : memref<4096x128xf32, #tpu.memory_space<hbm>>) target(%arg8 : memref<80x128xf32, #tpu.memory_space<vmem>>) offsets(%dma_start3A_9 : memref<80xi32, #tpu.memory_space<vmem>>) semaphore(%arg11 : memref<!tpu.dma_semaphore, #tpu.memory_space<semaphore_mem>>)
    %scan3A_13 = arith.constant 0 : i32
    %scan3A_14 = arith.constant 62 : i32
    %scan3A_15 = arith.addi %scan3A_13, %scan3A_14 : i32
    %scan3A_16 = arith.constant 1 : i32
    scf.for %scan3A_30 = %scan3A_13 to %scan3A_15 step %scan3A_16  : i32 {
      %mul3A_31 = arith.constant 2 : i32
      %mul3A_32 = arith.muli %scan3A_30, %mul3A_31 : i32
      %add3A_33 = arith.constant 0 : i32
      %add3A_34 = arith.addi %add3A_33, %mul3A_32 : i32
      %add3A_35 = arith.constant 1 : i32
      %add3A_36 = arith.addi %add3A_34, %add3A_35 : i32
      %dma_start3A_37 = arith.constant 0 : i32
      %dma_start3A_38 = tpu.memref_slice %arg6[%add3A_36, %dma_start3A_37] : memref<125x80xi32, #tpu.memory_space<vmem>> -> memref<1x80xi32, #tpu.memory_space<vmem>>
      %dma_start3A_39 = tpu.memref_squeeze %dma_start3A_38 : memref<1x80xi32, #tpu.memory_space<vmem>> -> memref<80xi32, #tpu.memory_space<vmem>>
      %dma_start3A_40 = arith.constant 0 : i32
      %dma_start3A_41 = arith.constant 0 : i32
      %dma_start3A_42 = tpu.memref_slice %arg3[%dma_start3A_40, %dma_start3A_41] : memref<4096x128xf32, #tpu.memory_space<hbm>> -> memref<4096x128xf32, #tpu.memory_space<hbm>>
      tpu.enqueue_indirect_dma source(%dma_start3A_42 : memref<4096x128xf32, #tpu.memory_space<hbm>>) target(%arg9 : memref<80x128xf32, #tpu.memory_space<vmem>>) offsets(%dma_start3A_39 : memref<80xi32, #tpu.memory_space<vmem>>) semaphore(%arg12 : memref<!tpu.dma_semaphore, #tpu.memory_space<semaphore_mem>>)
      %dma_wait3A_43 = arith.constant 0 : i32
      %dma_wait3A_44 = tpu.memref_slice %arg6[%add3A_34, %dma_wait3A_43] : memref<125x80xi32, #tpu.memory_space<vmem>> -> memref<1x80xi32, #tpu.memory_space<vmem>>
      %dma_wait3A_45 = tpu.memref_squeeze %dma_wait3A_44 : memref<1x80xi32, #tpu.memory_space<vmem>> -> memref<80xi32, #tpu.memory_space<vmem>>
      %dma_wait3A_46 = arith.constant 0 : i32
      %dma_wait3A_47 = arith.constant 0 : i32
      %dma_wait3A_48 = tpu.memref_slice %arg3[%dma_wait3A_46, %dma_wait3A_47] : memref<4096x128xf32, #tpu.memory_space<hbm>> -> memref<4096x128xf32, #tpu.memory_space<hbm>>
      tpu.wait_indirect_dma semaphore(%arg11 : memref<!tpu.dma_semaphore, #tpu.memory_space<semaphore_mem>>) src(%dma_wait3A_48 : memref<4096x128xf32, #tpu.memory_space<hbm>>) dst(%arg8 : memref<80x128xf32, #tpu.memory_space<vmem>>)
      "tpu.region"() ({
        %run_scoped3A_67 = tpu.sem_alloc : memref<!tpu.dma_semaphore, #tpu.memory_space<semaphore_mem>>
        %dma_start3A_68 = arith.constant 0 : i32
        %dma_start3A_69 = tpu.memref_slice %arg7[%add3A_34, %dma_start3A_68] : memref<125x80xi32, #tpu.memory_space<vmem>> -> memref<1x80xi32, #tpu.memory_space<vmem>>
        %dma_start3A_70 = tpu.memref_squeeze %dma_start3A_69 : memref<1x80xi32, #tpu.memory_space<vmem>> -> memref<80xi32, #tpu.memory_space<vmem>>
        %dma_start3A_71 = arith.constant 0 : i32
        %dma_start3A_72 = arith.constant 0 : i32
        %dma_start3A_73 = tpu.memref_slice %arg10[%dma_start3A_71, %dma_start3A_72] : memref<80x128xf32, #tpu.memory_space<vmem_shared>> -> memref<80x128xf32, #tpu.memory_space<vmem_shared>>
        tpu.enqueue_indirect_dma source(%arg8 : memref<80x128xf32, #tpu.memory_space<vmem>>) target(%dma_start3A_73 : memref<80x128xf32, #tpu.memory_space<vmem_shared>>) offsets(%dma_start3A_70 : memref<80xi32, #tpu.memory_space<vmem>>) semaphore(%run_scoped3A_67 : memref<!tpu.dma_semaphore, #tpu.memory_space<semaphore_mem>>) {add = true}
        %dma_wait3A_74 = arith.constant 0 : i32
        %dma_wait3A_75 = tpu.memref_slice %arg7[%add3A_34, %dma_wait3A_74] : memref<125x80xi32, #tpu.memory_space<vmem>> -> memref<1x80xi32, #tpu.memory_space<vmem>>
        %dma_wait3A_76 = tpu.memref_squeeze %dma_wait3A_75 : memref<1x80xi32, #tpu.memory_space<vmem>> -> memref<80xi32, #tpu.memory_space<vmem>>
        %dma_wait3A_77 = arith.constant 0 : i32
        %dma_wait3A_78 = arith.constant 0 : i32
        %dma_wait3A_79 = tpu.memref_slice %arg10[%dma_wait3A_77, %dma_wait3A_78] : memref<80x128xf32, #tpu.memory_space<vmem_shared>> -> memref<80x128xf32, #tpu.memory_space<vmem_shared>>
        tpu.wait_indirect_dma semaphore(%run_scoped3A_67 : memref<!tpu.dma_semaphore, #tpu.memory_space<semaphore_mem>>) src(%arg8 : memref<80x128xf32, #tpu.memory_space<vmem>>) dst(%dma_wait3A_79 : memref<80x128xf32, #tpu.memory_space<vmem_shared>>)
        tpu.yield
      }) : () -> ()
      %add3A_49 = arith.constant 2 : i32
      %add3A_50 = arith.addi %add3A_34, %add3A_49 : i32
      %dma_start3A_51 = arith.constant 0 : i32
      %dma_start3A_52 = tpu.memref_slice %arg6[%add3A_50, %dma_start3A_51] : memref<125x80xi32, #tpu.memory_space<vmem>> -> memref<1x80xi32, #tpu.memory_space<vmem>>
      %dma_start3A_53 = tpu.memref_squeeze %dma_start3A_52 : memref<1x80xi32, #tpu.memory_space<vmem>> -> memref<80xi32, #tpu.memory_space<vmem>>
      %dma_start3A_54 = arith.constant 0 : i32
      %dma_start3A_55 = arith.constant 0 : i32
      %dma_start3A_56 = tpu.memref_slice %arg3[%dma_start3A_54, %dma_start3A_55] : memref<4096x128xf32, #tpu.memory_space<hbm>> -> memref<4096x128xf32, #tpu.memory_space<hbm>>
      tpu.enqueue_indirect_dma source(%dma_start3A_56 : memref<4096x128xf32, #tpu.memory_space<hbm>>) target(%arg8 : memref<80x128xf32, #tpu.memory_space<vmem>>) offsets(%dma_start3A_53 : memref<80xi32, #tpu.memory_space<vmem>>) semaphore(%arg11 : memref<!tpu.dma_semaphore, #tpu.memory_space<semaphore_mem>>)
      %add3A_57 = arith.constant 1 : i32
      %add3A_58 = arith.addi %add3A_34, %add3A_57 : i32
      %dma_wait3A_59 = arith.constant 0 : i32
      %dma_wait3A_60 = tpu.memref_slice %arg6[%add3A_58, %dma_wait3A_59] : memref<125x80xi32, #tpu.memory_space<vmem>> -> memref<1x80xi32, #tpu.memory_space<vmem>>
      %dma_wait3A_61 = tpu.memref_squeeze %dma_wait3A_60 : memref<1x80xi32, #tpu.memory_space<vmem>> -> memref<80xi32, #tpu.memory_space<vmem>>
      %dma_wait3A_62 = arith.constant 0 : i32
      %dma_wait3A_63 = arith.constant 0 : i32
      %dma_wait3A_64 = tpu.memref_slice %arg3[%dma_wait3A_62, %dma_wait3A_63] : memref<4096x128xf32, #tpu.memory_space<hbm>> -> memref<4096x128xf32, #tpu.memory_space<hbm>>
      tpu.wait_indirect_dma semaphore(%arg12 : memref<!tpu.dma_semaphore, #tpu.memory_space<semaphore_mem>>) src(%dma_wait3A_64 : memref<4096x128xf32, #tpu.memory_space<hbm>>) dst(%arg9 : memref<80x128xf32, #tpu.memory_space<vmem>>)
      %add3A_65 = arith.constant 1 : i32
      %add3A_66 = arith.addi %add3A_34, %add3A_65 : i32
      "tpu.region"() ({
        %run_scoped3A_67 = tpu.sem_alloc : memref<!tpu.dma_semaphore, #tpu.memory_space<semaphore_mem>>
        %dma_start3A_68 = arith.constant 0 : i32
        %dma_start3A_69 = tpu.memref_slice %arg7[%add3A_66, %dma_start3A_68] : memref<125x80xi32, #tpu.memory_space<vmem>> -> memref<1x80xi32, #tpu.memory_space<vmem>>
        %dma_start3A_70 = tpu.memref_squeeze %dma_start3A_69 : memref<1x80xi32, #tpu.memory_space<vmem>> -> memref<80xi32, #tpu.memory_space<vmem>>
        %dma_start3A_71 = arith.constant 0 : i32
        %dma_start3A_72 = arith.constant 0 : i32
        %dma_start3A_73 = tpu.memref_slice %arg10[%dma_start3A_71, %dma_start3A_72] : memref<80x128xf32, #tpu.memory_space<vmem_shared>> -> memref<80x128xf32, #tpu.memory_space<vmem_shared>>
        tpu.enqueue_indirect_dma source(%arg9 : memref<80x128xf32, #tpu.memory_space<vmem>>) target(%dma_start3A_73 : memref<80x128xf32, #tpu.memory_space<vmem_shared>>) offsets(%dma_start3A_70 : memref<80xi32, #tpu.memory_space<vmem>>) semaphore(%run_scoped3A_67 : memref<!tpu.dma_semaphore, #tpu.memory_space<semaphore_mem>>) {add = true}
        %dma_wait3A_74 = arith.constant 0 : i32
        %dma_wait3A_75 = tpu.memref_slice %arg7[%add3A_66, %dma_wait3A_74] : memref<125x80xi32, #tpu.memory_space<vmem>> -> memref<1x80xi32, #tpu.memory_space<vmem>>
        %dma_wait3A_76 = tpu.memref_squeeze %dma_wait3A_75 : memref<1x80xi32, #tpu.memory_space<vmem>> -> memref<80xi32, #tpu.memory_space<vmem>>
        %dma_wait3A_77 = arith.constant 0 : i32
        %dma_wait3A_78 = arith.constant 0 : i32
        %dma_wait3A_79 = tpu.memref_slice %arg10[%dma_wait3A_77, %dma_wait3A_78] : memref<80x128xf32, #tpu.memory_space<vmem_shared>> -> memref<80x128xf32, #tpu.memory_space<vmem_shared>>
        tpu.wait_indirect_dma semaphore(%run_scoped3A_67 : memref<!tpu.dma_semaphore, #tpu.memory_space<semaphore_mem>>) src(%arg9 : memref<80x128xf32, #tpu.memory_space<vmem>>) dst(%dma_wait3A_79 : memref<80x128xf32, #tpu.memory_space<vmem_shared>>)
        tpu.yield
      }) : () -> ()
    }
    %scan3A_17 = arith.constant 62 : i32
    %dma_wait3A = arith.constant 124 : i32
    %dma_wait3A_18 = arith.constant 0 : i32
    %dma_wait3A_19 = tpu.memref_slice %arg6[%dma_wait3A, %dma_wait3A_18] : memref<125x80xi32, #tpu.memory_space<vmem>> -> memref<1x80xi32, #tpu.memory_space<vmem>>
    %dma_wait3A_20 = tpu.memref_squeeze %dma_wait3A_19 : memref<1x80xi32, #tpu.memory_space<vmem>> -> memref<80xi32, #tpu.memory_space<vmem>>
    %dma_wait3A_21 = arith.constant 0 : i32
    %dma_wait3A_22 = arith.constant 0 : i32
    %dma_wait3A_23 = tpu.memref_slice %arg3[%dma_wait3A_21, %dma_wait3A_22] : memref<4096x128xf32, #tpu.memory_space<hbm>> -> memref<4096x128xf32, #tpu.memory_space<hbm>>
    tpu.wait_indirect_dma semaphore(%arg11 : memref<!tpu.dma_semaphore, #tpu.memory_space<semaphore_mem>>) src(%dma_wait3A_23 : memref<4096x128xf32, #tpu.memory_space<hbm>>) dst(%arg8 : memref<80x128xf32, #tpu.memory_space<vmem>>)
    %run_scoped3A = arith.constant 124 : i32
    "tpu.region"() ({
      %run_scoped3A_30 = tpu.sem_alloc : memref<!tpu.dma_semaphore, #tpu.memory_space<semaphore_mem>>
      %dma_start3A_31 = arith.constant 0 : i32
      %dma_start3A_32 = tpu.memref_slice %arg7[%run_scoped3A, %dma_start3A_31] : memref<125x80xi32, #tpu.memory_space<vmem>> -> memref<1x80xi32, #tpu.memory_space<vmem>>
      %dma_start3A_33 = tpu.memref_squeeze %dma_start3A_32 : memref<1x80xi32, #tpu.memory_space<vmem>> -> memref<80xi32, #tpu.memory_space<vmem>>
      %dma_start3A_34 = arith.constant 0 : i32
      %dma_start3A_35 = arith.constant 0 : i32
      %dma_start3A_36 = tpu.memref_slice %arg10[%dma_start3A_34, %dma_start3A_35] : memref<80x128xf32, #tpu.memory_space<vmem_shared>> -> memref<80x128xf32, #tpu.memory_space<vmem_shared>>
      tpu.enqueue_indirect_dma source(%arg8 : memref<80x128xf32, #tpu.memory_space<vmem>>) target(%dma_start3A_36 : memref<80x128xf32, #tpu.memory_space<vmem_shared>>) offsets(%dma_start3A_33 : memref<80xi32, #tpu.memory_space<vmem>>) semaphore(%run_scoped3A_30 : memref<!tpu.dma_semaphore, #tpu.memory_space<semaphore_mem>>) {add = true}
      %dma_wait3A_37 = arith.constant 0 : i32
      %dma_wait3A_38 = tpu.memref_slice %arg7[%run_scoped3A, %dma_wait3A_37] : memref<125x80xi32, #tpu.memory_space<vmem>> -> memref<1x80xi32, #tpu.memory_space<vmem>>
      %dma_wait3A_39 = tpu.memref_squeeze %dma_wait3A_38 : memref<1x80xi32, #tpu.memory_space<vmem>> -> memref<80xi32, #tpu.memory_space<vmem>>
      %dma_wait3A_40 = arith.constant 0 : i32
      %dma_wait3A_41 = arith.constant 0 : i32
      %dma_wait3A_42 = tpu.memref_slice %arg10[%dma_wait3A_40, %dma_wait3A_41] : memref<80x128xf32, #tpu.memory_space<vmem_shared>> -> memref<80x128xf32, #tpu.memory_space<vmem_shared>>
      tpu.wait_indirect_dma semaphore(%run_scoped3A_30 : memref<!tpu.dma_semaphore, #tpu.memory_space<semaphore_mem>>) src(%arg8 : memref<80x128xf32, #tpu.memory_space<vmem>>) dst(%dma_wait3A_42 : memref<80x128xf32, #tpu.memory_space<vmem_shared>>)
      tpu.yield
    }) : () -> ()
    %barrier3A_24 = arith.constant 0 : index
    tpu.barrier barrier_id(%barrier3A_24)
    %lt3A_25 = arith.constant 10 : i32
    %lt3A_26 = arith.cmpi slt, %arg1, %lt3A_25 : i32
    %convert_element_type3A_27 = arith.extui %lt3A_26 : i1 to i32
    %cond3A_28 = arith.constant 0 : i32
    %cond3A_29 = arith.cmpi ne, %convert_element_type3A_27, %cond3A_28 : i32
    scf.if %cond3A_29 {
      %mul3A_30 = arith.constant 8 : i32
      %mul3A_31 = arith.muli %arg1, %mul3A_30 : i32
      %mul3A_32 = arith.constant 8 : i32
      %mul3A_33 = arith.muli %arg1, %mul3A_32 : i32
      "tpu.region"() ({
        %run_scoped3A_34 = tpu.sem_alloc : memref<!tpu.dma_semaphore, #tpu.memory_space<semaphore_mem>>
        %dma_start3A_35 = arith.constant 0 : i32
        %dma_start3A_36 = tpu.memref_slice %arg5[%arg0, %mul3A_33, %dma_start3A_35] : memref<2x80x128xf32, #tpu.memory_space<hbm>> -> memref<1x8x128xf32, #tpu.memory_space<hbm>>
        %dma_start3A_37 = tpu.memref_squeeze %dma_start3A_36 : memref<1x8x128xf32, #tpu.memory_space<hbm>> -> memref<8x128xf32, #tpu.memory_space<hbm>>
        %dma_start3A_38 = arith.constant 0 : i32
        %dma_start3A_39 = tpu.memref_slice %arg10[%mul3A_31, %dma_start3A_38] : memref<80x128xf32, #tpu.memory_space<vmem_shared>> -> memref<8x128xf32, #tpu.memory_space<vmem_shared>>
        tpu.enqueue_dma source(%dma_start3A_39 : memref<8x128xf32, #tpu.memory_space<vmem_shared>>) target(%dma_start3A_37 : memref<8x128xf32, #tpu.memory_space<hbm>>) target_semaphore(%run_scoped3A_34 : memref<!tpu.dma_semaphore, #tpu.memory_space<semaphore_mem>>)
        %dma_wait3A_40 = arith.constant 0 : i32
        %dma_wait3A_41 = tpu.memref_slice %arg5[%arg0, %mul3A_33, %dma_wait3A_40] : memref<2x80x128xf32, #tpu.memory_space<hbm>> -> memref<1x8x128xf32, #tpu.memory_space<hbm>>
        %dma_wait3A_42 = tpu.memref_squeeze %dma_wait3A_41 : memref<1x8x128xf32, #tpu.memory_space<hbm>> -> memref<8x128xf32, #tpu.memory_space<hbm>>
        %dma_wait3A_43 = arith.constant 0 : i32
        %dma_wait3A_44 = tpu.memref_slice %arg10[%mul3A_31, %dma_wait3A_43] : memref<80x128xf32, #tpu.memory_space<vmem_shared>> -> memref<8x128xf32, #tpu.memory_space<vmem_shared>>
        tpu.wait_dma2 semaphore(%run_scoped3A_34 : memref<!tpu.dma_semaphore, #tpu.memory_space<semaphore_mem>>) src(%dma_wait3A_44 : memref<8x128xf32, #tpu.memory_space<vmem_shared>>) dst(%dma_wait3A_42 : memref<8x128xf32, #tpu.memory_space<hbm>>)
        tpu.yield
      }) : () -> ()
    } else {
    }
    return
  }
}

#map = affine_map<(d0, d1) -> (0, 0, 0)>
#map1 = affine_map<(d0, d1) -> (0, 0)>
module attributes {stable_mosaic.version = 14 : i64} {
  func.func @agg8_kernel(%arg0: i32, %arg1: i32, %arg2: memref<32x125x80xi32, #tpu.memory_space<hbm>>, %arg3: memref<32x125x80xi32, #tpu.memory_space<hbm>>, %arg4: memref<80000x128xf32, #tpu.memory_space<hbm>>, %arg5: memref<5008x128xf32, #tpu.memory_space<hbm>>, %arg6: memref<2x1256x128xf32, #tpu.memory_space<hbm>>, %arg7: memref<125x80xi32, #tpu.memory_space<vmem>>, %arg8: memref<125x80xi32, #tpu.memory_space<vmem>>, %arg9: memref<80x128xf32, #tpu.memory_space<vmem>>, %arg10: memref<80x128xf32, #tpu.memory_space<vmem>>, %arg11: memref<1256x128xf32, #tpu.memory_space<vmem_shared>>, %arg12: memref<!tpu.dma_semaphore, #tpu.memory_space<semaphore_mem>>, %arg13: memref<!tpu.dma_semaphore, #tpu.memory_space<semaphore_mem>>) attributes {dimension_semantics = [#tpu.dimension_semantics<core_parallel>, #tpu.dimension_semantics<subcore_parallel>], iteration_bounds = array<i64: 2, 16>, scalar_prefetch = 0 : i64, scratch_operands = 7 : i64, tpu.core_type = #tpu.core_type<sc_vector_subcore>, window_params = [{transform_indices = #map}, {transform_indices = #map}, {transform_indices = #map1}, {transform_indices = #map1}, {transform_indices = #map}]} {
    %mul3A = arith.constant 16 : i32
    %mul3A_0 = arith.muli %arg0, %mul3A : i32
    %add3A = arith.addi %mul3A_0, %arg1 : i32
    %lt3A = arith.constant 15 : i32
    %lt3A_1 = arith.cmpi slt, %arg1, %lt3A : i32
    %convert_element_type3A = arith.extui %lt3A_1 : i1 to i32
    %cond3A = arith.constant 0 : i32
    %cond3A_2 = arith.cmpi ne, %convert_element_type3A, %cond3A : i32
    scf.if %cond3A_2 {
      %mul3A_39 = arith.constant 80 : i32
      %mul3A_40 = arith.muli %arg1, %mul3A_39 : i32
      %mul3A_41 = arith.constant 80 : i32
      %mul3A_42 = arith.muli %arg1, %mul3A_41 : i32
      "tpu.region"() ({
        %run_scoped3A_43 = tpu.sem_alloc : memref<!tpu.dma_semaphore, #tpu.memory_space<semaphore_mem>>
        %dma_start3A_44 = arith.constant 0 : i32
        %dma_start3A_45 = tpu.memref_slice %arg11[%mul3A_42, %dma_start3A_44] : memref<1256x128xf32, #tpu.memory_space<vmem_shared>> -> memref<80x128xf32, #tpu.memory_space<vmem_shared>>
        %dma_start3A_46 = arith.constant 0 : i32
        %dma_start3A_47 = tpu.memref_slice %arg5[%mul3A_40, %dma_start3A_46] : memref<5008x128xf32, #tpu.memory_space<hbm>> -> memref<80x128xf32, #tpu.memory_space<hbm>>
        tpu.enqueue_dma source(%dma_start3A_47 : memref<80x128xf32, #tpu.memory_space<hbm>>) target(%dma_start3A_45 : memref<80x128xf32, #tpu.memory_space<vmem_shared>>) target_semaphore(%run_scoped3A_43 : memref<!tpu.dma_semaphore, #tpu.memory_space<semaphore_mem>>)
        %dma_wait3A_48 = arith.constant 0 : i32
        %dma_wait3A_49 = tpu.memref_slice %arg11[%mul3A_42, %dma_wait3A_48] : memref<1256x128xf32, #tpu.memory_space<vmem_shared>> -> memref<80x128xf32, #tpu.memory_space<vmem_shared>>
        %dma_wait3A_50 = arith.constant 0 : i32
        %dma_wait3A_51 = tpu.memref_slice %arg5[%mul3A_40, %dma_wait3A_50] : memref<5008x128xf32, #tpu.memory_space<hbm>> -> memref<80x128xf32, #tpu.memory_space<hbm>>
        tpu.wait_dma2 semaphore(%run_scoped3A_43 : memref<!tpu.dma_semaphore, #tpu.memory_space<semaphore_mem>>) src(%dma_wait3A_51 : memref<80x128xf32, #tpu.memory_space<hbm>>) dst(%dma_wait3A_49 : memref<80x128xf32, #tpu.memory_space<vmem_shared>>)
        tpu.yield
      }) : () -> ()
    } else {
    }
    %eq3A = arith.constant 15 : i32
    %eq3A_3 = arith.cmpi eq, %arg1, %eq3A : i32
    %convert_element_type3A_4 = arith.extui %eq3A_3 : i1 to i32
    %cond3A_5 = arith.constant 0 : i32
    %cond3A_6 = arith.cmpi ne, %convert_element_type3A_4, %cond3A_5 : i32
    scf.if %cond3A_6 {
      "tpu.region"() ({
        %run_scoped3A_39 = tpu.sem_alloc : memref<!tpu.dma_semaphore, #tpu.memory_space<semaphore_mem>>
        %dma_start3A_40 = arith.constant 1200 : i32
        %dma_start3A_41 = arith.constant 0 : i32
        %dma_start3A_42 = tpu.memref_slice %arg11[%dma_start3A_40, %dma_start3A_41] : memref<1256x128xf32, #tpu.memory_space<vmem_shared>> -> memref<56x128xf32, #tpu.memory_space<vmem_shared>>
        %dma_start3A_43 = arith.constant 1200 : i32
        %dma_start3A_44 = arith.constant 0 : i32
        %dma_start3A_45 = tpu.memref_slice %arg5[%dma_start3A_43, %dma_start3A_44] : memref<5008x128xf32, #tpu.memory_space<hbm>> -> memref<56x128xf32, #tpu.memory_space<hbm>>
        tpu.enqueue_dma source(%dma_start3A_45 : memref<56x128xf32, #tpu.memory_space<hbm>>) target(%dma_start3A_42 : memref<56x128xf32, #tpu.memory_space<vmem_shared>>) target_semaphore(%run_scoped3A_39 : memref<!tpu.dma_semaphore, #tpu.memory_space<semaphore_mem>>)
        %dma_wait3A_46 = arith.constant 1200 : i32
        %dma_wait3A_47 = arith.constant 0 : i32
        %dma_wait3A_48 = tpu.memref_slice %arg11[%dma_wait3A_46, %dma_wait3A_47] : memref<1256x128xf32, #tpu.memory_space<vmem_shared>> -> memref<56x128xf32, #tpu.memory_space<vmem_shared>>
        %dma_wait3A_49 = arith.constant 1200 : i32
        %dma_wait3A_50 = arith.constant 0 : i32
        %dma_wait3A_51 = tpu.memref_slice %arg5[%dma_wait3A_49, %dma_wait3A_50] : memref<5008x128xf32, #tpu.memory_space<hbm>> -> memref<56x128xf32, #tpu.memory_space<hbm>>
        tpu.wait_dma2 semaphore(%run_scoped3A_39 : memref<!tpu.dma_semaphore, #tpu.memory_space<semaphore_mem>>) src(%dma_wait3A_51 : memref<56x128xf32, #tpu.memory_space<hbm>>) dst(%dma_wait3A_48 : memref<56x128xf32, #tpu.memory_space<vmem_shared>>)
        tpu.yield
      }) : () -> ()
    } else {
    }
    "tpu.region"() ({
      %run_scoped3A_39 = tpu.sem_alloc : memref<!tpu.dma_semaphore, #tpu.memory_space<semaphore_mem>>
      %dma_start3A_40 = arith.constant 0 : i32
      %dma_start3A_41 = arith.constant 0 : i32
      %dma_start3A_42 = tpu.memref_slice %arg2[%add3A, %dma_start3A_40, %dma_start3A_41] : memref<32x125x80xi32, #tpu.memory_space<hbm>> -> memref<1x125x80xi32, #tpu.memory_space<hbm>>
      %dma_start3A_43 = tpu.memref_squeeze %dma_start3A_42 : memref<1x125x80xi32, #tpu.memory_space<hbm>> -> memref<125x80xi32, #tpu.memory_space<hbm>>
      %dma_start3A_44 = arith.constant 0 : i32
      %dma_start3A_45 = arith.constant 0 : i32
      %dma_start3A_46 = tpu.memref_slice %arg2[%add3A, %dma_start3A_44, %dma_start3A_45] : memref<32x125x80xi32, #tpu.memory_space<hbm>> -> memref<1x125x80xi32, #tpu.memory_space<hbm>>
      %dma_start3A_47 = tpu.memref_squeeze %dma_start3A_46 : memref<1x125x80xi32, #tpu.memory_space<hbm>> -> memref<125x80xi32, #tpu.memory_space<hbm>>
      tpu.enqueue_dma source(%dma_start3A_47 : memref<125x80xi32, #tpu.memory_space<hbm>>) target(%arg7 : memref<125x80xi32, #tpu.memory_space<vmem>>) target_semaphore(%run_scoped3A_39 : memref<!tpu.dma_semaphore, #tpu.memory_space<semaphore_mem>>)
      %dma_wait3A_48 = arith.constant 0 : i32
      %dma_wait3A_49 = arith.constant 0 : i32
      %dma_wait3A_50 = tpu.memref_slice %arg2[%add3A, %dma_wait3A_48, %dma_wait3A_49] : memref<32x125x80xi32, #tpu.memory_space<hbm>> -> memref<1x125x80xi32, #tpu.memory_space<hbm>>
      %dma_wait3A_51 = tpu.memref_squeeze %dma_wait3A_50 : memref<1x125x80xi32, #tpu.memory_space<hbm>> -> memref<125x80xi32, #tpu.memory_space<hbm>>
      %dma_wait3A_52 = arith.constant 0 : i32
      %dma_wait3A_53 = arith.constant 0 : i32
      %dma_wait3A_54 = tpu.memref_slice %arg2[%add3A, %dma_wait3A_52, %dma_wait3A_53] : memref<32x125x80xi32, #tpu.memory_space<hbm>> -> memref<1x125x80xi32, #tpu.memory_space<hbm>>
      %dma_wait3A_55 = tpu.memref_squeeze %dma_wait3A_54 : memref<1x125x80xi32, #tpu.memory_space<hbm>> -> memref<125x80xi32, #tpu.memory_space<hbm>>
      tpu.wait_dma2 semaphore(%run_scoped3A_39 : memref<!tpu.dma_semaphore, #tpu.memory_space<semaphore_mem>>) src(%dma_wait3A_55 : memref<125x80xi32, #tpu.memory_space<hbm>>) dst(%arg7 : memref<125x80xi32, #tpu.memory_space<vmem>>)
      tpu.yield
    }) : () -> ()
    "tpu.region"() ({
      %run_scoped3A_39 = tpu.sem_alloc : memref<!tpu.dma_semaphore, #tpu.memory_space<semaphore_mem>>
      %dma_start3A_40 = arith.constant 0 : i32
      %dma_start3A_41 = arith.constant 0 : i32
      %dma_start3A_42 = tpu.memref_slice %arg3[%add3A, %dma_start3A_40, %dma_start3A_41] : memref<32x125x80xi32, #tpu.memory_space<hbm>> -> memref<1x125x80xi32, #tpu.memory_space<hbm>>
      %dma_start3A_43 = tpu.memref_squeeze %dma_start3A_42 : memref<1x125x80xi32, #tpu.memory_space<hbm>> -> memref<125x80xi32, #tpu.memory_space<hbm>>
      %dma_start3A_44 = arith.constant 0 : i32
      %dma_start3A_45 = arith.constant 0 : i32
      %dma_start3A_46 = tpu.memref_slice %arg3[%add3A, %dma_start3A_44, %dma_start3A_45] : memref<32x125x80xi32, #tpu.memory_space<hbm>> -> memref<1x125x80xi32, #tpu.memory_space<hbm>>
      %dma_start3A_47 = tpu.memref_squeeze %dma_start3A_46 : memref<1x125x80xi32, #tpu.memory_space<hbm>> -> memref<125x80xi32, #tpu.memory_space<hbm>>
      tpu.enqueue_dma source(%dma_start3A_47 : memref<125x80xi32, #tpu.memory_space<hbm>>) target(%arg8 : memref<125x80xi32, #tpu.memory_space<vmem>>) target_semaphore(%run_scoped3A_39 : memref<!tpu.dma_semaphore, #tpu.memory_space<semaphore_mem>>)
      %dma_wait3A_48 = arith.constant 0 : i32
      %dma_wait3A_49 = arith.constant 0 : i32
      %dma_wait3A_50 = tpu.memref_slice %arg3[%add3A, %dma_wait3A_48, %dma_wait3A_49] : memref<32x125x80xi32, #tpu.memory_space<hbm>> -> memref<1x125x80xi32, #tpu.memory_space<hbm>>
      %dma_wait3A_51 = tpu.memref_squeeze %dma_wait3A_50 : memref<1x125x80xi32, #tpu.memory_space<hbm>> -> memref<125x80xi32, #tpu.memory_space<hbm>>
      %dma_wait3A_52 = arith.constant 0 : i32
      %dma_wait3A_53 = arith.constant 0 : i32
      %dma_wait3A_54 = tpu.memref_slice %arg3[%add3A, %dma_wait3A_52, %dma_wait3A_53] : memref<32x125x80xi32, #tpu.memory_space<hbm>> -> memref<1x125x80xi32, #tpu.memory_space<hbm>>
      %dma_wait3A_55 = tpu.memref_squeeze %dma_wait3A_54 : memref<1x125x80xi32, #tpu.memory_space<hbm>> -> memref<125x80xi32, #tpu.memory_space<hbm>>
      tpu.wait_dma2 semaphore(%run_scoped3A_39 : memref<!tpu.dma_semaphore, #tpu.memory_space<semaphore_mem>>) src(%dma_wait3A_55 : memref<125x80xi32, #tpu.memory_space<hbm>>) dst(%arg8 : memref<125x80xi32, #tpu.memory_space<vmem>>)
      tpu.yield
    }) : () -> ()
    %scan3A = arith.constant 0 : i32
    %scan3A_7 = arith.constant 125 : i32
    %scan3A_8 = arith.addi %scan3A, %scan3A_7 : i32
    %scan3A_9 = arith.constant 1 : i32
    scf.for %scan3A_39 = %scan3A to %scan3A_8 step %scan3A_9  : i32 {
      %mul3A_40 = arith.constant 1 : i32
      %mul3A_41 = arith.muli %scan3A_39, %mul3A_40 : i32
      %add3A_42 = arith.constant 0 : i32
      %add3A_43 = arith.addi %add3A_42, %mul3A_41 : i32
      %get3A = arith.index_cast %add3A_43 : i32 to index
      %get3A_44 = arith.constant 0 : index
      %get3A_45 = tpu.vector_load %arg8[%get3A, %get3A_44] {strides = array<i32>} : memref<125x80xi32, #tpu.memory_space<vmem>>, vector<1x16xi32>,
      %get3A_46 = vector.shape_cast %get3A_45 : vector<1x16xi32> to vector<16xi32>
      %shift_right_logical3A = arith.constant 3 : i32
      %shift_right_logical3A_47 = vector.broadcast %shift_right_logical3A : i32 to vector<16xi32>
      %shift_right_logical3A_48 = arith.shrui %get3A_46, %shift_right_logical3A_47 : vector<16xi32>
      %mul3A_49 = arith.constant 8 : i32
      %mul3A_50 = vector.broadcast %mul3A_49 : i32 to vector<16xi32>
      %mul3A_51 = arith.muli %shift_right_logical3A_48, %mul3A_50 : vector<16xi32>
      %sub3A = arith.subi %get3A_46, %mul3A_51 : vector<16xi32>
      %mul3A_52 = arith.constant 10000 : i32
      %mul3A_53 = vector.broadcast %mul3A_52 : i32 to vector<16xi32>
      %mul3A_54 = arith.muli %sub3A, %mul3A_53 : vector<16xi32>
      %get3A_55 = arith.index_cast %add3A_43 : i32 to index
      %get3A_56 = arith.constant 0 : index
      %get3A_57 = tpu.vector_load %arg7[%get3A_55, %get3A_56] {strides = array<i32>} : memref<125x80xi32, #tpu.memory_space<vmem>>, vector<1x16xi32>,
      %get3A_58 = vector.shape_cast %get3A_57 : vector<1x16xi32> to vector<16xi32>
      %add3A_59 = arith.addi %mul3A_54, %get3A_58 : vector<16xi32>
      %swap3A = arith.index_cast %add3A_43 : i32 to index
      %swap3A_60 = arith.constant 0 : index
      %swap3A_61 = tpu.vector_load %arg7[%swap3A, %swap3A_60] {strides = array<i32>} : memref<125x80xi32, #tpu.memory_space<vmem>>, vector<1x16xi32>,
      %swap3A_62 = vector.shape_cast %swap3A_61 : vector<1x16xi32> to vector<16xi32>
      %swap3A_63 = vector.shape_cast %add3A_59 : vector<16xi32> to vector<1x16xi32>
      tpu.vector_store %arg7[%swap3A, %swap3A_60], %swap3A_63 {strides = array<i32>} : memref<125x80xi32, #tpu.memory_space<vmem>>, vector<1x16xi32>,
      %swap3A_64 = arith.index_cast %add3A_43 : i32 to index
      %swap3A_65 = arith.constant 0 : index
      %swap3A_66 = tpu.vector_load %arg8[%swap3A_64, %swap3A_65] {strides = array<i32>} : memref<125x80xi32, #tpu.memory_space<vmem>>, vector<1x16xi32>,
      %swap3A_67 = vector.shape_cast %swap3A_66 : vector<1x16xi32> to vector<16xi32>
      %swap3A_68 = vector.shape_cast %shift_right_logical3A_48 : vector<16xi32> to vector<1x16xi32>
      tpu.vector_store %arg8[%swap3A_64, %swap3A_65], %swap3A_68 {strides = array<i32>} : memref<125x80xi32, #tpu.memory_space<vmem>>, vector<1x16xi32>,
      %get3A_69 = arith.index_cast %add3A_43 : i32 to index
      %get3A_70 = arith.constant 16 : index
      %get3A_71 = tpu.vector_load %arg8[%get3A_69, %get3A_70] {strides = array<i32>} : memref<125x80xi32, #tpu.memory_space<vmem>>, vector<1x16xi32>,
      %get3A_72 = vector.shape_cast %get3A_71 : vector<1x16xi32> to vector<16xi32>
      %shift_right_logical3A_73 = arith.constant 3 : i32
      %shift_right_logical3A_74 = vector.broadcast %shift_right_logical3A_73 : i32 to vector<16xi32>
      %shift_right_logical3A_75 = arith.shrui %get3A_72, %shift_right_logical3A_74 : vector<16xi32>
      %mul3A_76 = arith.constant 8 : i32
      %mul3A_77 = vector.broadcast %mul3A_76 : i32 to vector<16xi32>
      %mul3A_78 = arith.muli %shift_right_logical3A_75, %mul3A_77 : vector<16xi32>
      %sub3A_79 = arith.subi %get3A_72, %mul3A_78 : vector<16xi32>
      %mul3A_80 = arith.constant 10000 : i32
      %mul3A_81 = vector.broadcast %mul3A_80 : i32 to vector<16xi32>
      %mul3A_82 = arith.muli %sub3A_79, %mul3A_81 : vector<16xi32>
      %get3A_83 = arith.index_cast %add3A_43 : i32 to index
      %get3A_84 = arith.constant 16 : index
      %get3A_85 = tpu.vector_load %arg7[%get3A_83, %get3A_84] {strides = array<i32>} : memref<125x80xi32, #tpu.memory_space<vmem>>, vector<1x16xi32>,
      %get3A_86 = vector.shape_cast %get3A_85 : vector<1x16xi32> to vector<16xi32>
      %add3A_87 = arith.addi %mul3A_82, %get3A_86 : vector<16xi32>
      %swap3A_88 = arith.index_cast %add3A_43 : i32 to index
      %swap3A_89 = arith.constant 16 : index
      %swap3A_90 = tpu.vector_load %arg7[%swap3A_88, %swap3A_89] {strides = array<i32>} : memref<125x80xi32, #tpu.memory_space<vmem>>, vector<1x16xi32>,
      %swap3A_91 = vector.shape_cast %swap3A_90 : vector<1x16xi32> to vector<16xi32>
      %swap3A_92 = vector.shape_cast %add3A_87 : vector<16xi32> to vector<1x16xi32>
      tpu.vector_store %arg7[%swap3A_88, %swap3A_89], %swap3A_92 {strides = array<i32>} : memref<125x80xi32, #tpu.memory_space<vmem>>, vector<1x16xi32>,
      %swap3A_93 = arith.index_cast %add3A_43 : i32 to index
      %swap3A_94 = arith.constant 16 : index
      %swap3A_95 = tpu.vector_load %arg8[%swap3A_93, %swap3A_94] {strides = array<i32>} : memref<125x80xi32, #tpu.memory_space<vmem>>, vector<1x16xi32>,
      %swap3A_96 = vector.shape_cast %swap3A_95 : vector<1x16xi32> to vector<16xi32>
      %swap3A_97 = vector.shape_cast %shift_right_logical3A_75 : vector<16xi32> to vector<1x16xi32>
      tpu.vector_store %arg8[%swap3A_93, %swap3A_94], %swap3A_97 {strides = array<i32>} : memref<125x80xi32, #tpu.memory_space<vmem>>, vector<1x16xi32>,
      %get3A_98 = arith.index_cast %add3A_43 : i32 to index
      %get3A_99 = arith.constant 32 : index
      %get3A_100 = tpu.vector_load %arg8[%get3A_98, %get3A_99] {strides = array<i32>} : memref<125x80xi32, #tpu.memory_space<vmem>>, vector<1x16xi32>,
      %get3A_101 = vector.shape_cast %get3A_100 : vector<1x16xi32> to vector<16xi32>
      %shift_right_logical3A_102 = arith.constant 3 : i32
      %shift_right_logical3A_103 = vector.broadcast %shift_right_logical3A_102 : i32 to vector<16xi32>
      %shift_right_logical3A_104 = arith.shrui %get3A_101, %shift_right_logical3A_103 : vector<16xi32>
      %mul3A_105 = arith.constant 8 : i32
      %mul3A_106 = vector.broadcast %mul3A_105 : i32 to vector<16xi32>
      %mul3A_107 = arith.muli %shift_right_logical3A_104, %mul3A_106 : vector<16xi32>
      %sub3A_108 = arith.subi %get3A_101, %mul3A_107 : vector<16xi32>
      %mul3A_109 = arith.constant 10000 : i32
      %mul3A_110 = vector.broadcast %mul3A_109 : i32 to vector<16xi32>
      %mul3A_111 = arith.muli %sub3A_108, %mul3A_110 : vector<16xi32>
      %get3A_112 = arith.index_cast %add3A_43 : i32 to index
      %get3A_113 = arith.constant 32 : index
      %get3A_114 = tpu.vector_load %arg7[%get3A_112, %get3A_113] {strides = array<i32>} : memref<125x80xi32, #tpu.memory_space<vmem>>, vector<1x16xi32>,
      %get3A_115 = vector.shape_cast %get3A_114 : vector<1x16xi32> to vector<16xi32>
      %add3A_116 = arith.addi %mul3A_111, %get3A_115 : vector<16xi32>
      %swap3A_117 = arith.index_cast %add3A_43 : i32 to index
      %swap3A_118 = arith.constant 32 : index
      %swap3A_119 = tpu.vector_load %arg7[%swap3A_117, %swap3A_118] {strides = array<i32>} : memref<125x80xi32, #tpu.memory_space<vmem>>, vector<1x16xi32>,
      %swap3A_120 = vector.shape_cast %swap3A_119 : vector<1x16xi32> to vector<16xi32>
      %swap3A_121 = vector.shape_cast %add3A_116 : vector<16xi32> to vector<1x16xi32>
      tpu.vector_store %arg7[%swap3A_117, %swap3A_118], %swap3A_121 {strides = array<i32>} : memref<125x80xi32, #tpu.memory_space<vmem>>, vector<1x16xi32>,
      %swap3A_122 = arith.index_cast %add3A_43 : i32 to index
      %swap3A_123 = arith.constant 32 : index
      %swap3A_124 = tpu.vector_load %arg8[%swap3A_122, %swap3A_123] {strides = array<i32>} : memref<125x80xi32, #tpu.memory_space<vmem>>, vector<1x16xi32>,
      %swap3A_125 = vector.shape_cast %swap3A_124 : vector<1x16xi32> to vector<16xi32>
      %swap3A_126 = vector.shape_cast %shift_right_logical3A_104 : vector<16xi32> to vector<1x16xi32>
      tpu.vector_store %arg8[%swap3A_122, %swap3A_123], %swap3A_126 {strides = array<i32>} : memref<125x80xi32, #tpu.memory_space<vmem>>, vector<1x16xi32>,
      %get3A_127 = arith.index_cast %add3A_43 : i32 to index
      %get3A_128 = arith.constant 48 : index
      %get3A_129 = tpu.vector_load %arg8[%get3A_127, %get3A_128] {strides = array<i32>} : memref<125x80xi32, #tpu.memory_space<vmem>>, vector<1x16xi32>,
      %get3A_130 = vector.shape_cast %get3A_129 : vector<1x16xi32> to vector<16xi32>
      %shift_right_logical3A_131 = arith.constant 3 : i32
      %shift_right_logical3A_132 = vector.broadcast %shift_right_logical3A_131 : i32 to vector<16xi32>
      %shift_right_logical3A_133 = arith.shrui %get3A_130, %shift_right_logical3A_132 : vector<16xi32>
      %mul3A_134 = arith.constant 8 : i32
      %mul3A_135 = vector.broadcast %mul3A_134 : i32 to vector<16xi32>
      %mul3A_136 = arith.muli %shift_right_logical3A_133, %mul3A_135 : vector<16xi32>
      %sub3A_137 = arith.subi %get3A_130, %mul3A_136 : vector<16xi32>
      %mul3A_138 = arith.constant 10000 : i32
      %mul3A_139 = vector.broadcast %mul3A_138 : i32 to vector<16xi32>
      %mul3A_140 = arith.muli %sub3A_137, %mul3A_139 : vector<16xi32>
      %get3A_141 = arith.index_cast %add3A_43 : i32 to index
      %get3A_142 = arith.constant 48 : index
      %get3A_143 = tpu.vector_load %arg7[%get3A_141, %get3A_142] {strides = array<i32>} : memref<125x80xi32, #tpu.memory_space<vmem>>, vector<1x16xi32>,
      %get3A_144 = vector.shape_cast %get3A_143 : vector<1x16xi32> to vector<16xi32>
      %add3A_145 = arith.addi %mul3A_140, %get3A_144 : vector<16xi32>
      %swap3A_146 = arith.index_cast %add3A_43 : i32 to index
      %swap3A_147 = arith.constant 48 : index
      %swap3A_148 = tpu.vector_load %arg7[%swap3A_146, %swap3A_147] {strides = array<i32>} : memref<125x80xi32, #tpu.memory_space<vmem>>, vector<1x16xi32>,
      %swap3A_149 = vector.shape_cast %swap3A_148 : vector<1x16xi32> to vector<16xi32>
      %swap3A_150 = vector.shape_cast %add3A_145 : vector<16xi32> to vector<1x16xi32>
      tpu.vector_store %arg7[%swap3A_146, %swap3A_147], %swap3A_150 {strides = array<i32>} : memref<125x80xi32, #tpu.memory_space<vmem>>, vector<1x16xi32>,
      %swap3A_151 = arith.index_cast %add3A_43 : i32 to index
      %swap3A_152 = arith.constant 48 : index
      %swap3A_153 = tpu.vector_load %arg8[%swap3A_151, %swap3A_152] {strides = array<i32>} : memref<125x80xi32, #tpu.memory_space<vmem>>, vector<1x16xi32>,
      %swap3A_154 = vector.shape_cast %swap3A_153 : vector<1x16xi32> to vector<16xi32>
      %swap3A_155 = vector.shape_cast %shift_right_logical3A_133 : vector<16xi32> to vector<1x16xi32>
      tpu.vector_store %arg8[%swap3A_151, %swap3A_152], %swap3A_155 {strides = array<i32>} : memref<125x80xi32, #tpu.memory_space<vmem>>, vector<1x16xi32>,
      %get3A_156 = arith.index_cast %add3A_43 : i32 to index
      %get3A_157 = arith.constant 64 : index
      %get3A_158 = tpu.vector_load %arg8[%get3A_156, %get3A_157] {strides = array<i32>} : memref<125x80xi32, #tpu.memory_space<vmem>>, vector<1x16xi32>,
      %get3A_159 = vector.shape_cast %get3A_158 : vector<1x16xi32> to vector<16xi32>
      %shift_right_logical3A_160 = arith.constant 3 : i32
      %shift_right_logical3A_161 = vector.broadcast %shift_right_logical3A_160 : i32 to vector<16xi32>
      %shift_right_logical3A_162 = arith.shrui %get3A_159, %shift_right_logical3A_161 : vector<16xi32>
      %mul3A_163 = arith.constant 8 : i32
      %mul3A_164 = vector.broadcast %mul3A_163 : i32 to vector<16xi32>
      %mul3A_165 = arith.muli %shift_right_logical3A_162, %mul3A_164 : vector<16xi32>
      %sub3A_166 = arith.subi %get3A_159, %mul3A_165 : vector<16xi32>
      %mul3A_167 = arith.constant 10000 : i32
      %mul3A_168 = vector.broadcast %mul3A_167 : i32 to vector<16xi32>
      %mul3A_169 = arith.muli %sub3A_166, %mul3A_168 : vector<16xi32>
      %get3A_170 = arith.index_cast %add3A_43 : i32 to index
      %get3A_171 = arith.constant 64 : index
      %get3A_172 = tpu.vector_load %arg7[%get3A_170, %get3A_171] {strides = array<i32>} : memref<125x80xi32, #tpu.memory_space<vmem>>, vector<1x16xi32>,
      %get3A_173 = vector.shape_cast %get3A_172 : vector<1x16xi32> to vector<16xi32>
      %add3A_174 = arith.addi %mul3A_169, %get3A_173 : vector<16xi32>
      %swap3A_175 = arith.index_cast %add3A_43 : i32 to index
      %swap3A_176 = arith.constant 64 : index
      %swap3A_177 = tpu.vector_load %arg7[%swap3A_175, %swap3A_176] {strides = array<i32>} : memref<125x80xi32, #tpu.memory_space<vmem>>, vector<1x16xi32>,
      %swap3A_178 = vector.shape_cast %swap3A_177 : vector<1x16xi32> to vector<16xi32>
      %swap3A_179 = vector.shape_cast %add3A_174 : vector<16xi32> to vector<1x16xi32>
      tpu.vector_store %arg7[%swap3A_175, %swap3A_176], %swap3A_179 {strides = array<i32>} : memref<125x80xi32, #tpu.memory_space<vmem>>, vector<1x16xi32>,
      %swap3A_180 = arith.index_cast %add3A_43 : i32 to index
      %swap3A_181 = arith.constant 64 : index
      %swap3A_182 = tpu.vector_load %arg8[%swap3A_180, %swap3A_181] {strides = array<i32>} : memref<125x80xi32, #tpu.memory_space<vmem>>, vector<1x16xi32>,
      %swap3A_183 = vector.shape_cast %swap3A_182 : vector<1x16xi32> to vector<16xi32>
      %swap3A_184 = vector.shape_cast %shift_right_logical3A_162 : vector<16xi32> to vector<1x16xi32>
      tpu.vector_store %arg8[%swap3A_180, %swap3A_181], %swap3A_184 {strides = array<i32>} : memref<125x80xi32, #tpu.memory_space<vmem>>, vector<1x16xi32>,
    }
    %scan3A_10 = arith.constant 125 : i32
    %barrier3A = arith.constant 0 : index
    tpu.barrier barrier_id(%barrier3A)
    %dma_start3A = arith.constant 0 : i32
    %dma_start3A_11 = arith.constant 0 : i32
    %dma_start3A_12 = tpu.memref_slice %arg7[%dma_start3A, %dma_start3A_11] : memref<125x80xi32, #tpu.memory_space<vmem>> -> memref<1x80xi32, #tpu.memory_space<vmem>>
    %dma_start3A_13 = tpu.memref_squeeze %dma_start3A_12 : memref<1x80xi32, #tpu.memory_space<vmem>> -> memref<80xi32, #tpu.memory_space<vmem>>
    %dma_start3A_14 = arith.constant 0 : i32
    %dma_start3A_15 = arith.constant 0 : i32
    %dma_start3A_16 = tpu.memref_slice %arg4[%dma_start3A_14, %dma_start3A_15] : memref<80000x128xf32, #tpu.memory_space<hbm>> -> memref<80000x128xf32, #tpu.memory_space<hbm>>
    tpu.enqueue_indirect_dma source(%dma_start3A_16 : memref<80000x128xf32, #tpu.memory_space<hbm>>) target(%arg9 : memref<80x128xf32, #tpu.memory_space<vmem>>) offsets(%dma_start3A_13 : memref<80xi32, #tpu.memory_space<vmem>>) semaphore(%arg12 : memref<!tpu.dma_semaphore, #tpu.memory_space<semaphore_mem>>)
    %scan3A_17 = arith.constant 0 : i32
    %scan3A_18 = arith.constant 62 : i32
    %scan3A_19 = arith.addi %scan3A_17, %scan3A_18 : i32
    %scan3A_20 = arith.constant 1 : i32
    scf.for %scan3A_39 = %scan3A_17 to %scan3A_19 step %scan3A_20  : i32 {
      %mul3A_40 = arith.constant 2 : i32
      %mul3A_41 = arith.muli %scan3A_39, %mul3A_40 : i32
      %add3A_42 = arith.constant 0 : i32
      %add3A_43 = arith.addi %add3A_42, %mul3A_41 : i32
      %add3A_44 = arith.constant 1 : i32
      %add3A_45 = arith.addi %add3A_43, %add3A_44 : i32
      %dma_start3A_46 = arith.constant 0 : i32
      %dma_start3A_47 = tpu.memref_slice %arg7[%add3A_45, %dma_start3A_46] : memref<125x80xi32, #tpu.memory_space<vmem>> -> memref<1x80xi32, #tpu.memory_space<vmem>>
      %dma_start3A_48 = tpu.memref_squeeze %dma_start3A_47 : memref<1x80xi32, #tpu.memory_space<vmem>> -> memref<80xi32, #tpu.memory_space<vmem>>
      %dma_start3A_49 = arith.constant 0 : i32
      %dma_start3A_50 = arith.constant 0 : i32
      %dma_start3A_51 = tpu.memref_slice %arg4[%dma_start3A_49, %dma_start3A_50] : memref<80000x128xf32, #tpu.memory_space<hbm>> -> memref<80000x128xf32, #tpu.memory_space<hbm>>
      tpu.enqueue_indirect_dma source(%dma_start3A_51 : memref<80000x128xf32, #tpu.memory_space<hbm>>) target(%arg10 : memref<80x128xf32, #tpu.memory_space<vmem>>) offsets(%dma_start3A_48 : memref<80xi32, #tpu.memory_space<vmem>>) semaphore(%arg13 : memref<!tpu.dma_semaphore, #tpu.memory_space<semaphore_mem>>)
      %dma_wait3A_52 = arith.constant 0 : i32
      %dma_wait3A_53 = tpu.memref_slice %arg7[%add3A_43, %dma_wait3A_52] : memref<125x80xi32, #tpu.memory_space<vmem>> -> memref<1x80xi32, #tpu.memory_space<vmem>>
      %dma_wait3A_54 = tpu.memref_squeeze %dma_wait3A_53 : memref<1x80xi32, #tpu.memory_space<vmem>> -> memref<80xi32, #tpu.memory_space<vmem>>
      %dma_wait3A_55 = arith.constant 0 : i32
      %dma_wait3A_56 = arith.constant 0 : i32
      %dma_wait3A_57 = tpu.memref_slice %arg4[%dma_wait3A_55, %dma_wait3A_56] : memref<80000x128xf32, #tpu.memory_space<hbm>> -> memref<80000x128xf32, #tpu.memory_space<hbm>>
      tpu.wait_indirect_dma semaphore(%arg12 : memref<!tpu.dma_semaphore, #tpu.memory_space<semaphore_mem>>) src(%dma_wait3A_57 : memref<80000x128xf32, #tpu.memory_space<hbm>>) dst(%arg9 : memref<80x128xf32, #tpu.memory_space<vmem>>)
      "tpu.region"() ({
        %run_scoped3A_76 = tpu.sem_alloc : memref<!tpu.dma_semaphore, #tpu.memory_space<semaphore_mem>>
        %dma_start3A_77 = arith.constant 0 : i32
        %dma_start3A_78 = tpu.memref_slice %arg8[%add3A_43, %dma_start3A_77] : memref<125x80xi32, #tpu.memory_space<vmem>> -> memref<1x80xi32, #tpu.memory_space<vmem>>
        %dma_start3A_79 = tpu.memref_squeeze %dma_start3A_78 : memref<1x80xi32, #tpu.memory_space<vmem>> -> memref<80xi32, #tpu.memory_space<vmem>>
        %dma_start3A_80 = arith.constant 0 : i32
        %dma_start3A_81 = arith.constant 0 : i32
        %dma_start3A_82 = tpu.memref_slice %arg11[%dma_start3A_80, %dma_start3A_81] : memref<1256x128xf32, #tpu.memory_space<vmem_shared>> -> memref<1256x128xf32, #tpu.memory_space<vmem_shared>>
        tpu.enqueue_indirect_dma source(%arg9 : memref<80x128xf32, #tpu.memory_space<vmem>>) target(%dma_start3A_82 : memref<1256x128xf32, #tpu.memory_space<vmem_shared>>) offsets(%dma_start3A_79 : memref<80xi32, #tpu.memory_space<vmem>>) semaphore(%run_scoped3A_76 : memref<!tpu.dma_semaphore, #tpu.memory_space<semaphore_mem>>) {add = true}
        %dma_wait3A_83 = arith.constant 0 : i32
        %dma_wait3A_84 = tpu.memref_slice %arg8[%add3A_43, %dma_wait3A_83] : memref<125x80xi32, #tpu.memory_space<vmem>> -> memref<1x80xi32, #tpu.memory_space<vmem>>
        %dma_wait3A_85 = tpu.memref_squeeze %dma_wait3A_84 : memref<1x80xi32, #tpu.memory_space<vmem>> -> memref<80xi32, #tpu.memory_space<vmem>>
        %dma_wait3A_86 = arith.constant 0 : i32
        %dma_wait3A_87 = arith.constant 0 : i32
        %dma_wait3A_88 = tpu.memref_slice %arg11[%dma_wait3A_86, %dma_wait3A_87] : memref<1256x128xf32, #tpu.memory_space<vmem_shared>> -> memref<1256x128xf32, #tpu.memory_space<vmem_shared>>
        tpu.wait_indirect_dma semaphore(%run_scoped3A_76 : memref<!tpu.dma_semaphore, #tpu.memory_space<semaphore_mem>>) src(%arg9 : memref<80x128xf32, #tpu.memory_space<vmem>>) dst(%dma_wait3A_88 : memref<1256x128xf32, #tpu.memory_space<vmem_shared>>)
        tpu.yield
      }) : () -> ()
      %add3A_58 = arith.constant 2 : i32
      %add3A_59 = arith.addi %add3A_43, %add3A_58 : i32
      %dma_start3A_60 = arith.constant 0 : i32
      %dma_start3A_61 = tpu.memref_slice %arg7[%add3A_59, %dma_start3A_60] : memref<125x80xi32, #tpu.memory_space<vmem>> -> memref<1x80xi32, #tpu.memory_space<vmem>>
      %dma_start3A_62 = tpu.memref_squeeze %dma_start3A_61 : memref<1x80xi32, #tpu.memory_space<vmem>> -> memref<80xi32, #tpu.memory_space<vmem>>
      %dma_start3A_63 = arith.constant 0 : i32
      %dma_start3A_64 = arith.constant 0 : i32
      %dma_start3A_65 = tpu.memref_slice %arg4[%dma_start3A_63, %dma_start3A_64] : memref<80000x128xf32, #tpu.memory_space<hbm>> -> memref<80000x128xf32, #tpu.memory_space<hbm>>
      tpu.enqueue_indirect_dma source(%dma_start3A_65 : memref<80000x128xf32, #tpu.memory_space<hbm>>) target(%arg9 : memref<80x128xf32, #tpu.memory_space<vmem>>) offsets(%dma_start3A_62 : memref<80xi32, #tpu.memory_space<vmem>>) semaphore(%arg12 : memref<!tpu.dma_semaphore, #tpu.memory_space<semaphore_mem>>)
      %add3A_66 = arith.constant 1 : i32
      %add3A_67 = arith.addi %add3A_43, %add3A_66 : i32
      %dma_wait3A_68 = arith.constant 0 : i32
      %dma_wait3A_69 = tpu.memref_slice %arg7[%add3A_67, %dma_wait3A_68] : memref<125x80xi32, #tpu.memory_space<vmem>> -> memref<1x80xi32, #tpu.memory_space<vmem>>
      %dma_wait3A_70 = tpu.memref_squeeze %dma_wait3A_69 : memref<1x80xi32, #tpu.memory_space<vmem>> -> memref<80xi32, #tpu.memory_space<vmem>>
      %dma_wait3A_71 = arith.constant 0 : i32
      %dma_wait3A_72 = arith.constant 0 : i32
      %dma_wait3A_73 = tpu.memref_slice %arg4[%dma_wait3A_71, %dma_wait3A_72] : memref<80000x128xf32, #tpu.memory_space<hbm>> -> memref<80000x128xf32, #tpu.memory_space<hbm>>
      tpu.wait_indirect_dma semaphore(%arg13 : memref<!tpu.dma_semaphore, #tpu.memory_space<semaphore_mem>>) src(%dma_wait3A_73 : memref<80000x128xf32, #tpu.memory_space<hbm>>) dst(%arg10 : memref<80x128xf32, #tpu.memory_space<vmem>>)
      %add3A_74 = arith.constant 1 : i32
      %add3A_75 = arith.addi %add3A_43, %add3A_74 : i32
      "tpu.region"() ({
        %run_scoped3A_76 = tpu.sem_alloc : memref<!tpu.dma_semaphore, #tpu.memory_space<semaphore_mem>>
        %dma_start3A_77 = arith.constant 0 : i32
        %dma_start3A_78 = tpu.memref_slice %arg8[%add3A_75, %dma_start3A_77] : memref<125x80xi32, #tpu.memory_space<vmem>> -> memref<1x80xi32, #tpu.memory_space<vmem>>
        %dma_start3A_79 = tpu.memref_squeeze %dma_start3A_78 : memref<1x80xi32, #tpu.memory_space<vmem>> -> memref<80xi32, #tpu.memory_space<vmem>>
        %dma_start3A_80 = arith.constant 0 : i32
        %dma_start3A_81 = arith.constant 0 : i32
        %dma_start3A_82 = tpu.memref_slice %arg11[%dma_start3A_80, %dma_start3A_81] : memref<1256x128xf32, #tpu.memory_space<vmem_shared>> -> memref<1256x128xf32, #tpu.memory_space<vmem_shared>>
        tpu.enqueue_indirect_dma source(%arg10 : memref<80x128xf32, #tpu.memory_space<vmem>>) target(%dma_start3A_82 : memref<1256x128xf32, #tpu.memory_space<vmem_shared>>) offsets(%dma_start3A_79 : memref<80xi32, #tpu.memory_space<vmem>>) semaphore(%run_scoped3A_76 : memref<!tpu.dma_semaphore, #tpu.memory_space<semaphore_mem>>) {add = true}
        %dma_wait3A_83 = arith.constant 0 : i32
        %dma_wait3A_84 = tpu.memref_slice %arg8[%add3A_75, %dma_wait3A_83] : memref<125x80xi32, #tpu.memory_space<vmem>> -> memref<1x80xi32, #tpu.memory_space<vmem>>
        %dma_wait3A_85 = tpu.memref_squeeze %dma_wait3A_84 : memref<1x80xi32, #tpu.memory_space<vmem>> -> memref<80xi32, #tpu.memory_space<vmem>>
        %dma_wait3A_86 = arith.constant 0 : i32
        %dma_wait3A_87 = arith.constant 0 : i32
        %dma_wait3A_88 = tpu.memref_slice %arg11[%dma_wait3A_86, %dma_wait3A_87] : memref<1256x128xf32, #tpu.memory_space<vmem_shared>> -> memref<1256x128xf32, #tpu.memory_space<vmem_shared>>
        tpu.wait_indirect_dma semaphore(%run_scoped3A_76 : memref<!tpu.dma_semaphore, #tpu.memory_space<semaphore_mem>>) src(%arg10 : memref<80x128xf32, #tpu.memory_space<vmem>>) dst(%dma_wait3A_88 : memref<1256x128xf32, #tpu.memory_space<vmem_shared>>)
        tpu.yield
      }) : () -> ()
    }
    %scan3A_21 = arith.constant 62 : i32
    %dma_wait3A = arith.constant 124 : i32
    %dma_wait3A_22 = arith.constant 0 : i32
    %dma_wait3A_23 = tpu.memref_slice %arg7[%dma_wait3A, %dma_wait3A_22] : memref<125x80xi32, #tpu.memory_space<vmem>> -> memref<1x80xi32, #tpu.memory_space<vmem>>
    %dma_wait3A_24 = tpu.memref_squeeze %dma_wait3A_23 : memref<1x80xi32, #tpu.memory_space<vmem>> -> memref<80xi32, #tpu.memory_space<vmem>>
    %dma_wait3A_25 = arith.constant 0 : i32
    %dma_wait3A_26 = arith.constant 0 : i32
    %dma_wait3A_27 = tpu.memref_slice %arg4[%dma_wait3A_25, %dma_wait3A_26] : memref<80000x128xf32, #tpu.memory_space<hbm>> -> memref<80000x128xf32, #tpu.memory_space<hbm>>
    tpu.wait_indirect_dma semaphore(%arg12 : memref<!tpu.dma_semaphore, #tpu.memory_space<semaphore_mem>>) src(%dma_wait3A_27 : memref<80000x128xf32, #tpu.memory_space<hbm>>) dst(%arg9 : memref<80x128xf32, #tpu.memory_space<vmem>>)
    %run_scoped3A = arith.constant 124 : i32
    "tpu.region"() ({
      %run_scoped3A_39 = tpu.sem_alloc : memref<!tpu.dma_semaphore, #tpu.memory_space<semaphore_mem>>
      %dma_start3A_40 = arith.constant 0 : i32
      %dma_start3A_41 = tpu.memref_slice %arg8[%run_scoped3A, %dma_start3A_40] : memref<125x80xi32, #tpu.memory_space<vmem>> -> memref<1x80xi32, #tpu.memory_space<vmem>>
      %dma_start3A_42 = tpu.memref_squeeze %dma_start3A_41 : memref<1x80xi32, #tpu.memory_space<vmem>> -> memref<80xi32, #tpu.memory_space<vmem>>
      %dma_start3A_43 = arith.constant 0 : i32
      %dma_start3A_44 = arith.constant 0 : i32
      %dma_start3A_45 = tpu.memref_slice %arg11[%dma_start3A_43, %dma_start3A_44] : memref<1256x128xf32, #tpu.memory_space<vmem_shared>> -> memref<1256x128xf32, #tpu.memory_space<vmem_shared>>
      tpu.enqueue_indirect_dma source(%arg9 : memref<80x128xf32, #tpu.memory_space<vmem>>) target(%dma_start3A_45 : memref<1256x128xf32, #tpu.memory_space<vmem_shared>>) offsets(%dma_start3A_42 : memref<80xi32, #tpu.memory_space<vmem>>) semaphore(%run_scoped3A_39 : memref<!tpu.dma_semaphore, #tpu.memory_space<semaphore_mem>>) {add = true}
      %dma_wait3A_46 = arith.constant 0 : i32
      %dma_wait3A_47 = tpu.memref_slice %arg8[%run_scoped3A, %dma_wait3A_46] : memref<125x80xi32, #tpu.memory_space<vmem>> -> memref<1x80xi32, #tpu.memory_space<vmem>>
      %dma_wait3A_48 = tpu.memref_squeeze %dma_wait3A_47 : memref<1x80xi32, #tpu.memory_space<vmem>> -> memref<80xi32, #tpu.memory_space<vmem>>
      %dma_wait3A_49 = arith.constant 0 : i32
      %dma_wait3A_50 = arith.constant 0 : i32
      %dma_wait3A_51 = tpu.memref_slice %arg11[%dma_wait3A_49, %dma_wait3A_50] : memref<1256x128xf32, #tpu.memory_space<vmem_shared>> -> memref<1256x128xf32, #tpu.memory_space<vmem_shared>>
      tpu.wait_indirect_dma semaphore(%run_scoped3A_39 : memref<!tpu.dma_semaphore, #tpu.memory_space<semaphore_mem>>) src(%arg9 : memref<80x128xf32, #tpu.memory_space<vmem>>) dst(%dma_wait3A_51 : memref<1256x128xf32, #tpu.memory_space<vmem_shared>>)
      tpu.yield
    }) : () -> ()
    %barrier3A_28 = arith.constant 0 : index
    tpu.barrier barrier_id(%barrier3A_28)
    %lt3A_29 = arith.constant 15 : i32
    %lt3A_30 = arith.cmpi slt, %arg1, %lt3A_29 : i32
    %convert_element_type3A_31 = arith.extui %lt3A_30 : i1 to i32
    %cond3A_32 = arith.constant 0 : i32
    %cond3A_33 = arith.cmpi ne, %convert_element_type3A_31, %cond3A_32 : i32
    scf.if %cond3A_33 {
      %mul3A_39 = arith.constant 80 : i32
      %mul3A_40 = arith.muli %arg1, %mul3A_39 : i32
      %mul3A_41 = arith.constant 80 : i32
      %mul3A_42 = arith.muli %arg1, %mul3A_41 : i32
      "tpu.region"() ({
        %run_scoped3A_43 = tpu.sem_alloc : memref<!tpu.dma_semaphore, #tpu.memory_space<semaphore_mem>>
        %dma_start3A_44 = arith.constant 0 : i32
        %dma_start3A_45 = tpu.memref_slice %arg6[%arg0, %mul3A_42, %dma_start3A_44] : memref<2x1256x128xf32, #tpu.memory_space<hbm>> -> memref<1x80x128xf32, #tpu.memory_space<hbm>>
        %dma_start3A_46 = tpu.memref_squeeze %dma_start3A_45 : memref<1x80x128xf32, #tpu.memory_space<hbm>> -> memref<80x128xf32, #tpu.memory_space<hbm>>
        %dma_start3A_47 = arith.constant 0 : i32
        %dma_start3A_48 = tpu.memref_slice %arg11[%mul3A_40, %dma_start3A_47] : memref<1256x128xf32, #tpu.memory_space<vmem_shared>> -> memref<80x128xf32, #tpu.memory_space<vmem_shared>>
        tpu.enqueue_dma source(%dma_start3A_48 : memref<80x128xf32, #tpu.memory_space<vmem_shared>>) target(%dma_start3A_46 : memref<80x128xf32, #tpu.memory_space<hbm>>) target_semaphore(%run_scoped3A_43 : memref<!tpu.dma_semaphore, #tpu.memory_space<semaphore_mem>>)
        %dma_wait3A_49 = arith.constant 0 : i32
        %dma_wait3A_50 = tpu.memref_slice %arg6[%arg0, %mul3A_42, %dma_wait3A_49] : memref<2x1256x128xf32, #tpu.memory_space<hbm>> -> memref<1x80x128xf32, #tpu.memory_space<hbm>>
        %dma_wait3A_51 = tpu.memref_squeeze %dma_wait3A_50 : memref<1x80x128xf32, #tpu.memory_space<hbm>> -> memref<80x128xf32, #tpu.memory_space<hbm>>
        %dma_wait3A_52 = arith.constant 0 : i32
        %dma_wait3A_53 = tpu.memref_slice %arg11[%mul3A_40, %dma_wait3A_52] : memref<1256x128xf32, #tpu.memory_space<vmem_shared>> -> memref<80x128xf32, #tpu.memory_space<vmem_shared>>
        tpu.wait_dma2 semaphore(%run_scoped3A_43 : memref<!tpu.dma_semaphore, #tpu.memory_space<semaphore_mem>>) src(%dma_wait3A_53 : memref<80x128xf32, #tpu.memory_space<vmem_shared>>) dst(%dma_wait3A_51 : memref<80x128xf32, #tpu.memory_space<hbm>>)
        tpu.yield
      }) : () -> ()
    } else {
    }
    %eq3A_34 = arith.constant 15 : i32
    %eq3A_35 = arith.cmpi eq, %arg1, %eq3A_34 : i32
    %convert_element_type3A_36 = arith.extui %eq3A_35 : i1 to i32
    %cond3A_37 = arith.constant 0 : i32
    %cond3A_38 = arith.cmpi ne, %convert_element_type3A_36, %cond3A_37 : i32
    scf.if %cond3A_38 {
      "tpu.region"() ({
        %run_scoped3A_39 = tpu.sem_alloc : memref<!tpu.dma_semaphore, #tpu.memory_space<semaphore_mem>>
        %dma_start3A_40 = arith.constant 1200 : i32
        %dma_start3A_41 = arith.constant 0 : i32
        %dma_start3A_42 = tpu.memref_slice %arg6[%arg0, %dma_start3A_40, %dma_start3A_41] : memref<2x1256x128xf32, #tpu.memory_space<hbm>> -> memref<1x56x128xf32, #tpu.memory_space<hbm>>
        %dma_start3A_43 = tpu.memref_squeeze %dma_start3A_42 : memref<1x56x128xf32, #tpu.memory_space<hbm>> -> memref<56x128xf32, #tpu.memory_space<hbm>>
        %dma_start3A_44 = arith.constant 1200 : i32
        %dma_start3A_45 = arith.constant 0 : i32
        %dma_start3A_46 = tpu.memref_slice %arg11[%dma_start3A_44, %dma_start3A_45] : memref<1256x128xf32, #tpu.memory_space<vmem_shared>> -> memref<56x128xf32, #tpu.memory_space<vmem_shared>>
        tpu.enqueue_dma source(%dma_start3A_46 : memref<56x128xf32, #tpu.memory_space<vmem_shared>>) target(%dma_start3A_43 : memref<56x128xf32, #tpu.memory_space<hbm>>) target_semaphore(%run_scoped3A_39 : memref<!tpu.dma_semaphore, #tpu.memory_space<semaphore_mem>>)
        %dma_wait3A_47 = arith.constant 1200 : i32
        %dma_wait3A_48 = arith.constant 0 : i32
        %dma_wait3A_49 = tpu.memref_slice %arg6[%arg0, %dma_wait3A_47, %dma_wait3A_48] : memref<2x1256x128xf32, #tpu.memory_space<hbm>> -> memref<1x56x128xf32, #tpu.memory_space<hbm>>
        %dma_wait3A_50 = tpu.memref_squeeze %dma_wait3A_49 : memref<1x56x128xf32, #tpu.memory_space<hbm>> -> memref<56x128xf32, #tpu.memory_space<hbm>>
        %dma_wait3A_51 = arith.constant 1200 : i32
        %dma_wait3A_52 = arith.constant 0 : i32
        %dma_wait3A_53 = tpu.memref_slice %arg11[%dma_wait3A_51, %dma_wait3A_52] : memref<1256x128xf32, #tpu.memory_space<vmem_shared>> -> memref<56x128xf32, #tpu.memory_space<vmem_shared>>
        tpu.wait_dma2 semaphore(%run_scoped3A_39 : memref<!tpu.dma_semaphore, #tpu.memory_space<semaphore_mem>>) src(%dma_wait3A_53 : memref<56x128xf32, #tpu.memory_space<vmem_shared>>) dst(%dma_wait3A_50 : memref<56x128xf32, #tpu.memory_space<hbm>>)
        tpu.yield
      }) : () -> ()
    } else {
    }
    return
  }
}

#map = affine_map<(d0, d1) -> (0, 0, 0)>
#map1 = affine_map<(d0, d1) -> (0, 0)>
module attributes {stable_mosaic.version = 14 : i64} {
  func.func @agg_kernel(%arg0: i32, %arg1: i32, %arg2: memref<32x125x80xi32, #tpu.memory_space<hbm>>, %arg3: memref<32x125x80xi32, #tpu.memory_space<hbm>>, %arg4: memref<10000x128xf32, #tpu.memory_space<hbm>>, %arg5: memref<5008x128xf32, #tpu.memory_space<hbm>>, %arg6: memref<2x5008x128xf32, #tpu.memory_space<hbm>>, %arg7: memref<250x80xi32, #tpu.memory_space<vmem>>, %arg8: memref<250x80xi32, #tpu.memory_space<vmem>>, %arg9: memref<80x128xf32, #tpu.memory_space<vmem>>, %arg10: memref<80x128xf32, #tpu.memory_space<vmem>>, %arg11: memref<5008x128xf32, #tpu.memory_space<vmem_shared>>, %arg12: memref<!tpu.dma_semaphore, #tpu.memory_space<semaphore_mem>>, %arg13: memref<!tpu.dma_semaphore, #tpu.memory_space<semaphore_mem>>) attributes {dimension_semantics = [#tpu.dimension_semantics<core_parallel>, #tpu.dimension_semantics<subcore_parallel>], iteration_bounds = array<i64: 2, 16>, scalar_prefetch = 0 : i64, scratch_operands = 7 : i64, tpu.core_type = #tpu.core_type<sc_vector_subcore>, window_params = [{transform_indices = #map}, {transform_indices = #map}, {transform_indices = #map1}, {transform_indices = #map1}, {transform_indices = #map}]} {
    %mul3A = arith.constant 5000 : i32
    %mul3A_0 = arith.muli %arg0, %mul3A : i32
    %mul3A_1 = arith.constant 312 : i32
    %mul3A_2 = arith.muli %arg1, %mul3A_1 : i32
    %mul3A_3 = arith.constant 312 : i32
    %mul3A_4 = arith.muli %arg1, %mul3A_3 : i32
    "tpu.region"() ({
      %run_scoped3A_56 = tpu.sem_alloc : memref<!tpu.dma_semaphore, #tpu.memory_space<semaphore_mem>>
      %dma_start3A_57 = arith.constant 0 : i32
      %dma_start3A_58 = tpu.memref_slice %arg11[%mul3A_4, %dma_start3A_57] : memref<5008x128xf32, #tpu.memory_space<vmem_shared>> -> memref<312x128xf32, #tpu.memory_space<vmem_shared>>
      %dma_start3A_59 = arith.constant 0 : i32
      %dma_start3A_60 = tpu.memref_slice %arg5[%mul3A_2, %dma_start3A_59] : memref<5008x128xf32, #tpu.memory_space<hbm>> -> memref<312x128xf32, #tpu.memory_space<hbm>>
      tpu.enqueue_dma source(%dma_start3A_60 : memref<312x128xf32, #tpu.memory_space<hbm>>) target(%dma_start3A_58 : memref<312x128xf32, #tpu.memory_space<vmem_shared>>) target_semaphore(%run_scoped3A_56 : memref<!tpu.dma_semaphore, #tpu.memory_space<semaphore_mem>>)
      %dma_wait3A_61 = arith.constant 0 : i32
      %dma_wait3A_62 = tpu.memref_slice %arg11[%mul3A_4, %dma_wait3A_61] : memref<5008x128xf32, #tpu.memory_space<vmem_shared>> -> memref<312x128xf32, #tpu.memory_space<vmem_shared>>
      %dma_wait3A_63 = arith.constant 0 : i32
      %dma_wait3A_64 = tpu.memref_slice %arg5[%mul3A_2, %dma_wait3A_63] : memref<5008x128xf32, #tpu.memory_space<hbm>> -> memref<312x128xf32, #tpu.memory_space<hbm>>
      tpu.wait_dma2 semaphore(%run_scoped3A_56 : memref<!tpu.dma_semaphore, #tpu.memory_space<semaphore_mem>>) src(%dma_wait3A_64 : memref<312x128xf32, #tpu.memory_space<hbm>>) dst(%dma_wait3A_62 : memref<312x128xf32, #tpu.memory_space<vmem_shared>>)
      tpu.yield
    }) : () -> ()
    %eq3A = arith.constant 15 : i32
    %eq3A_5 = arith.cmpi eq, %arg1, %eq3A : i32
    %convert_element_type3A = arith.extui %eq3A_5 : i1 to i32
    %cond3A = arith.constant 0 : i32
    %cond3A_6 = arith.cmpi ne, %convert_element_type3A, %cond3A : i32
    scf.if %cond3A_6 {
      "tpu.region"() ({
        %run_scoped3A_56 = tpu.sem_alloc : memref<!tpu.dma_semaphore, #tpu.memory_space<semaphore_mem>>
        %dma_start3A_57 = arith.constant 4992 : i32
        %dma_start3A_58 = arith.constant 0 : i32
        %dma_start3A_59 = tpu.memref_slice %arg11[%dma_start3A_57, %dma_start3A_58] : memref<5008x128xf32, #tpu.memory_space<vmem_shared>> -> memref<16x128xf32, #tpu.memory_space<vmem_shared>>
        %dma_start3A_60 = arith.constant 4992 : i32
        %dma_start3A_61 = arith.constant 0 : i32
        %dma_start3A_62 = tpu.memref_slice %arg5[%dma_start3A_60, %dma_start3A_61] : memref<5008x128xf32, #tpu.memory_space<hbm>> -> memref<16x128xf32, #tpu.memory_space<hbm>>
        tpu.enqueue_dma source(%dma_start3A_62 : memref<16x128xf32, #tpu.memory_space<hbm>>) target(%dma_start3A_59 : memref<16x128xf32, #tpu.memory_space<vmem_shared>>) target_semaphore(%run_scoped3A_56 : memref<!tpu.dma_semaphore, #tpu.memory_space<semaphore_mem>>)
        %dma_wait3A_63 = arith.constant 4992 : i32
        %dma_wait3A_64 = arith.constant 0 : i32
        %dma_wait3A_65 = tpu.memref_slice %arg11[%dma_wait3A_63, %dma_wait3A_64] : memref<5008x128xf32, #tpu.memory_space<vmem_shared>> -> memref<16x128xf32, #tpu.memory_space<vmem_shared>>
        %dma_wait3A_66 = arith.constant 4992 : i32
        %dma_wait3A_67 = arith.constant 0 : i32
        %dma_wait3A_68 = tpu.memref_slice %arg5[%dma_wait3A_66, %dma_wait3A_67] : memref<5008x128xf32, #tpu.memory_space<hbm>> -> memref<16x128xf32, #tpu.memory_space<hbm>>
        tpu.wait_dma2 semaphore(%run_scoped3A_56 : memref<!tpu.dma_semaphore, #tpu.memory_space<semaphore_mem>>) src(%dma_wait3A_68 : memref<16x128xf32, #tpu.memory_space<hbm>>) dst(%dma_wait3A_65 : memref<16x128xf32, #tpu.memory_space<vmem_shared>>)
        tpu.yield
      }) : () -> ()
    } else {
    }
    "tpu.region"() ({
      %run_scoped3A_56 = tpu.sem_alloc : memref<!tpu.dma_semaphore, #tpu.memory_space<semaphore_mem>>
      %dma_start3A_57 = arith.constant 0 : i32
      %dma_start3A_58 = arith.constant 0 : i32
      %dma_start3A_59 = tpu.memref_slice %arg7[%dma_start3A_57, %dma_start3A_58] : memref<250x80xi32, #tpu.memory_space<vmem>> -> memref<125x80xi32, #tpu.memory_space<vmem>>
      %dma_start3A_60 = arith.constant 0 : i32
      %dma_start3A_61 = arith.constant 0 : i32
      %dma_start3A_62 = tpu.memref_slice %arg2[%arg1, %dma_start3A_60, %dma_start3A_61] : memref<32x125x80xi32, #tpu.memory_space<hbm>> -> memref<1x125x80xi32, #tpu.memory_space<hbm>>
      %dma_start3A_63 = tpu.memref_squeeze %dma_start3A_62 : memref<1x125x80xi32, #tpu.memory_space<hbm>> -> memref<125x80xi32, #tpu.memory_space<hbm>>
      %dma_start3A_64 = arith.constant 0 : i32
      %dma_start3A_65 = arith.constant 0 : i32
      %dma_start3A_66 = tpu.memref_slice %arg7[%dma_start3A_64, %dma_start3A_65] : memref<250x80xi32, #tpu.memory_space<vmem>> -> memref<125x80xi32, #tpu.memory_space<vmem>>
      %dma_start3A_67 = arith.constant 0 : i32
      %dma_start3A_68 = arith.constant 0 : i32
      %dma_start3A_69 = tpu.memref_slice %arg2[%arg1, %dma_start3A_67, %dma_start3A_68] : memref<32x125x80xi32, #tpu.memory_space<hbm>> -> memref<1x125x80xi32, #tpu.memory_space<hbm>>
      %dma_start3A_70 = tpu.memref_squeeze %dma_start3A_69 : memref<1x125x80xi32, #tpu.memory_space<hbm>> -> memref<125x80xi32, #tpu.memory_space<hbm>>
      tpu.enqueue_dma source(%dma_start3A_70 : memref<125x80xi32, #tpu.memory_space<hbm>>) target(%dma_start3A_66 : memref<125x80xi32, #tpu.memory_space<vmem>>) target_semaphore(%run_scoped3A_56 : memref<!tpu.dma_semaphore, #tpu.memory_space<semaphore_mem>>)
      %dma_wait3A_71 = arith.constant 0 : i32
      %dma_wait3A_72 = arith.constant 0 : i32
      %dma_wait3A_73 = tpu.memref_slice %arg7[%dma_wait3A_71, %dma_wait3A_72] : memref<250x80xi32, #tpu.memory_space<vmem>> -> memref<125x80xi32, #tpu.memory_space<vmem>>
      %dma_wait3A_74 = arith.constant 0 : i32
      %dma_wait3A_75 = arith.constant 0 : i32
      %dma_wait3A_76 = tpu.memref_slice %arg2[%arg1, %dma_wait3A_74, %dma_wait3A_75] : memref<32x125x80xi32, #tpu.memory_space<hbm>> -> memref<1x125x80xi32, #tpu.memory_space<hbm>>
      %dma_wait3A_77 = tpu.memref_squeeze %dma_wait3A_76 : memref<1x125x80xi32, #tpu.memory_space<hbm>> -> memref<125x80xi32, #tpu.memory_space<hbm>>
      %dma_wait3A_78 = arith.constant 0 : i32
      %dma_wait3A_79 = arith.constant 0 : i32
      %dma_wait3A_80 = tpu.memref_slice %arg7[%dma_wait3A_78, %dma_wait3A_79] : memref<250x80xi32, #tpu.memory_space<vmem>> -> memref<125x80xi32, #tpu.memory_space<vmem>>
      %dma_wait3A_81 = arith.constant 0 : i32
      %dma_wait3A_82 = arith.constant 0 : i32
      %dma_wait3A_83 = tpu.memref_slice %arg2[%arg1, %dma_wait3A_81, %dma_wait3A_82] : memref<32x125x80xi32, #tpu.memory_space<hbm>> -> memref<1x125x80xi32, #tpu.memory_space<hbm>>
      %dma_wait3A_84 = tpu.memref_squeeze %dma_wait3A_83 : memref<1x125x80xi32, #tpu.memory_space<hbm>> -> memref<125x80xi32, #tpu.memory_space<hbm>>
      tpu.wait_dma2 semaphore(%run_scoped3A_56 : memref<!tpu.dma_semaphore, #tpu.memory_space<semaphore_mem>>) src(%dma_wait3A_84 : memref<125x80xi32, #tpu.memory_space<hbm>>) dst(%dma_wait3A_80 : memref<125x80xi32, #tpu.memory_space<vmem>>)
      tpu.yield
    }) : () -> ()
    %add3A = arith.constant 16 : i32
    %add3A_7 = arith.addi %arg1, %add3A : i32
    "tpu.region"() ({
      %run_scoped3A_56 = tpu.sem_alloc : memref<!tpu.dma_semaphore, #tpu.memory_space<semaphore_mem>>
      %dma_start3A_57 = arith.constant 125 : i32
      %dma_start3A_58 = arith.constant 0 : i32
      %dma_start3A_59 = tpu.memref_slice %arg7[%dma_start3A_57, %dma_start3A_58] : memref<250x80xi32, #tpu.memory_space<vmem>> -> memref<125x80xi32, #tpu.memory_space<vmem>>
      %dma_start3A_60 = arith.constant 0 : i32
      %dma_start3A_61 = arith.constant 0 : i32
      %dma_start3A_62 = tpu.memref_slice %arg2[%add3A_7, %dma_start3A_60, %dma_start3A_61] : memref<32x125x80xi32, #tpu.memory_space<hbm>> -> memref<1x125x80xi32, #tpu.memory_space<hbm>>
      %dma_start3A_63 = tpu.memref_squeeze %dma_start3A_62 : memref<1x125x80xi32, #tpu.memory_space<hbm>> -> memref<125x80xi32, #tpu.memory_space<hbm>>
      %dma_start3A_64 = arith.constant 125 : i32
      %dma_start3A_65 = arith.constant 0 : i32
      %dma_start3A_66 = tpu.memref_slice %arg7[%dma_start3A_64, %dma_start3A_65] : memref<250x80xi32, #tpu.memory_space<vmem>> -> memref<125x80xi32, #tpu.memory_space<vmem>>
      %dma_start3A_67 = arith.constant 0 : i32
      %dma_start3A_68 = arith.constant 0 : i32
      %dma_start3A_69 = tpu.memref_slice %arg2[%add3A_7, %dma_start3A_67, %dma_start3A_68] : memref<32x125x80xi32, #tpu.memory_space<hbm>> -> memref<1x125x80xi32, #tpu.memory_space<hbm>>
      %dma_start3A_70 = tpu.memref_squeeze %dma_start3A_69 : memref<1x125x80xi32, #tpu.memory_space<hbm>> -> memref<125x80xi32, #tpu.memory_space<hbm>>
      tpu.enqueue_dma source(%dma_start3A_70 : memref<125x80xi32, #tpu.memory_space<hbm>>) target(%dma_start3A_66 : memref<125x80xi32, #tpu.memory_space<vmem>>) target_semaphore(%run_scoped3A_56 : memref<!tpu.dma_semaphore, #tpu.memory_space<semaphore_mem>>)
      %dma_wait3A_71 = arith.constant 125 : i32
      %dma_wait3A_72 = arith.constant 0 : i32
      %dma_wait3A_73 = tpu.memref_slice %arg7[%dma_wait3A_71, %dma_wait3A_72] : memref<250x80xi32, #tpu.memory_space<vmem>> -> memref<125x80xi32, #tpu.memory_space<vmem>>
      %dma_wait3A_74 = arith.constant 0 : i32
      %dma_wait3A_75 = arith.constant 0 : i32
      %dma_wait3A_76 = tpu.memref_slice %arg2[%add3A_7, %dma_wait3A_74, %dma_wait3A_75] : memref<32x125x80xi32, #tpu.memory_space<hbm>> -> memref<1x125x80xi32, #tpu.memory_space<hbm>>
      %dma_wait3A_77 = tpu.memref_squeeze %dma_wait3A_76 : memref<1x125x80xi32, #tpu.memory_space<hbm>> -> memref<125x80xi32, #tpu.memory_space<hbm>>
      %dma_wait3A_78 = arith.constant 125 : i32
      %dma_wait3A_79 = arith.constant 0 : i32
      %dma_wait3A_80 = tpu.memref_slice %arg7[%dma_wait3A_78, %dma_wait3A_79] : memref<250x80xi32, #tpu.memory_space<vmem>> -> memref<125x80xi32, #tpu.memory_space<vmem>>
      %dma_wait3A_81 = arith.constant 0 : i32
      %dma_wait3A_82 = arith.constant 0 : i32
      %dma_wait3A_83 = tpu.memref_slice %arg2[%add3A_7, %dma_wait3A_81, %dma_wait3A_82] : memref<32x125x80xi32, #tpu.memory_space<hbm>> -> memref<1x125x80xi32, #tpu.memory_space<hbm>>
      %dma_wait3A_84 = tpu.memref_squeeze %dma_wait3A_83 : memref<1x125x80xi32, #tpu.memory_space<hbm>> -> memref<125x80xi32, #tpu.memory_space<hbm>>
      tpu.wait_dma2 semaphore(%run_scoped3A_56 : memref<!tpu.dma_semaphore, #tpu.memory_space<semaphore_mem>>) src(%dma_wait3A_84 : memref<125x80xi32, #tpu.memory_space<hbm>>) dst(%dma_wait3A_80 : memref<125x80xi32, #tpu.memory_space<vmem>>)
      tpu.yield
    }) : () -> ()
    "tpu.region"() ({
      %run_scoped3A_56 = tpu.sem_alloc : memref<!tpu.dma_semaphore, #tpu.memory_space<semaphore_mem>>
      %dma_start3A_57 = arith.constant 0 : i32
      %dma_start3A_58 = arith.constant 0 : i32
      %dma_start3A_59 = tpu.memref_slice %arg8[%dma_start3A_57, %dma_start3A_58] : memref<250x80xi32, #tpu.memory_space<vmem>> -> memref<125x80xi32, #tpu.memory_space<vmem>>
      %dma_start3A_60 = arith.constant 0 : i32
      %dma_start3A_61 = arith.constant 0 : i32
      %dma_start3A_62 = tpu.memref_slice %arg3[%arg1, %dma_start3A_60, %dma_start3A_61] : memref<32x125x80xi32, #tpu.memory_space<hbm>> -> memref<1x125x80xi32, #tpu.memory_space<hbm>>
      %dma_start3A_63 = tpu.memref_squeeze %dma_start3A_62 : memref<1x125x80xi32, #tpu.memory_space<hbm>> -> memref<125x80xi32, #tpu.memory_space<hbm>>
      %dma_start3A_64 = arith.constant 0 : i32
      %dma_start3A_65 = arith.constant 0 : i32
      %dma_start3A_66 = tpu.memref_slice %arg8[%dma_start3A_64, %dma_start3A_65] : memref<250x80xi32, #tpu.memory_space<vmem>> -> memref<125x80xi32, #tpu.memory_space<vmem>>
      %dma_start3A_67 = arith.constant 0 : i32
      %dma_start3A_68 = arith.constant 0 : i32
      %dma_start3A_69 = tpu.memref_slice %arg3[%arg1, %dma_start3A_67, %dma_start3A_68] : memref<32x125x80xi32, #tpu.memory_space<hbm>> -> memref<1x125x80xi32, #tpu.memory_space<hbm>>
      %dma_start3A_70 = tpu.memref_squeeze %dma_start3A_69 : memref<1x125x80xi32, #tpu.memory_space<hbm>> -> memref<125x80xi32, #tpu.memory_space<hbm>>
      tpu.enqueue_dma source(%dma_start3A_70 : memref<125x80xi32, #tpu.memory_space<hbm>>) target(%dma_start3A_66 : memref<125x80xi32, #tpu.memory_space<vmem>>) target_semaphore(%run_scoped3A_56 : memref<!tpu.dma_semaphore, #tpu.memory_space<semaphore_mem>>)
      %dma_wait3A_71 = arith.constant 0 : i32
      %dma_wait3A_72 = arith.constant 0 : i32
      %dma_wait3A_73 = tpu.memref_slice %arg8[%dma_wait3A_71, %dma_wait3A_72] : memref<250x80xi32, #tpu.memory_space<vmem>> -> memref<125x80xi32, #tpu.memory_space<vmem>>
      %dma_wait3A_74 = arith.constant 0 : i32
      %dma_wait3A_75 = arith.constant 0 : i32
      %dma_wait3A_76 = tpu.memref_slice %arg3[%arg1, %dma_wait3A_74, %dma_wait3A_75] : memref<32x125x80xi32, #tpu.memory_space<hbm>> -> memref<1x125x80xi32, #tpu.memory_space<hbm>>
      %dma_wait3A_77 = tpu.memref_squeeze %dma_wait3A_76 : memref<1x125x80xi32, #tpu.memory_space<hbm>> -> memref<125x80xi32, #tpu.memory_space<hbm>>
      %dma_wait3A_78 = arith.constant 0 : i32
      %dma_wait3A_79 = arith.constant 0 : i32
      %dma_wait3A_80 = tpu.memref_slice %arg8[%dma_wait3A_78, %dma_wait3A_79] : memref<250x80xi32, #tpu.memory_space<vmem>> -> memref<125x80xi32, #tpu.memory_space<vmem>>
      %dma_wait3A_81 = arith.constant 0 : i32
      %dma_wait3A_82 = arith.constant 0 : i32
      %dma_wait3A_83 = tpu.memref_slice %arg3[%arg1, %dma_wait3A_81, %dma_wait3A_82] : memref<32x125x80xi32, #tpu.memory_space<hbm>> -> memref<1x125x80xi32, #tpu.memory_space<hbm>>
      %dma_wait3A_84 = tpu.memref_squeeze %dma_wait3A_83 : memref<1x125x80xi32, #tpu.memory_space<hbm>> -> memref<125x80xi32, #tpu.memory_space<hbm>>
      tpu.wait_dma2 semaphore(%run_scoped3A_56 : memref<!tpu.dma_semaphore, #tpu.memory_space<semaphore_mem>>) src(%dma_wait3A_84 : memref<125x80xi32, #tpu.memory_space<hbm>>) dst(%dma_wait3A_80 : memref<125x80xi32, #tpu.memory_space<vmem>>)
      tpu.yield
    }) : () -> ()
    %add3A_8 = arith.constant 16 : i32
    %add3A_9 = arith.addi %arg1, %add3A_8 : i32
    "tpu.region"() ({
      %run_scoped3A_56 = tpu.sem_alloc : memref<!tpu.dma_semaphore, #tpu.memory_space<semaphore_mem>>
      %dma_start3A_57 = arith.constant 125 : i32
      %dma_start3A_58 = arith.constant 0 : i32
      %dma_start3A_59 = tpu.memref_slice %arg8[%dma_start3A_57, %dma_start3A_58] : memref<250x80xi32, #tpu.memory_space<vmem>> -> memref<125x80xi32, #tpu.memory_space<vmem>>
      %dma_start3A_60 = arith.constant 0 : i32
      %dma_start3A_61 = arith.constant 0 : i32
      %dma_start3A_62 = tpu.memref_slice %arg3[%add3A_9, %dma_start3A_60, %dma_start3A_61] : memref<32x125x80xi32, #tpu.memory_space<hbm>> -> memref<1x125x80xi32, #tpu.memory_space<hbm>>
      %dma_start3A_63 = tpu.memref_squeeze %dma_start3A_62 : memref<1x125x80xi32, #tpu.memory_space<hbm>> -> memref<125x80xi32, #tpu.memory_space<hbm>>
      %dma_start3A_64 = arith.constant 125 : i32
      %dma_start3A_65 = arith.constant 0 : i32
      %dma_start3A_66 = tpu.memref_slice %arg8[%dma_start3A_64, %dma_start3A_65] : memref<250x80xi32, #tpu.memory_space<vmem>> -> memref<125x80xi32, #tpu.memory_space<vmem>>
      %dma_start3A_67 = arith.constant 0 : i32
      %dma_start3A_68 = arith.constant 0 : i32
      %dma_start3A_69 = tpu.memref_slice %arg3[%add3A_9, %dma_start3A_67, %dma_start3A_68] : memref<32x125x80xi32, #tpu.memory_space<hbm>> -> memref<1x125x80xi32, #tpu.memory_space<hbm>>
      %dma_start3A_70 = tpu.memref_squeeze %dma_start3A_69 : memref<1x125x80xi32, #tpu.memory_space<hbm>> -> memref<125x80xi32, #tpu.memory_space<hbm>>
      tpu.enqueue_dma source(%dma_start3A_70 : memref<125x80xi32, #tpu.memory_space<hbm>>) target(%dma_start3A_66 : memref<125x80xi32, #tpu.memory_space<vmem>>) target_semaphore(%run_scoped3A_56 : memref<!tpu.dma_semaphore, #tpu.memory_space<semaphore_mem>>)
      %dma_wait3A_71 = arith.constant 125 : i32
      %dma_wait3A_72 = arith.constant 0 : i32
      %dma_wait3A_73 = tpu.memref_slice %arg8[%dma_wait3A_71, %dma_wait3A_72] : memref<250x80xi32, #tpu.memory_space<vmem>> -> memref<125x80xi32, #tpu.memory_space<vmem>>
      %dma_wait3A_74 = arith.constant 0 : i32
      %dma_wait3A_75 = arith.constant 0 : i32
      %dma_wait3A_76 = tpu.memref_slice %arg3[%add3A_9, %dma_wait3A_74, %dma_wait3A_75] : memref<32x125x80xi32, #tpu.memory_space<hbm>> -> memref<1x125x80xi32, #tpu.memory_space<hbm>>
      %dma_wait3A_77 = tpu.memref_squeeze %dma_wait3A_76 : memref<1x125x80xi32, #tpu.memory_space<hbm>> -> memref<125x80xi32, #tpu.memory_space<hbm>>
      %dma_wait3A_78 = arith.constant 125 : i32
      %dma_wait3A_79 = arith.constant 0 : i32
      %dma_wait3A_80 = tpu.memref_slice %arg8[%dma_wait3A_78, %dma_wait3A_79] : memref<250x80xi32, #tpu.memory_space<vmem>> -> memref<125x80xi32, #tpu.memory_space<vmem>>
      %dma_wait3A_81 = arith.constant 0 : i32
      %dma_wait3A_82 = arith.constant 0 : i32
      %dma_wait3A_83 = tpu.memref_slice %arg3[%add3A_9, %dma_wait3A_81, %dma_wait3A_82] : memref<32x125x80xi32, #tpu.memory_space<hbm>> -> memref<1x125x80xi32, #tpu.memory_space<hbm>>
      %dma_wait3A_84 = tpu.memref_squeeze %dma_wait3A_83 : memref<1x125x80xi32, #tpu.memory_space<hbm>> -> memref<125x80xi32, #tpu.memory_space<hbm>>
      tpu.wait_dma2 semaphore(%run_scoped3A_56 : memref<!tpu.dma_semaphore, #tpu.memory_space<semaphore_mem>>) src(%dma_wait3A_84 : memref<125x80xi32, #tpu.memory_space<hbm>>) dst(%dma_wait3A_80 : memref<125x80xi32, #tpu.memory_space<vmem>>)
      tpu.yield
    }) : () -> ()
    %scan3A = arith.constant 0 : i32
    %scan3A_10 = arith.constant 250 : i32
    %scan3A_11 = arith.addi %scan3A, %scan3A_10 : i32
    %scan3A_12 = arith.constant 1 : i32
    scf.for %scan3A_56 = %scan3A to %scan3A_11 step %scan3A_12  : i32 {
      %mul3A_57 = arith.constant 1 : i32
      %mul3A_58 = arith.muli %scan3A_56, %mul3A_57 : i32
      %add3A_59 = arith.constant 0 : i32
      %add3A_60 = arith.addi %add3A_59, %mul3A_58 : i32
      %get3A = arith.index_cast %add3A_60 : i32 to index
      %get3A_61 = arith.constant 0 : index
      %get3A_62 = tpu.vector_load %arg8[%get3A, %get3A_61] {strides = array<i32>} : memref<250x80xi32, #tpu.memory_space<vmem>>, vector<1x16xi32>,
      %get3A_63 = vector.shape_cast %get3A_62 : vector<1x16xi32> to vector<16xi32>
      %ge3A = vector.broadcast %mul3A_0 : i32 to vector<16xi32>
      %ge3A_64 = arith.cmpi sge, %get3A_63, %ge3A : vector<16xi32>
      %add3A_65 = arith.constant 5000 : i32
      %add3A_66 = arith.addi %mul3A_0, %add3A_65 : i32
      %lt3A = vector.broadcast %add3A_66 : i32 to vector<16xi32>
      %lt3A_67 = arith.cmpi slt, %get3A_63, %lt3A : vector<16xi32>
      %and3A = arith.andi %ge3A_64, %lt3A_67 : vector<16xi1>
      %sub3A = vector.broadcast %mul3A_0 : i32 to vector<16xi32>
      %sub3A_68 = arith.subi %get3A_63, %sub3A : vector<16xi32>
      %jit3A = arith.constant 5000 : i32
      %broadcast_in_dim3A = vector.broadcast %jit3A : i32 to vector<16xi32>
      %select_n3A = arith.select %and3A, %sub3A_68, %broadcast_in_dim3A : vector<16xi1>, vector<16xi32>
      %swap3A = arith.index_cast %add3A_60 : i32 to index
      %swap3A_69 = arith.constant 0 : index
      %swap3A_70 = tpu.vector_load %arg8[%swap3A, %swap3A_69] {strides = array<i32>} : memref<250x80xi32, #tpu.memory_space<vmem>>, vector<1x16xi32>,
      %swap3A_71 = vector.shape_cast %swap3A_70 : vector<1x16xi32> to vector<16xi32>
      %swap3A_72 = vector.shape_cast %select_n3A : vector<16xi32> to vector<1x16xi32>
      tpu.vector_store %arg8[%swap3A, %swap3A_69], %swap3A_72 {strides = array<i32>} : memref<250x80xi32, #tpu.memory_space<vmem>>, vector<1x16xi32>,
      %get3A_73 = arith.index_cast %add3A_60 : i32 to index
      %get3A_74 = arith.constant 16 : index
      %get3A_75 = tpu.vector_load %arg8[%get3A_73, %get3A_74] {strides = array<i32>} : memref<250x80xi32, #tpu.memory_space<vmem>>, vector<1x16xi32>,
      %get3A_76 = vector.shape_cast %get3A_75 : vector<1x16xi32> to vector<16xi32>
      %ge3A_77 = vector.broadcast %mul3A_0 : i32 to vector<16xi32>
      %ge3A_78 = arith.cmpi sge, %get3A_76, %ge3A_77 : vector<16xi32>
      %add3A_79 = arith.constant 5000 : i32
      %add3A_80 = arith.addi %mul3A_0, %add3A_79 : i32
      %lt3A_81 = vector.broadcast %add3A_80 : i32 to vector<16xi32>
      %lt3A_82 = arith.cmpi slt, %get3A_76, %lt3A_81 : vector<16xi32>
      %and3A_83 = arith.andi %ge3A_78, %lt3A_82 : vector<16xi1>
      %sub3A_84 = vector.broadcast %mul3A_0 : i32 to vector<16xi32>
      %sub3A_85 = arith.subi %get3A_76, %sub3A_84 : vector<16xi32>
      %jit3A_86 = arith.constant 5000 : i32
      %broadcast_in_dim3A_87 = vector.broadcast %jit3A_86 : i32 to vector<16xi32>
      %select_n3A_88 = arith.select %and3A_83, %sub3A_85, %broadcast_in_dim3A_87 : vector<16xi1>, vector<16xi32>
      %swap3A_89 = arith.index_cast %add3A_60 : i32 to index
      %swap3A_90 = arith.constant 16 : index
      %swap3A_91 = tpu.vector_load %arg8[%swap3A_89, %swap3A_90] {strides = array<i32>} : memref<250x80xi32, #tpu.memory_space<vmem>>, vector<1x16xi32>,
      %swap3A_92 = vector.shape_cast %swap3A_91 : vector<1x16xi32> to vector<16xi32>
      %swap3A_93 = vector.shape_cast %select_n3A_88 : vector<16xi32> to vector<1x16xi32>
      tpu.vector_store %arg8[%swap3A_89, %swap3A_90], %swap3A_93 {strides = array<i32>} : memref<250x80xi32, #tpu.memory_space<vmem>>, vector<1x16xi32>,
      %get3A_94 = arith.index_cast %add3A_60 : i32 to index
      %get3A_95 = arith.constant 32 : index
      %get3A_96 = tpu.vector_load %arg8[%get3A_94, %get3A_95] {strides = array<i32>} : memref<250x80xi32, #tpu.memory_space<vmem>>, vector<1x16xi32>,
      %get3A_97 = vector.shape_cast %get3A_96 : vector<1x16xi32> to vector<16xi32>
      %ge3A_98 = vector.broadcast %mul3A_0 : i32 to vector<16xi32>
      %ge3A_99 = arith.cmpi sge, %get3A_97, %ge3A_98 : vector<16xi32>
      %add3A_100 = arith.constant 5000 : i32
      %add3A_101 = arith.addi %mul3A_0, %add3A_100 : i32
      %lt3A_102 = vector.broadcast %add3A_101 : i32 to vector<16xi32>
      %lt3A_103 = arith.cmpi slt, %get3A_97, %lt3A_102 : vector<16xi32>
      %and3A_104 = arith.andi %ge3A_99, %lt3A_103 : vector<16xi1>
      %sub3A_105 = vector.broadcast %mul3A_0 : i32 to vector<16xi32>
      %sub3A_106 = arith.subi %get3A_97, %sub3A_105 : vector<16xi32>
      %jit3A_107 = arith.constant 5000 : i32
      %broadcast_in_dim3A_108 = vector.broadcast %jit3A_107 : i32 to vector<16xi32>
      %select_n3A_109 = arith.select %and3A_104, %sub3A_106, %broadcast_in_dim3A_108 : vector<16xi1>, vector<16xi32>
      %swap3A_110 = arith.index_cast %add3A_60 : i32 to index
      %swap3A_111 = arith.constant 32 : index
      %swap3A_112 = tpu.vector_load %arg8[%swap3A_110, %swap3A_111] {strides = array<i32>} : memref<250x80xi32, #tpu.memory_space<vmem>>, vector<1x16xi32>,
      %swap3A_113 = vector.shape_cast %swap3A_112 : vector<1x16xi32> to vector<16xi32>
      %swap3A_114 = vector.shape_cast %select_n3A_109 : vector<16xi32> to vector<1x16xi32>
      tpu.vector_store %arg8[%swap3A_110, %swap3A_111], %swap3A_114 {strides = array<i32>} : memref<250x80xi32, #tpu.memory_space<vmem>>, vector<1x16xi32>,
      %get3A_115 = arith.index_cast %add3A_60 : i32 to index
      %get3A_116 = arith.constant 48 : index
      %get3A_117 = tpu.vector_load %arg8[%get3A_115, %get3A_116] {strides = array<i32>} : memref<250x80xi32, #tpu.memory_space<vmem>>, vector<1x16xi32>,
      %get3A_118 = vector.shape_cast %get3A_117 : vector<1x16xi32> to vector<16xi32>
      %ge3A_119 = vector.broadcast %mul3A_0 : i32 to vector<16xi32>
      %ge3A_120 = arith.cmpi sge, %get3A_118, %ge3A_119 : vector<16xi32>
      %add3A_121 = arith.constant 5000 : i32
      %add3A_122 = arith.addi %mul3A_0, %add3A_121 : i32
      %lt3A_123 = vector.broadcast %add3A_122 : i32 to vector<16xi32>
      %lt3A_124 = arith.cmpi slt, %get3A_118, %lt3A_123 : vector<16xi32>
      %and3A_125 = arith.andi %ge3A_120, %lt3A_124 : vector<16xi1>
      %sub3A_126 = vector.broadcast %mul3A_0 : i32 to vector<16xi32>
      %sub3A_127 = arith.subi %get3A_118, %sub3A_126 : vector<16xi32>
      %jit3A_128 = arith.constant 5000 : i32
      %broadcast_in_dim3A_129 = vector.broadcast %jit3A_128 : i32 to vector<16xi32>
      %select_n3A_130 = arith.select %and3A_125, %sub3A_127, %broadcast_in_dim3A_129 : vector<16xi1>, vector<16xi32>
      %swap3A_131 = arith.index_cast %add3A_60 : i32 to index
      %swap3A_132 = arith.constant 48 : index
      %swap3A_133 = tpu.vector_load %arg8[%swap3A_131, %swap3A_132] {strides = array<i32>} : memref<250x80xi32, #tpu.memory_space<vmem>>, vector<1x16xi32>,
      %swap3A_134 = vector.shape_cast %swap3A_133 : vector<1x16xi32> to vector<16xi32>
      %swap3A_135 = vector.shape_cast %select_n3A_130 : vector<16xi32> to vector<1x16xi32>
      tpu.vector_store %arg8[%swap3A_131, %swap3A_132], %swap3A_135 {strides = array<i32>} : memref<250x80xi32, #tpu.memory_space<vmem>>, vector<1x16xi32>,
      %get3A_136 = arith.index_cast %add3A_60 : i32 to index
      %get3A_137 = arith.constant 64 : index
      %get3A_138 = tpu.vector_load %arg8[%get3A_136, %get3A_137] {strides = array<i32>} : memref<250x80xi32, #tpu.memory_space<vmem>>, vector<1x16xi32>,
      %get3A_139 = vector.shape_cast %get3A_138 : vector<1x16xi32> to vector<16xi32>
      %ge3A_140 = vector.broadcast %mul3A_0 : i32 to vector<16xi32>
      %ge3A_141 = arith.cmpi sge, %get3A_139, %ge3A_140 : vector<16xi32>
      %add3A_142 = arith.constant 5000 : i32
      %add3A_143 = arith.addi %mul3A_0, %add3A_142 : i32
      %lt3A_144 = vector.broadcast %add3A_143 : i32 to vector<16xi32>
      %lt3A_145 = arith.cmpi slt, %get3A_139, %lt3A_144 : vector<16xi32>
      %and3A_146 = arith.andi %ge3A_141, %lt3A_145 : vector<16xi1>
      %sub3A_147 = vector.broadcast %mul3A_0 : i32 to vector<16xi32>
      %sub3A_148 = arith.subi %get3A_139, %sub3A_147 : vector<16xi32>
      %jit3A_149 = arith.constant 5000 : i32
      %broadcast_in_dim3A_150 = vector.broadcast %jit3A_149 : i32 to vector<16xi32>
      %select_n3A_151 = arith.select %and3A_146, %sub3A_148, %broadcast_in_dim3A_150 : vector<16xi1>, vector<16xi32>
      %swap3A_152 = arith.index_cast %add3A_60 : i32 to index
      %swap3A_153 = arith.constant 64 : index
      %swap3A_154 = tpu.vector_load %arg8[%swap3A_152, %swap3A_153] {strides = array<i32>} : memref<250x80xi32, #tpu.memory_space<vmem>>, vector<1x16xi32>,
      %swap3A_155 = vector.shape_cast %swap3A_154 : vector<1x16xi32> to vector<16xi32>
      %swap3A_156 = vector.shape_cast %select_n3A_151 : vector<16xi32> to vector<1x16xi32>
      tpu.vector_store %arg8[%swap3A_152, %swap3A_153], %swap3A_156 {strides = array<i32>} : memref<250x80xi32, #tpu.memory_space<vmem>>, vector<1x16xi32>,
    }
    %scan3A_13 = arith.constant 250 : i32
    %barrier3A = arith.constant 0 : index
    tpu.barrier barrier_id(%barrier3A)
    %dma_start3A = arith.constant 0 : i32
    %dma_start3A_14 = arith.constant 0 : i32
    %dma_start3A_15 = tpu.memref_slice %arg7[%dma_start3A, %dma_start3A_14] : memref<250x80xi32, #tpu.memory_space<vmem>> -> memref<1x80xi32, #tpu.memory_space<vmem>>
    %dma_start3A_16 = tpu.memref_squeeze %dma_start3A_15 : memref<1x80xi32, #tpu.memory_space<vmem>> -> memref<80xi32, #tpu.memory_space<vmem>>
    %dma_start3A_17 = arith.constant 0 : i32
    %dma_start3A_18 = arith.constant 0 : i32
    %dma_start3A_19 = tpu.memref_slice %arg4[%dma_start3A_17, %dma_start3A_18] : memref<10000x128xf32, #tpu.memory_space<hbm>> -> memref<10000x128xf32, #tpu.memory_space<hbm>>
    tpu.enqueue_indirect_dma source(%dma_start3A_19 : memref<10000x128xf32, #tpu.memory_space<hbm>>) target(%arg9 : memref<80x128xf32, #tpu.memory_space<vmem>>) offsets(%dma_start3A_16 : memref<80xi32, #tpu.memory_space<vmem>>) semaphore(%arg12 : memref<!tpu.dma_semaphore, #tpu.memory_space<semaphore_mem>>)
    %scan3A_20 = arith.constant 0 : i32
    %scan3A_21 = arith.constant 124 : i32
    %scan3A_22 = arith.addi %scan3A_20, %scan3A_21 : i32
    %scan3A_23 = arith.constant 1 : i32
    scf.for %scan3A_56 = %scan3A_20 to %scan3A_22 step %scan3A_23  : i32 {
      %mul3A_57 = arith.constant 2 : i32
      %mul3A_58 = arith.muli %scan3A_56, %mul3A_57 : i32
      %add3A_59 = arith.constant 0 : i32
      %add3A_60 = arith.addi %add3A_59, %mul3A_58 : i32
      %add3A_61 = arith.constant 1 : i32
      %add3A_62 = arith.addi %add3A_60, %add3A_61 : i32
      %dma_start3A_63 = arith.constant 0 : i32
      %dma_start3A_64 = tpu.memref_slice %arg7[%add3A_62, %dma_start3A_63] : memref<250x80xi32, #tpu.memory_space<vmem>> -> memref<1x80xi32, #tpu.memory_space<vmem>>
      %dma_start3A_65 = tpu.memref_squeeze %dma_start3A_64 : memref<1x80xi32, #tpu.memory_space<vmem>> -> memref<80xi32, #tpu.memory_space<vmem>>
      %dma_start3A_66 = arith.constant 0 : i32
      %dma_start3A_67 = arith.constant 0 : i32
      %dma_start3A_68 = tpu.memref_slice %arg4[%dma_start3A_66, %dma_start3A_67] : memref<10000x128xf32, #tpu.memory_space<hbm>> -> memref<10000x128xf32, #tpu.memory_space<hbm>>
      tpu.enqueue_indirect_dma source(%dma_start3A_68 : memref<10000x128xf32, #tpu.memory_space<hbm>>) target(%arg10 : memref<80x128xf32, #tpu.memory_space<vmem>>) offsets(%dma_start3A_65 : memref<80xi32, #tpu.memory_space<vmem>>) semaphore(%arg13 : memref<!tpu.dma_semaphore, #tpu.memory_space<semaphore_mem>>)
      %dma_wait3A_69 = arith.constant 0 : i32
      %dma_wait3A_70 = tpu.memref_slice %arg7[%add3A_60, %dma_wait3A_69] : memref<250x80xi32, #tpu.memory_space<vmem>> -> memref<1x80xi32, #tpu.memory_space<vmem>>
      %dma_wait3A_71 = tpu.memref_squeeze %dma_wait3A_70 : memref<1x80xi32, #tpu.memory_space<vmem>> -> memref<80xi32, #tpu.memory_space<vmem>>
      %dma_wait3A_72 = arith.constant 0 : i32
      %dma_wait3A_73 = arith.constant 0 : i32
      %dma_wait3A_74 = tpu.memref_slice %arg4[%dma_wait3A_72, %dma_wait3A_73] : memref<10000x128xf32, #tpu.memory_space<hbm>> -> memref<10000x128xf32, #tpu.memory_space<hbm>>
      tpu.wait_indirect_dma semaphore(%arg12 : memref<!tpu.dma_semaphore, #tpu.memory_space<semaphore_mem>>) src(%dma_wait3A_74 : memref<10000x128xf32, #tpu.memory_space<hbm>>) dst(%arg9 : memref<80x128xf32, #tpu.memory_space<vmem>>)
      "tpu.region"() ({
        %run_scoped3A_93 = tpu.sem_alloc : memref<!tpu.dma_semaphore, #tpu.memory_space<semaphore_mem>>
        %dma_start3A_94 = arith.constant 0 : i32
        %dma_start3A_95 = tpu.memref_slice %arg8[%add3A_60, %dma_start3A_94] : memref<250x80xi32, #tpu.memory_space<vmem>> -> memref<1x80xi32, #tpu.memory_space<vmem>>
        %dma_start3A_96 = tpu.memref_squeeze %dma_start3A_95 : memref<1x80xi32, #tpu.memory_space<vmem>> -> memref<80xi32, #tpu.memory_space<vmem>>
        %dma_start3A_97 = arith.constant 0 : i32
        %dma_start3A_98 = arith.constant 0 : i32
        %dma_start3A_99 = tpu.memref_slice %arg11[%dma_start3A_97, %dma_start3A_98] : memref<5008x128xf32, #tpu.memory_space<vmem_shared>> -> memref<5008x128xf32, #tpu.memory_space<vmem_shared>>
        tpu.enqueue_indirect_dma source(%arg9 : memref<80x128xf32, #tpu.memory_space<vmem>>) target(%dma_start3A_99 : memref<5008x128xf32, #tpu.memory_space<vmem_shared>>) offsets(%dma_start3A_96 : memref<80xi32, #tpu.memory_space<vmem>>) semaphore(%run_scoped3A_93 : memref<!tpu.dma_semaphore, #tpu.memory_space<semaphore_mem>>) {add = true}
        %dma_wait3A_100 = arith.constant 0 : i32
        %dma_wait3A_101 = tpu.memref_slice %arg8[%add3A_60, %dma_wait3A_100] : memref<250x80xi32, #tpu.memory_space<vmem>> -> memref<1x80xi32, #tpu.memory_space<vmem>>
        %dma_wait3A_102 = tpu.memref_squeeze %dma_wait3A_101 : memref<1x80xi32, #tpu.memory_space<vmem>> -> memref<80xi32, #tpu.memory_space<vmem>>
        %dma_wait3A_103 = arith.constant 0 : i32
        %dma_wait3A_104 = arith.constant 0 : i32
        %dma_wait3A_105 = tpu.memref_slice %arg11[%dma_wait3A_103, %dma_wait3A_104] : memref<5008x128xf32, #tpu.memory_space<vmem_shared>> -> memref<5008x128xf32, #tpu.memory_space<vmem_shared>>
        tpu.wait_indirect_dma semaphore(%run_scoped3A_93 : memref<!tpu.dma_semaphore, #tpu.memory_space<semaphore_mem>>) src(%arg9 : memref<80x128xf32, #tpu.memory_space<vmem>>) dst(%dma_wait3A_105 : memref<5008x128xf32, #tpu.memory_space<vmem_shared>>)
        tpu.yield
      }) : () -> ()
      %add3A_75 = arith.constant 2 : i32
      %add3A_76 = arith.addi %add3A_60, %add3A_75 : i32
      %dma_start3A_77 = arith.constant 0 : i32
      %dma_start3A_78 = tpu.memref_slice %arg7[%add3A_76, %dma_start3A_77] : memref<250x80xi32, #tpu.memory_space<vmem>> -> memref<1x80xi32, #tpu.memory_space<vmem>>
      %dma_start3A_79 = tpu.memref_squeeze %dma_start3A_78 : memref<1x80xi32, #tpu.memory_space<vmem>> -> memref<80xi32, #tpu.memory_space<vmem>>
      %dma_start3A_80 = arith.constant 0 : i32
      %dma_start3A_81 = arith.constant 0 : i32
      %dma_start3A_82 = tpu.memref_slice %arg4[%dma_start3A_80, %dma_start3A_81] : memref<10000x128xf32, #tpu.memory_space<hbm>> -> memref<10000x128xf32, #tpu.memory_space<hbm>>
      tpu.enqueue_indirect_dma source(%dma_start3A_82 : memref<10000x128xf32, #tpu.memory_space<hbm>>) target(%arg9 : memref<80x128xf32, #tpu.memory_space<vmem>>) offsets(%dma_start3A_79 : memref<80xi32, #tpu.memory_space<vmem>>) semaphore(%arg12 : memref<!tpu.dma_semaphore, #tpu.memory_space<semaphore_mem>>)
      %add3A_83 = arith.constant 1 : i32
      %add3A_84 = arith.addi %add3A_60, %add3A_83 : i32
      %dma_wait3A_85 = arith.constant 0 : i32
      %dma_wait3A_86 = tpu.memref_slice %arg7[%add3A_84, %dma_wait3A_85] : memref<250x80xi32, #tpu.memory_space<vmem>> -> memref<1x80xi32, #tpu.memory_space<vmem>>
      %dma_wait3A_87 = tpu.memref_squeeze %dma_wait3A_86 : memref<1x80xi32, #tpu.memory_space<vmem>> -> memref<80xi32, #tpu.memory_space<vmem>>
      %dma_wait3A_88 = arith.constant 0 : i32
      %dma_wait3A_89 = arith.constant 0 : i32
      %dma_wait3A_90 = tpu.memref_slice %arg4[%dma_wait3A_88, %dma_wait3A_89] : memref<10000x128xf32, #tpu.memory_space<hbm>> -> memref<10000x128xf32, #tpu.memory_space<hbm>>
      tpu.wait_indirect_dma semaphore(%arg13 : memref<!tpu.dma_semaphore, #tpu.memory_space<semaphore_mem>>) src(%dma_wait3A_90 : memref<10000x128xf32, #tpu.memory_space<hbm>>) dst(%arg10 : memref<80x128xf32, #tpu.memory_space<vmem>>)
      %add3A_91 = arith.constant 1 : i32
      %add3A_92 = arith.addi %add3A_60, %add3A_91 : i32
      "tpu.region"() ({
        %run_scoped3A_93 = tpu.sem_alloc : memref<!tpu.dma_semaphore, #tpu.memory_space<semaphore_mem>>
        %dma_start3A_94 = arith.constant 0 : i32
        %dma_start3A_95 = tpu.memref_slice %arg8[%add3A_92, %dma_start3A_94] : memref<250x80xi32, #tpu.memory_space<vmem>> -> memref<1x80xi32, #tpu.memory_space<vmem>>
        %dma_start3A_96 = tpu.memref_squeeze %dma_start3A_95 : memref<1x80xi32, #tpu.memory_space<vmem>> -> memref<80xi32, #tpu.memory_space<vmem>>
        %dma_start3A_97 = arith.constant 0 : i32
        %dma_start3A_98 = arith.constant 0 : i32
        %dma_start3A_99 = tpu.memref_slice %arg11[%dma_start3A_97, %dma_start3A_98] : memref<5008x128xf32, #tpu.memory_space<vmem_shared>> -> memref<5008x128xf32, #tpu.memory_space<vmem_shared>>
        tpu.enqueue_indirect_dma source(%arg10 : memref<80x128xf32, #tpu.memory_space<vmem>>) target(%dma_start3A_99 : memref<5008x128xf32, #tpu.memory_space<vmem_shared>>) offsets(%dma_start3A_96 : memref<80xi32, #tpu.memory_space<vmem>>) semaphore(%run_scoped3A_93 : memref<!tpu.dma_semaphore, #tpu.memory_space<semaphore_mem>>) {add = true}
        %dma_wait3A_100 = arith.constant 0 : i32
        %dma_wait3A_101 = tpu.memref_slice %arg8[%add3A_92, %dma_wait3A_100] : memref<250x80xi32, #tpu.memory_space<vmem>> -> memref<1x80xi32, #tpu.memory_space<vmem>>
        %dma_wait3A_102 = tpu.memref_squeeze %dma_wait3A_101 : memref<1x80xi32, #tpu.memory_space<vmem>> -> memref<80xi32, #tpu.memory_space<vmem>>
        %dma_wait3A_103 = arith.constant 0 : i32
        %dma_wait3A_104 = arith.constant 0 : i32
        %dma_wait3A_105 = tpu.memref_slice %arg11[%dma_wait3A_103, %dma_wait3A_104] : memref<5008x128xf32, #tpu.memory_space<vmem_shared>> -> memref<5008x128xf32, #tpu.memory_space<vmem_shared>>
        tpu.wait_indirect_dma semaphore(%run_scoped3A_93 : memref<!tpu.dma_semaphore, #tpu.memory_space<semaphore_mem>>) src(%arg10 : memref<80x128xf32, #tpu.memory_space<vmem>>) dst(%dma_wait3A_105 : memref<5008x128xf32, #tpu.memory_space<vmem_shared>>)
        tpu.yield
      }) : () -> ()
    }
    %scan3A_24 = arith.constant 124 : i32
    %dma_start3A_25 = arith.constant 249 : i32
    %dma_start3A_26 = arith.constant 0 : i32
    %dma_start3A_27 = tpu.memref_slice %arg7[%dma_start3A_25, %dma_start3A_26] : memref<250x80xi32, #tpu.memory_space<vmem>> -> memref<1x80xi32, #tpu.memory_space<vmem>>
    %dma_start3A_28 = tpu.memref_squeeze %dma_start3A_27 : memref<1x80xi32, #tpu.memory_space<vmem>> -> memref<80xi32, #tpu.memory_space<vmem>>
    %dma_start3A_29 = arith.constant 0 : i32
    %dma_start3A_30 = arith.constant 0 : i32
    %dma_start3A_31 = tpu.memref_slice %arg4[%dma_start3A_29, %dma_start3A_30] : memref<10000x128xf32, #tpu.memory_space<hbm>> -> memref<10000x128xf32, #tpu.memory_space<hbm>>
    tpu.enqueue_indirect_dma source(%dma_start3A_31 : memref<10000x128xf32, #tpu.memory_space<hbm>>) target(%arg10 : memref<80x128xf32, #tpu.memory_space<vmem>>) offsets(%dma_start3A_28 : memref<80xi32, #tpu.memory_space<vmem>>) semaphore(%arg13 : memref<!tpu.dma_semaphore, #tpu.memory_space<semaphore_mem>>)
    %dma_wait3A = arith.constant 248 : i32
    %dma_wait3A_32 = arith.constant 0 : i32
    %dma_wait3A_33 = tpu.memref_slice %arg7[%dma_wait3A, %dma_wait3A_32] : memref<250x80xi32, #tpu.memory_space<vmem>> -> memref<1x80xi32, #tpu.memory_space<vmem>>
    %dma_wait3A_34 = tpu.memref_squeeze %dma_wait3A_33 : memref<1x80xi32, #tpu.memory_space<vmem>> -> memref<80xi32, #tpu.memory_space<vmem>>
    %dma_wait3A_35 = arith.constant 0 : i32
    %dma_wait3A_36 = arith.constant 0 : i32
    %dma_wait3A_37 = tpu.memref_slice %arg4[%dma_wait3A_35, %dma_wait3A_36] : memref<10000x128xf32, #tpu.memory_space<hbm>> -> memref<10000x128xf32, #tpu.memory_space<hbm>>
    tpu.wait_indirect_dma semaphore(%arg12 : memref<!tpu.dma_semaphore, #tpu.memory_space<semaphore_mem>>) src(%dma_wait3A_37 : memref<10000x128xf32, #tpu.memory_space<hbm>>) dst(%arg9 : memref<80x128xf32, #tpu.memory_space<vmem>>)
    %run_scoped3A = arith.constant 248 : i32
    "tpu.region"() ({
      %run_scoped3A_56 = tpu.sem_alloc : memref<!tpu.dma_semaphore, #tpu.memory_space<semaphore_mem>>
      %dma_start3A_57 = arith.constant 0 : i32
      %dma_start3A_58 = tpu.memref_slice %arg8[%run_scoped3A, %dma_start3A_57] : memref<250x80xi32, #tpu.memory_space<vmem>> -> memref<1x80xi32, #tpu.memory_space<vmem>>
      %dma_start3A_59 = tpu.memref_squeeze %dma_start3A_58 : memref<1x80xi32, #tpu.memory_space<vmem>> -> memref<80xi32, #tpu.memory_space<vmem>>
      %dma_start3A_60 = arith.constant 0 : i32
      %dma_start3A_61 = arith.constant 0 : i32
      %dma_start3A_62 = tpu.memref_slice %arg11[%dma_start3A_60, %dma_start3A_61] : memref<5008x128xf32, #tpu.memory_space<vmem_shared>> -> memref<5008x128xf32, #tpu.memory_space<vmem_shared>>
      tpu.enqueue_indirect_dma source(%arg9 : memref<80x128xf32, #tpu.memory_space<vmem>>) target(%dma_start3A_62 : memref<5008x128xf32, #tpu.memory_space<vmem_shared>>) offsets(%dma_start3A_59 : memref<80xi32, #tpu.memory_space<vmem>>) semaphore(%run_scoped3A_56 : memref<!tpu.dma_semaphore, #tpu.memory_space<semaphore_mem>>) {add = true}
      %dma_wait3A_63 = arith.constant 0 : i32
      %dma_wait3A_64 = tpu.memref_slice %arg8[%run_scoped3A, %dma_wait3A_63] : memref<250x80xi32, #tpu.memory_space<vmem>> -> memref<1x80xi32, #tpu.memory_space<vmem>>
      %dma_wait3A_65 = tpu.memref_squeeze %dma_wait3A_64 : memref<1x80xi32, #tpu.memory_space<vmem>> -> memref<80xi32, #tpu.memory_space<vmem>>
      %dma_wait3A_66 = arith.constant 0 : i32
      %dma_wait3A_67 = arith.constant 0 : i32
      %dma_wait3A_68 = tpu.memref_slice %arg11[%dma_wait3A_66, %dma_wait3A_67] : memref<5008x128xf32, #tpu.memory_space<vmem_shared>> -> memref<5008x128xf32, #tpu.memory_space<vmem_shared>>
      tpu.wait_indirect_dma semaphore(%run_scoped3A_56 : memref<!tpu.dma_semaphore, #tpu.memory_space<semaphore_mem>>) src(%arg9 : memref<80x128xf32, #tpu.memory_space<vmem>>) dst(%dma_wait3A_68 : memref<5008x128xf32, #tpu.memory_space<vmem_shared>>)
      tpu.yield
    }) : () -> ()
    %dma_wait3A_38 = arith.constant 249 : i32
    %dma_wait3A_39 = arith.constant 0 : i32
    %dma_wait3A_40 = tpu.memref_slice %arg7[%dma_wait3A_38, %dma_wait3A_39] : memref<250x80xi32, #tpu.memory_space<vmem>> -> memref<1x80xi32, #tpu.memory_space<vmem>>
    %dma_wait3A_41 = tpu.memref_squeeze %dma_wait3A_40 : memref<1x80xi32, #tpu.memory_space<vmem>> -> memref<80xi32, #tpu.memory_space<vmem>>
    %dma_wait3A_42 = arith.constant 0 : i32
    %dma_wait3A_43 = arith.constant 0 : i32
    %dma_wait3A_44 = tpu.memref_slice %arg4[%dma_wait3A_42, %dma_wait3A_43] : memref<10000x128xf32, #tpu.memory_space<hbm>> -> memref<10000x128xf32, #tpu.memory_space<hbm>>
    tpu.wait_indirect_dma semaphore(%arg13 : memref<!tpu.dma_semaphore, #tpu.memory_space<semaphore_mem>>) src(%dma_wait3A_44 : memref<10000x128xf32, #tpu.memory_space<hbm>>) dst(%arg10 : memref<80x128xf32, #tpu.memory_space<vmem>>)
    %run_scoped3A_45 = arith.constant 249 : i32
    "tpu.region"() ({
      %run_scoped3A_56 = tpu.sem_alloc : memref<!tpu.dma_semaphore, #tpu.memory_space<semaphore_mem>>
      %dma_start3A_57 = arith.constant 0 : i32
      %dma_start3A_58 = tpu.memref_slice %arg8[%run_scoped3A_45, %dma_start3A_57] : memref<250x80xi32, #tpu.memory_space<vmem>> -> memref<1x80xi32, #tpu.memory_space<vmem>>
      %dma_start3A_59 = tpu.memref_squeeze %dma_start3A_58 : memref<1x80xi32, #tpu.memory_space<vmem>> -> memref<80xi32, #tpu.memory_space<vmem>>
      %dma_start3A_60 = arith.constant 0 : i32
      %dma_start3A_61 = arith.constant 0 : i32
      %dma_start3A_62 = tpu.memref_slice %arg11[%dma_start3A_60, %dma_start3A_61] : memref<5008x128xf32, #tpu.memory_space<vmem_shared>> -> memref<5008x128xf32, #tpu.memory_space<vmem_shared>>
      tpu.enqueue_indirect_dma source(%arg10 : memref<80x128xf32, #tpu.memory_space<vmem>>) target(%dma_start3A_62 : memref<5008x128xf32, #tpu.memory_space<vmem_shared>>) offsets(%dma_start3A_59 : memref<80xi32, #tpu.memory_space<vmem>>) semaphore(%run_scoped3A_56 : memref<!tpu.dma_semaphore, #tpu.memory_space<semaphore_mem>>) {add = true}
      %dma_wait3A_63 = arith.constant 0 : i32
      %dma_wait3A_64 = tpu.memref_slice %arg8[%run_scoped3A_45, %dma_wait3A_63] : memref<250x80xi32, #tpu.memory_space<vmem>> -> memref<1x80xi32, #tpu.memory_space<vmem>>
      %dma_wait3A_65 = tpu.memref_squeeze %dma_wait3A_64 : memref<1x80xi32, #tpu.memory_space<vmem>> -> memref<80xi32, #tpu.memory_space<vmem>>
      %dma_wait3A_66 = arith.constant 0 : i32
      %dma_wait3A_67 = arith.constant 0 : i32
      %dma_wait3A_68 = tpu.memref_slice %arg11[%dma_wait3A_66, %dma_wait3A_67] : memref<5008x128xf32, #tpu.memory_space<vmem_shared>> -> memref<5008x128xf32, #tpu.memory_space<vmem_shared>>
      tpu.wait_indirect_dma semaphore(%run_scoped3A_56 : memref<!tpu.dma_semaphore, #tpu.memory_space<semaphore_mem>>) src(%arg10 : memref<80x128xf32, #tpu.memory_space<vmem>>) dst(%dma_wait3A_68 : memref<5008x128xf32, #tpu.memory_space<vmem_shared>>)
      tpu.yield
    }) : () -> ()
    %barrier3A_46 = arith.constant 0 : index
    tpu.barrier barrier_id(%barrier3A_46)
    %mul3A_47 = arith.constant 312 : i32
    %mul3A_48 = arith.muli %arg1, %mul3A_47 : i32
    %mul3A_49 = arith.constant 312 : i32
    %mul3A_50 = arith.muli %arg1, %mul3A_49 : i32
    "tpu.region"() ({
      %run_scoped3A_56 = tpu.sem_alloc : memref<!tpu.dma_semaphore, #tpu.memory_space<semaphore_mem>>
      %dma_start3A_57 = arith.constant 0 : i32
      %dma_start3A_58 = tpu.memref_slice %arg6[%arg0, %mul3A_50, %dma_start3A_57] : memref<2x5008x128xf32, #tpu.memory_space<hbm>> -> memref<1x312x128xf32, #tpu.memory_space<hbm>>
      %dma_start3A_59 = tpu.memref_squeeze %dma_start3A_58 : memref<1x312x128xf32, #tpu.memory_space<hbm>> -> memref<312x128xf32, #tpu.memory_space<hbm>>
      %dma_start3A_60 = arith.constant 0 : i32
      %dma_start3A_61 = tpu.memref_slice %arg11[%mul3A_48, %dma_start3A_60] : memref<5008x128xf32, #tpu.memory_space<vmem_shared>> -> memref<312x128xf32, #tpu.memory_space<vmem_shared>>
      tpu.enqueue_dma source(%dma_start3A_61 : memref<312x128xf32, #tpu.memory_space<vmem_shared>>) target(%dma_start3A_59 : memref<312x128xf32, #tpu.memory_space<hbm>>) target_semaphore(%run_scoped3A_56 : memref<!tpu.dma_semaphore, #tpu.memory_space<semaphore_mem>>)
      %dma_wait3A_62 = arith.constant 0 : i32
      %dma_wait3A_63 = tpu.memref_slice %arg6[%arg0, %mul3A_50, %dma_wait3A_62] : memref<2x5008x128xf32, #tpu.memory_space<hbm>> -> memref<1x312x128xf32, #tpu.memory_space<hbm>>
      %dma_wait3A_64 = tpu.memref_squeeze %dma_wait3A_63 : memref<1x312x128xf32, #tpu.memory_space<hbm>> -> memref<312x128xf32, #tpu.memory_space<hbm>>
      %dma_wait3A_65 = arith.constant 0 : i32
      %dma_wait3A_66 = tpu.memref_slice %arg11[%mul3A_48, %dma_wait3A_65] : memref<5008x128xf32, #tpu.memory_space<vmem_shared>> -> memref<312x128xf32, #tpu.memory_space<vmem_shared>>
      tpu.wait_dma2 semaphore(%run_scoped3A_56 : memref<!tpu.dma_semaphore, #tpu.memory_space<semaphore_mem>>) src(%dma_wait3A_66 : memref<312x128xf32, #tpu.memory_space<vmem_shared>>) dst(%dma_wait3A_64 : memref<312x128xf32, #tpu.memory_space<hbm>>)
      tpu.yield
    }) : () -> ()
    %eq3A_51 = arith.constant 15 : i32
    %eq3A_52 = arith.cmpi eq, %arg1, %eq3A_51 : i32
    %convert_element_type3A_53 = arith.extui %eq3A_52 : i1 to i32
    %cond3A_54 = arith.constant 0 : i32
    %cond3A_55 = arith.cmpi ne, %convert_element_type3A_53, %cond3A_54 : i32
    scf.if %cond3A_55 {
      "tpu.region"() ({
        %run_scoped3A_56 = tpu.sem_alloc : memref<!tpu.dma_semaphore, #tpu.memory_space<semaphore_mem>>
        %dma_start3A_57 = arith.constant 4992 : i32
        %dma_start3A_58 = arith.constant 0 : i32
        %dma_start3A_59 = tpu.memref_slice %arg6[%arg0, %dma_start3A_57, %dma_start3A_58] : memref<2x5008x128xf32, #tpu.memory_space<hbm>> -> memref<1x16x128xf32, #tpu.memory_space<hbm>>
        %dma_start3A_60 = tpu.memref_squeeze %dma_start3A_59 : memref<1x16x128xf32, #tpu.memory_space<hbm>> -> memref<16x128xf32, #tpu.memory_space<hbm>>
        %dma_start3A_61 = arith.constant 4992 : i32
        %dma_start3A_62 = arith.constant 0 : i32
        %dma_start3A_63 = tpu.memref_slice %arg11[%dma_start3A_61, %dma_start3A_62] : memref<5008x128xf32, #tpu.memory_space<vmem_shared>> -> memref<16x128xf32, #tpu.memory_space<vmem_shared>>
        tpu.enqueue_dma source(%dma_start3A_63 : memref<16x128xf32, #tpu.memory_space<vmem_shared>>) target(%dma_start3A_60 : memref<16x128xf32, #tpu.memory_space<hbm>>) target_semaphore(%run_scoped3A_56 : memref<!tpu.dma_semaphore, #tpu.memory_space<semaphore_mem>>)
        %dma_wait3A_64 = arith.constant 4992 : i32
        %dma_wait3A_65 = arith.constant 0 : i32
        %dma_wait3A_66 = tpu.memref_slice %arg6[%arg0, %dma_wait3A_64, %dma_wait3A_65] : memref<2x5008x128xf32, #tpu.memory_space<hbm>> -> memref<1x16x128xf32, #tpu.memory_space<hbm>>
        %dma_wait3A_67 = tpu.memref_squeeze %dma_wait3A_66 : memref<1x16x128xf32, #tpu.memory_space<hbm>> -> memref<16x128xf32, #tpu.memory_space<hbm>>
        %dma_wait3A_68 = arith.constant 4992 : i32
        %dma_wait3A_69 = arith.constant 0 : i32
        %dma_wait3A_70 = tpu.memref_slice %arg11[%dma_wait3A_68, %dma_wait3A_69] : memref<5008x128xf32, #tpu.memory_space<vmem_shared>> -> memref<16x128xf32, #tpu.memory_space<vmem_shared>>
        tpu.wait_dma2 semaphore(%run_scoped3A_56 : memref<!tpu.dma_semaphore, #tpu.memory_space<semaphore_mem>>) src(%dma_wait3A_70 : memref<16x128xf32, #tpu.memory_space<vmem_shared>>) dst(%dma_wait3A_67 : memref<16x128xf32, #tpu.memory_space<hbm>>)
        tpu.yield
      }) : () -> ()
    } else {
    }
    return
  }
}

module attributes {stable_mosaic.version = 14 : i64} {
  func.func @body(%arg0: memref<10000x128xf32, #tpu.memory_space<vmem>>, %arg1: memref<128x128xf32, #tpu.memory_space<vmem>>, %arg2: memref<10000x128xf32, #tpu.memory_space<vmem>>) attributes {dimension_semantics = [], scalar_prefetch = 0 : i64, scratch_operands = 0 : i64, tpu.core_type = #tpu.core_type<tc>} {
    %get3A = arith.constant 0 : index
    %get3A_0 = arith.constant 0 : index
    %get3A_1 = vector.load %arg0[%get3A, %get3A_0] : memref<10000x128xf32, #tpu.memory_space<vmem>>, vector<10000x128xf32>
    %get3A_2 = arith.constant 0 : index
    %get3A_3 = arith.constant 0 : index
    %get3A_4 = vector.load %arg1[%get3A_2, %get3A_3] : memref<128x128xf32, #tpu.memory_space<vmem>>, vector<128x128xf32>
    %dot_general3A = arith.constant dense<0.000000e+00> : vector<10000x128xf32>
    %dot_general3A_5 = tpu.matmul %get3A_1, %get3A_4, %dot_general3A {dimension_numbers = #tpu.dot_dimension_numbers<[1], [0], [0], [1], [0, 0, 1, 1], [], []>, transpose_lhs_hint = false} : vector<10000x128xf32>, vector<128x128xf32>, vector<10000x128xf32> -> vector<10000x128xf32>
    %swap3A = arith.constant 0 : index
    %swap3A_6 = arith.constant 0 : index
    %swap3A_7 = vector.load %arg2[%swap3A, %swap3A_6] : memref<10000x128xf32, #tpu.memory_space<vmem>>, vector<10000x128xf32>
    tpu.vector_store %arg2[%swap3A, %swap3A_6], %dot_general3A_5 {strides = array<i32>} : memref<10000x128xf32, #tpu.memory_space<vmem>>, vector<10000x128xf32>,
    return
  }
}

module attributes {stable_mosaic.version = 14 : i64} {
  func.func @body(%arg0: memref<10000x128xf32, #tpu.memory_space<vmem>>, %arg1: memref<10000x1xf32, #tpu.memory_space<vmem>>, %arg2: memref<10000x128xf32, #tpu.memory_space<vmem>>, %arg3: memref<10000x1xf32, #tpu.memory_space<vmem>>) attributes {dimension_semantics = [], scalar_prefetch = 0 : i64, scratch_operands = 0 : i64, tpu.core_type = #tpu.core_type<tc>} {
    %get3A = arith.constant 0 : index
    %get3A_0 = arith.constant 0 : index
    %get3A_1 = vector.load %arg1[%get3A, %get3A_0] : memref<10000x1xf32, #tpu.memory_space<vmem>>, vector<10000x1xf32>
    %add3A = arith.constant 1.000000e+00 : f32
    %add3A_2 = vector.broadcast %add3A : f32 to vector<10000x1xf32>
    %add3A_3 = arith.addf %get3A_1, %add3A_2 : vector<10000x1xf32>
    %rsqrt3A = math.rsqrt %add3A_3 : vector<10000x1xf32>
    %swap3A = arith.constant 0 : index
    %swap3A_4 = arith.constant 0 : index
    %swap3A_5 = vector.load %arg3[%swap3A, %swap3A_4] : memref<10000x1xf32, #tpu.memory_space<vmem>>, vector<10000x1xf32>
    tpu.vector_store %arg3[%swap3A, %swap3A_4], %rsqrt3A {strides = array<i32>} : memref<10000x1xf32, #tpu.memory_space<vmem>>, vector<10000x1xf32>,
    %get3A_6 = arith.constant 0 : index
    %get3A_7 = arith.constant 0 : index
    %get3A_8 = vector.load %arg0[%get3A_6, %get3A_7] : memref<10000x128xf32, #tpu.memory_space<vmem>>, vector<10000x128xf32>
    %mul3A = vector.broadcast %rsqrt3A : vector<10000x1xf32> to vector<10000x128xf32>
    %mul3A_9 = arith.mulf %get3A_8, %mul3A : vector<10000x128xf32>
    %swap3A_10 = arith.constant 0 : index
    %swap3A_11 = arith.constant 0 : index
    %swap3A_12 = vector.load %arg2[%swap3A_10, %swap3A_11] : memref<10000x128xf32, #tpu.memory_space<vmem>>, vector<10000x128xf32>
    tpu.vector_store %arg2[%swap3A_10, %swap3A_11], %mul3A_9 {strides = array<i32>} : memref<10000x128xf32, #tpu.memory_space<vmem>>, vector<10000x128xf32>,
    return
  }
}

module attributes {stable_mosaic.version = 14 : i64} {
  func.func @body(%arg0: memref<2x5008x128xf32, #tpu.memory_space<vmem>>, %arg1: memref<10000x128xf32, #tpu.memory_space<vmem>>, %arg2: memref<10000x1xf32, #tpu.memory_space<vmem>>, %arg3: memref<1x128xf32, #tpu.memory_space<vmem>>, %arg4: memref<10000x128xf32, #tpu.memory_space<vmem>>) attributes {dimension_semantics = [], scalar_prefetch = 0 : i64, scratch_operands = 0 : i64, tpu.core_type = #tpu.core_type<tc>} {
    %get3A = arith.constant 0 : index
    %get3A_0 = arith.constant 0 : index
    %get3A_1 = arith.constant 0 : index
    %get3A_2 = vector.load %arg0[%get3A, %get3A_0, %get3A_1] : memref<2x5008x128xf32, #tpu.memory_space<vmem>>, vector<1x5000x128xf32>
    %get3A_3 = vector.shape_cast %get3A_2 : vector<1x5000x128xf32> to vector<5000x128xf32>
    %get3A_4 = arith.constant 1 : index
    %get3A_5 = arith.constant 0 : index
    %get3A_6 = arith.constant 0 : index
    %get3A_7 = vector.load %arg0[%get3A_4, %get3A_5, %get3A_6] : memref<2x5008x128xf32, #tpu.memory_space<vmem>>, vector<1x5000x128xf32>
    %get3A_8 = vector.shape_cast %get3A_7 : vector<1x5000x128xf32> to vector<5000x128xf32>
    %concatenate3A = tpu.concatenate %get3A_3, %get3A_8 in 0 : vector<5000x128xf32>, vector<5000x128xf32> -> vector<10000x128xf32>
    %get3A_9 = arith.constant 0 : index
    %get3A_10 = arith.constant 0 : index
    %get3A_11 = vector.load %arg2[%get3A_9, %get3A_10] : memref<10000x1xf32, #tpu.memory_space<vmem>>, vector<10000x1xf32>
    %get3A_12 = arith.constant 0 : index
    %get3A_13 = arith.constant 0 : index
    %get3A_14 = vector.load %arg1[%get3A_12, %get3A_13] : memref<10000x128xf32, #tpu.memory_space<vmem>>, vector<10000x128xf32>
    %add3A = arith.addf %concatenate3A, %get3A_14 : vector<10000x128xf32>
    %mul3A = vector.broadcast %get3A_11 : vector<10000x1xf32> to vector<10000x128xf32>
    %mul3A_15 = arith.mulf %add3A, %mul3A : vector<10000x128xf32>
    %get3A_16 = arith.constant 0 : index
    %get3A_17 = arith.constant 0 : index
    %get3A_18 = vector.load %arg3[%get3A_16, %get3A_17] : memref<1x128xf32, #tpu.memory_space<vmem>>, vector<1x128xf32>
    %add3A_19 = vector.broadcast %get3A_18 : vector<1x128xf32> to vector<10000x128xf32>
    %add3A_20 = arith.addf %mul3A_15, %add3A_19 : vector<10000x128xf32>
    %max3A = arith.constant 0.000000e+00 : f32
    %max3A_21 = vector.broadcast %max3A : f32 to vector<10000x128xf32>
    %max3A_22 = arith.maximumf %add3A_20, %max3A_21 : vector<10000x128xf32>
    %mul3A_23 = vector.broadcast %get3A_11 : vector<10000x1xf32> to vector<10000x128xf32>
    %mul3A_24 = arith.mulf %max3A_22, %mul3A_23 : vector<10000x128xf32>
    %swap3A = arith.constant 0 : index
    %swap3A_25 = arith.constant 0 : index
    %swap3A_26 = vector.load %arg4[%swap3A, %swap3A_25] : memref<10000x128xf32, #tpu.memory_space<vmem>>, vector<10000x128xf32>
    tpu.vector_store %arg4[%swap3A, %swap3A_25], %mul3A_24 {strides = array<i32>} : memref<10000x128xf32, #tpu.memory_space<vmem>>, vector<10000x128xf32>,
    return
  }
}

module attributes {stable_mosaic.version = 14 : i64} {
  func.func @body(%arg0: i32, %arg1: memref<10000x128xf32, #tpu.memory_space<vmem>>, %arg2: memref<128x8xf32, #tpu.memory_space<vmem>>, %arg3: memref<1x8x128xf32, #tpu.memory_space<vmem>>, %arg4: memref<1x10000x128xf32, #tpu.memory_space<vmem>>) attributes {dimension_semantics = [#tpu.dimension_semantics<arbitrary>], iteration_bounds = array<i64: 8>, scalar_prefetch = 0 : i64, scratch_operands = 0 : i64, tpu.core_type = #tpu.core_type<tc>, window_params = [{pipeline_mode = #tpu.pipeline_mode<synchronous>, transform_indices = @transform_0, window_bounds = array<i64: 10000, 128>}, {pipeline_mode = #tpu.pipeline_mode<synchronous>, transform_indices = @transform_1, window_bounds = array<i64: 128, 8>}, {transform_indices = @transform_2, window_bounds = array<i64: 1, 8, 128>}, {transform_indices = @transform_3, window_bounds = array<i64: 1, 10000, 128>}]} {
    %get3A = arith.constant 0 : index
    %get3A_0 = arith.constant 0 : index
    %get3A_1 = vector.load %arg1[%get3A, %get3A_0] : memref<10000x128xf32, #tpu.memory_space<vmem>>, vector<10000x128xf32>
    %get3A_2 = arith.constant 0 : index
    %get3A_3 = arith.constant 0 : index
    %get3A_4 = vector.load %arg2[%get3A_2, %get3A_3] : memref<128x8xf32, #tpu.memory_space<vmem>>, vector<128x8xf32>
    %dot_general3A = arith.constant dense<0.000000e+00> : vector<10000x8xf32>
    %dot_general3A_5 = tpu.matmul %get3A_1, %get3A_4, %dot_general3A {dimension_numbers = #tpu.dot_dimension_numbers<[1], [0], [0], [1], [0, 0, 1, 1], [], []>, transpose_lhs_hint = false} : vector<10000x128xf32>, vector<128x8xf32>, vector<10000x8xf32> -> vector<10000x8xf32>
    %get3A_6 = arith.constant 0 : index
    %get3A_7 = arith.constant 0 : index
    %get3A_8 = arith.constant 0 : index
    %get3A_9 = vector.load %arg3[%get3A_6, %get3A_7, %get3A_8] : memref<1x8x128xf32, #tpu.memory_space<vmem>>, vector<1x8x128xf32>
    %get3A_10 = vector.shape_cast %get3A_9 : vector<1x8x128xf32> to vector<8x128xf32>
    %dot_general3A_11 = arith.constant dense<0.000000e+00> : vector<10000x128xf32>
    %dot_general3A_12 = tpu.matmul %dot_general3A_5, %get3A_10, %dot_general3A_11 {dimension_numbers = #tpu.dot_dimension_numbers<[1], [0], [0], [1], [0, 0, 1, 1], [], []>, transpose_lhs_hint = false} : vector<10000x8xf32>, vector<8x128xf32>, vector<10000x128xf32> -> vector<10000x128xf32>
    %swap3A = arith.constant 0 : index
    %swap3A_13 = arith.constant 0 : index
    %swap3A_14 = arith.constant 0 : index
    %swap3A_15 = vector.load %arg4[%swap3A, %swap3A_13, %swap3A_14] : memref<1x10000x128xf32, #tpu.memory_space<vmem>>, vector<1x10000x128xf32>
    %swap3A_16 = vector.shape_cast %swap3A_15 : vector<1x10000x128xf32> to vector<10000x128xf32>
    %swap3A_17 = vector.shape_cast %dot_general3A_12 : vector<10000x128xf32> to vector<1x10000x128xf32>
    tpu.vector_store %arg4[%swap3A, %swap3A_13, %swap3A_14], %swap3A_17 {strides = array<i32>} : memref<1x10000x128xf32, #tpu.memory_space<vmem>>, vector<1x10000x128xf32>,
    return
  }
  func.func @transform_0(%arg0: i32) -> (i32, i32) {
    %c0_i32 = arith.constant 0 : i32
    %c0_i32_0 = arith.constant 0 : i32
    %c0_i32_1 = arith.constant 0 : i32
    return %c0_i32, %c0_i32_0 : i32, i32
  }
  func.func @transform_1(%arg0: i32) -> (i32, i32) {
    %c0_i32 = arith.constant 0 : i32
    %c0_i32_0 = arith.constant 0 : i32
    %c0_i32_1 = arith.constant 0 : i32
    return %c0_i32, %c0_i32_0 : i32, i32
  }
  func.func @transform_2(%arg0: i32) -> (i32, i32, i32) {
    %c0_i32 = arith.constant 0 : i32
    %c0_i32_0 = arith.constant 0 : i32
    %c0_i32_1 = arith.constant 0 : i32
    return %arg0, %c0_i32, %c0_i32_0 : i32, i32, i32
  }
  func.func @transform_3(%arg0: i32) -> (i32, i32, i32) {
    %c0_i32 = arith.constant 0 : i32
    %c0_i32_0 = arith.constant 0 : i32
    %c0_i32_1 = arith.constant 0 : i32
    return %arg0, %c0_i32, %c0_i32_0 : i32, i32, i32
  }
}

module attributes {stable_mosaic.version = 14 : i64} {
  func.func @body(%arg0: memref<10000x8xf32, #tpu.memory_space<vmem>>, %arg1: memref<10000x128xf32, #tpu.memory_space<vmem>>, %arg2: memref<10000x1xf32, #tpu.memory_space<vmem>>, %arg3: memref<128x8xf32, #tpu.memory_space<vmem>>, %arg4: memref<1x8xf32, #tpu.memory_space<vmem>>, %arg5: memref<10000x8xf32, #tpu.memory_space<vmem>>) attributes {dimension_semantics = [], scalar_prefetch = 0 : i64, scratch_operands = 0 : i64, tpu.core_type = #tpu.core_type<tc>} {
    %get3A = arith.constant 0 : index
    %get3A_0 = arith.constant 0 : index
    %get3A_1 = vector.load %arg1[%get3A, %get3A_0] : memref<10000x128xf32, #tpu.memory_space<vmem>>, vector<10000x128xf32>
    %get3A_2 = arith.constant 0 : index
    %get3A_3 = arith.constant 0 : index
    %get3A_4 = vector.load %arg3[%get3A_2, %get3A_3] : memref<128x8xf32, #tpu.memory_space<vmem>>, vector<128x8xf32>
    %dot_general3A = arith.constant dense<0.000000e+00> : vector<10000x8xf32>
    %dot_general3A_5 = tpu.matmul %get3A_1, %get3A_4, %dot_general3A {dimension_numbers = #tpu.dot_dimension_numbers<[1], [0], [0], [1], [0, 0, 1, 1], [], []>, transpose_lhs_hint = false} : vector<10000x128xf32>, vector<128x8xf32>, vector<10000x8xf32> -> vector<10000x8xf32>
    %get3A_6 = arith.constant 0 : index
    %get3A_7 = arith.constant 0 : index
    %get3A_8 = vector.load %arg0[%get3A_6, %get3A_7] : memref<10000x8xf32, #tpu.memory_space<vmem>>, vector<10000x8xf32>
    %add3A = arith.addf %get3A_8, %dot_general3A_5 : vector<10000x8xf32>
    %get3A_9 = arith.constant 0 : index
    %get3A_10 = arith.constant 0 : index
    %get3A_11 = vector.load %arg2[%get3A_9, %get3A_10] : memref<10000x1xf32, #tpu.memory_space<vmem>>, vector<10000x1xf32>
    %mul3A = vector.broadcast %get3A_11 : vector<10000x1xf32> to vector<10000x8xf32>
    %mul3A_12 = arith.mulf %add3A, %mul3A : vector<10000x8xf32>
    %get3A_13 = arith.constant 0 : index
    %get3A_14 = arith.constant 0 : index
    %get3A_15 = vector.load %arg4[%get3A_13, %get3A_14] : memref<1x8xf32, #tpu.memory_space<vmem>>, vector<1x8xf32>
    %add3A_16 = vector.broadcast %get3A_15 : vector<1x8xf32> to vector<10000x8xf32>
    %add3A_17 = arith.addf %mul3A_12, %add3A_16 : vector<10000x8xf32>
    %swap3A = arith.constant 0 : index
    %swap3A_18 = arith.constant 0 : index
    %swap3A_19 = vector.load %arg5[%swap3A, %swap3A_18] : memref<10000x8xf32, #tpu.memory_space<vmem>>, vector<10000x8xf32>
    tpu.vector_store %arg5[%swap3A, %swap3A_18], %add3A_17 {strides = array<i32>} : memref<10000x8xf32, #tpu.memory_space<vmem>>, vector<10000x8xf32>,
    return
  }
}

</mosaic_0001>

<sc_bundles>
// kernel: kernel.10.cloned.1.call-start
scs
__scs_entry_jumppad:
0x0: {  	(pc) =	sbr.rel $0x88, $3  }
0x1: {  	(tag) =	ssettag $0x0;
	lr =	simm.s32 $0x1  }
0x2: {  	[smem:$0x3F9B] =	sst lr;
	_ =	strace $0xD0000000  }
0x3: {  	_ = 	snop  }
0x4: {  	_ = 	snop  }
0x5: {  	_ = 	snop  }
0x6: {  	_ = 	snop  }
0x7: {  	_ = 	snop  }
__scs_overlays_trampoline_lowered:
0x8: {  	[smem:$0x3FAA] =	sst s0  }
0x9: {  	[smem:$0x3FAB] =	sst s1  }
0xa: {  	[smem:$0x3FAC] =	sst s2  }
0xb: {  	[smem:$0x3FAD] =	sst s3  }
0xc: {  	[smem:$0x3FAE] =	sst s4  }
0xd: {  	[smem:$0x3FAF] =	sst s5  }
0xe: {  	[smem:$0x3FB0] =	sst s6  }
0xf: {  	[smem:$0x3FB1] =	sst s7  }
0x10: {  	[smem:$0x3FB2] =	sst s8  }
0x11: {  	[smem:$0x3FB3] =	sst s9;
	s0 =	simm.s32 @!p0 $0x0  }
0x12: {  	s1 =	sld [smem:$0x3F99];
	s0 =	simm.s32 @p0 $0x1  }
0x13: {  	[smem:$0x3FB4] =	sst s0;
	s0 =	simm.s32 @!p1 $0x0  }
0x14: {  	s2 =	sld [smem:$0x3F98];
	s0 =	simm.s32 @p1 $0x1  }
0x15: {  	[smem:$0x3FB5] =	sst s0;
	s0 =	simm.s32 @!p2 $0x0  }
0x16: {  	s3 =	sld [smem:$0x3FDB];
	s0 =	simm.s32 @p2 $0x1  }
0x17: {  	s4 =	simm.s32 $0x1BF5;
	[smem:$0x3FB7] =	sst s0  }
0x18: {  	s0 =	sld [smem:$0x3F9A];
	_ =	swait.ge [sflag:s4], $0x0  }
0x19: {  	s7 =	sld [smem:$0x3F9B]  }
0x1a: {  	s8 =	sadd.s32 $0xFFFFE003, lr  }
0x1b: {  	s9 =	sadd.s32 $0xFFFFFEF7, lr;
	s5 =	simm.s32 $0xFFFFFFFF;
	p2 =	slt.u32 s8, $0xFFFFF086  }
0x1c: {  	p1 =	slt.u32 s9, $0xF7A;
	s5 =	simm.s32 @!p2 $0x0  }
0x1d: {  	s5 =	simm.s32 @p1 $0x1;
	p0 =	seq.s32 s7, s2  }
0x1e: {  	s7 =	smul.u32 @!p0 $0xF7A, s2;
	p2 =	seq.s32 @!p0 s5, $0x0  }
0x1f: {  	s9 =	smul.u32 $0xF7A, s1;
	s8 =	simm.s32 @!p0 $0x1BF5;
	p2 =	por !p2, p0  }
0x20: {  	[sflag:s8] =	ssyncset.s32 @!p0 $0xFFFFF086;
	s6 =	sadd.s32 @!p0 s3, s7;
	s7 =	simm.s32 @!p0 $0x108  }
0x21: {  	s3 =	sadd.s32 s3, s9;
	s6 =	sadd.s32 @!p0 $0x88, s6;
	s7 =	simm.s32 @p2 $0x1082  }
0x22: {  	[simem:s7], [sflag:s8] =	dma.local @!p0 [hbm:s6], $0xF7A  }
0x23: {  	s9 =	sor.u32 $0xD0000000, s2;
	s6 =	simm.s32 $0x108;
	_ =	swait.ge @!p0 [sflag:s8], $0x0  }
0x24: {  	s3 =	sadd.s32 $0x88, s3;
	s6 =	simm.s32 @!p1 $0x1082;
	[sflag:s4] =	ssyncset.s32 $0xFFFFF086  }
0x25: {  	[simem:s6], [sflag:s4] =	dma.local [hbm:s3], $0xF7A  }
0x26: {  	[smem:$0x3F9B] =	sst s1;
	(tag) =	ssettag s2;
	_ =	strace s9  }
0x27: {  	s1 =	sld [smem:$0x3FAB]  }
0x28: {  	s2 =	sld [smem:$0x3FAC]  }
0x29: {  	s4 =	sld [smem:$0x3FAE]  }
0x2a: {  	p0 =	seq.s32 s5, $0x0;
	s5 =	sld [smem:$0x3FAF]  }
0x2b: {  	s6 =	sld [smem:$0x3FB0]  }
0x2c: {  	s7 =	sld [smem:$0x3FB1]  }
0x2d: {  	s3 =	simm.s32 $0x108;
	s8 =	sld [smem:$0x3FB2]  }
0x2e: {  	s3 =	simm.s32 @!p0 $0x1082;
	s9 =	sld [smem:$0x3FB3]  }
0x2f: {  	lr =	sadd.s32 s0, s3;
	s0 =	sld [smem:$0x3FAA]  }
0x30: {  	s3 =	sld [smem:$0x3FAD]  }
0x31: {  	[smem:$0x3FB6] =	sst s10  }
0x32: {  	s10 =	sld [smem:$0x3FB4];
	_ =	sdelay $0x3  }
0x33: {  	p0 =	seq.s32 s10, $0x1;
	s10 =	sld [smem:$0x3FB6];
	_ =	sdelay $0x3  }
0x34: {  	[smem:$0x3FB6] =	sst s10  }
0x35: {  	s10 =	sld [smem:$0x3FB5];
	_ =	sdelay $0x3  }
0x36: {  	p1 =	seq.s32 s10, $0x1;
	s10 =	sld [smem:$0x3FB6];
	_ =	sdelay $0x3  }
0x37: {  	[smem:$0x3FB6] =	sst s10  }
0x38: {  	s10 =	sld [smem:$0x3FB7]  }
0x39: {  	_ = 	snop;
	(pc) =	sbr.ind lr, $3  }
0x3a: {  	_ = 	snop  }
0x3b: {  	_ = 	snop  }
0x3c: {  	p2 =	seq.s32 s10, $0x1;
	s10 =	sld [smem:$0x3FB6]  }
0x3d: {  	_ =	shalt  }
0x3e: {  	_ =	shalt  }
0x3f: {  	_ =	shalt  }
0x40: {  	_ =	shalt  }
0x41: {  	_ =	shalt  }
0x42: {  	_ =	shalt  }
0x43: {  	_ =	shalt  }
0x44: {  	_ =	shalt  }
0x45: {  	_ =	shalt  }
0x46: {  	_ =	shalt  }
0x47: {  	_ =	shalt  }
0x48: {  	_ =	shalt  }
0x49: {  	_ =	shalt  }
0x4a: {  	_ =	shalt  }
0x4b: {  	_ =	shalt  }
0x4c: {  	_ =	shalt  }
0x4d: {  	_ =	shalt  }
0x4e: {  	_ =	shalt  }
0x4f: {  	_ =	shalt  }
0x50: {  	_ =	shalt  }
0x51: {  	_ =	shalt  }
0x52: {  	_ =	shalt  }
0x53: {  	_ =	shalt  }
0x54: {  	_ =	shalt  }
0x55: {  	_ =	shalt  }
0x56: {  	_ =	shalt  }
0x57: {  	_ =	shalt  }
0x58: {  	_ =	shalt  }
0x59: {  	_ =	shalt  }
0x5a: {  	_ =	shalt  }
0x5b: {  	_ =	shalt  }
0x5c: {  	_ =	shalt  }
0x5d: {  	_ =	shalt  }
0x5e: {  	_ =	shalt  }
0x5f: {  	_ =	shalt  }
0x60: {  	_ =	shalt  }
0x61: {  	_ =	shalt  }
0x62: {  	_ =	shalt  }
0x63: {  	_ =	shalt  }
0x64: {  	_ =	shalt  }
0x65: {  	_ =	shalt  }
0x66: {  	_ =	shalt  }
0x67: {  	_ =	shalt  }
0x68: {  	_ =	shalt  }
0x69: {  	_ =	shalt  }
0x6a: {  	_ =	shalt  }
0x6b: {  	_ =	shalt  }
0x6c: {  	_ =	shalt  }
0x6d: {  	_ =	shalt  }
0x6e: {  	_ =	shalt  }
0x6f: {  	_ =	shalt  }
0x70: {  	_ =	shalt  }
0x71: {  	_ =	shalt  }
0x72: {  	_ =	shalt  }
0x73: {  	_ =	shalt  }
0x74: {  	_ =	shalt  }
0x75: {  	_ =	shalt  }
0x76: {  	_ =	shalt  }
0x77: {  	_ =	shalt  }
0x78: {  	_ =	shalt  }
0x79: {  	_ =	shalt  }
0x7a: {  	_ =	shalt  }
0x7b: {  	_ =	shalt  }
0x7c: {  	_ =	shalt  }
0x7d: {  	_ =	shalt  }
0x7e: {  	_ =	shalt  }
0x7f: {  	_ =	shalt  }
0x80: {  	_ =	shalt  }
0x81: {  	_ =	shalt  }
0x82: {  	_ =	shalt  }
0x83: {  	_ =	shalt  }
0x84: {  	_ =	shalt  }
0x85: {  	_ =	shalt  }
0x86: {  	_ =	shalt  }
0x87: {  	_ =	shalt  }
.Lfunc_end0:
.L_simem_size_0:
called_computation_lowered:
.L_overlay_start_0:
0x88: {  	s2 =	sld [smem:$0x3FD9]  }
0x89: {  	s3 =	sld [smem:$0x3FFE];
	_ =	sdelay $0x1  }
0x8a: {  	s1 =	srdreg.scid  }
0x8b: {  	s0 =	sand.u32 $0x1, s1  }
0x8c: {  	s17 =	sshll.u32 s0, $0xA;
	s2 =	sadd.s32 s3, s2  }
0x8d: {  	s2 =	sadd.s32 s2, s17  }
0x8e: {  	[smem:$0x3FC2] =	sst s2  }
0x8f: {  	_ = 	snop  }
0x90: {  	s2 =	sld [smem:$0x3FD0];
	(tm) =	ssettm $0x1  }
0x91: {  	s18 =	sld [smem:$0x3FFB];
	_ =	sdelay $0x3  }
0x92: {  	_ =	strace s18  }
0x93: {  	s3 =	sld [smem:$0x3FFC];
	_ =	sdelay $0x3  }
0x94: {  	_ =	strace s3  }
0x95: {  	s3 =	sld [smem:$0x3FFD];
	_ =	sdelay $0x3  }
0x96: {  	_ =	strace s3  }
0x97: {  	_ =	strace $0x8FFFFFFF  }
0x98: {  	s19 =	sld [smem:$0x3FDB];
	_ =	sdelay $0x1  }
0x99: {  	s4 =	simm.s32 $_scs_section_size  }
0x9a: {  	s5 =	simm.s32 $_size__tile_overlayer_lowered;
	s6 =	simm.s32 $_tile_overlayer_lowered  }
0x9b: {  	s22 =	simm.s32 $0x1BFF;
	s21 =	sshll.u32 s6, $0x1;
	s3 =	sadd.s32 s4, s19  }
0x9c: {  	s7 =	simm.s32 $0x0;
	s20 =	sshll.u32 s5, $0x1;
	s5 =	sadd.s32 s21, s3  }
0x9d: {  	[timem:s7], [sflag:s22] =	dma.local [hbm:s5], s20  }
0x9e: {  	_ =	swait.ge [sflag:s22], s20  }
0x9f: {  	s4 =	ssub.s32 $0x0, s20;
	[sflag:s22] =	ssyncset.done $0x0  }
0xa0: {  	[sflag:s22] =	ssyncadd.s32 s4;
	_ =	sdelay $0x1  }
0xa1: {  	s23 =	simm.s32 $0x1B8B  }
0xa2: {  	_ =	swait.ge [sflag:s23], $0x1  }
0xa3: {  	[sflag:s23] =	ssyncset.done $0x0  }
0xa4: {  	s25 =	simm.s32 $0x1B8E;
	s24 =	sld [smem:$0x3FFE];
	[sflag:s23] =	ssyncadd.s32 $0xFFFFFFFF  }
0xa5: {  	s26 =	simm.s32 $execute0_lowered;
	[smem:$0x3FD2] =	sst s25  }
0xa6: {  	s5 =	sshll.u32 s26, $0x1;
	_ =	strace $0x80000046;
	[dreg:$0x1] =	wrdreg $0xFFFFFFFF  }
0xa7: {  	s28 =	simm.s32 $_size_execute0_lowered;
	s3 =	sadd.s32 s3, s5;
	[dreg:$0x0] =	wrdreg $0x0  }
0xa8: {  	s5 =	sshll.u32 s28, $0x1;
	[dreg:$0x2] =	wrdreg s3  }
0xa9: {  	[dreg:$0x3] =	wrdreg s5  }
0xaa: {  	[dreg:$0x4] =	wrdreg $0xC0  }
0xab: {  	_ =	task [dreg:s7], $0x5FFFF  }
0xac: {  	[dreg:$0x1] =	wrdreg $0xFFFFFFFF  }
0xad: {  	[dreg:$0x0] =	wrdreg $0x60  }
0xae: {  	[dreg:$0x2] =	wrdreg s24  }
0xaf: {  	[dreg:$0x3] =	wrdreg s2  }
0xb0: {  	[dreg:$0x4] =	wrdreg $0xD0000  }
0xb1: {  	[dreg:$0x5] =	wrdreg $0x9  }
0xb2: {  	_ =	task.clear_ibuf [dreg:s7], $0x6FFFF;
	_ =	strace $0x90000046  }
0xb3: {  	s29 =	simm.s32 $0x9;
	_ =	strace $0x80000048  }
0xb4: {  	_ =	swait.ge [sflag:s29], $0x1  }
0xb5: {  	[sflag:s29] =	ssyncadd.s32 $0xFFFFFFFF  }
0xb6: {  	_ =	strace $0x90000048  }
0xb7: {  	_ =	sfence  }
0xb8: {  	s30 =	sld [smem:$0x0];
	_ =	sdelay $0x2  }
0xb9: {  	s31 =	sshll.u32 s1, $0xD;
	s1 =	sshrl.u32 s1, $0x2  }
0xba: {  	s3 =	sand.u32 $0x4000, s31;
	s1 =	sadd.s32 s1, s30  }
0xbb: {  	s0 =	sor.u32 s3, s0;
	s1 =	sshll.u32 s1, $0x11  }
0xbc: {  	s0 =	sor.u32 s1, s0  }
0xbd: {  	s0 =	sadd.s32 $0x8F2B, s0  }
0xbe: {  	[sflag:s0] =	ssyncadd.remote.s32 $0x1  }
0xbf: {  	_ =	sfence.sel $0xFFFF  }
0xc0: {  	[dreg:$0x0] =	wrdreg $0xFFFFFFFF;
	(pc) =	sbr.abs _section_cstart, $3  }
0xc1: {  	[dreg:$0x1] =	wrdreg $0xFFFFFFFF  }
0xc2: {  	_ =	task.clear_ibuf [dreg:s7], $0x2FFFF;
	_ =	strace $0x9FFFFFFF  }
0xc3: {  	(tm) =	ssettm $0x7FFFFFFF  }
tec
execute0_lowered:
.L_overlay_start_1:
0x0: {  	(tag) =	ssettag $0x1  }
0x1: {  	s5 =	rddreg [dreg:$0x0]  }
0x2: {  	s7 =	rddreg [dreg:$0x1]  }
0x3: {  	s1 =	rddreg [dreg:$0x2];
	s2 =	srdreg.scid  }
0x4: {  	s0 =	rddreg [dreg:$0x3];
	s3 =	simm.s32 $0x0;
	s13 =	simm.s32 $0x50  }
0x5: {  	s14 =	simm.s32 $0x8000;
	s15 =	simm.s32 $0xA800;
	s16 =	simm.s32 $0x1  }
0x6: {  	s18 =	simm.s32 $0x7E00;
	s19 =	simm.s32 $0x0;
	s6 =	sand.u32 $0x1, s2  }
0x7: {  	s2 =	stileid.u32;
	[smem:$0x7FF] =	sst s3;
	s4 =	sshll.u32 s6, $0x4  }
0x8: {  	_ =	strace $0x80000047;
	s10 =	ssub.s32 $0x2, s6;
	s11 =	sshll.u32 s2, $0x7  }
0x9: {  	s6 =	smul.u32 $0x2800, s6;
	s30 =	sshll.u32 s2, $0xA;
	s8 =	sor.u32 s2, s4  }
0xa: {  	p0 =	sgt.u32 s2, $0x9;
	s12 =	sshrl.u32 s10, $0x1;
	s4 =	sshll.u32 s8, $0xB  }
0xb: {  	s10 =	ssub.s32 s10, s12;
	s12 =	sadd.s32 s30, s1;
	s17 =	sshll.u32 s8, $0x7  }
0xc: {  	s9 =	sadd.s32 s4, s5;
	s4 =	sadd.s32 $0x12400, s5;
	s5 =	sadd.s32 s11, s5  }
0xd: {  	s11 =	sadd.s32 s30, s6;
	s8 =	smax.u32 s10, $0x1;
	s10 =	sshrl.u32 @!p0 s12, $0x3  }
0xe: {  	s12 =	simm.s32 $0x3;
	v0 =	vmov s17;
	s17 =	simm.s32 $0x2;
	s5 =	sadd.s32 $0x22400, s5  }
0xf: {  	s6 =	sadd.s32 $0x2400, s9;
	s31 =	sshrl.u32 s11, $0x3;
	s9 =	sshll.u32 @!p0 s2, $0x6  }
0x10: {  	s11 =	simm.s32 $0x4000;
	s7 =	sadd.s32 s7, s31;
	s9 =	sor.u32 @!p0 $0x1C03, s9  }
.LBB2_1:
0x11: {  	[spmem:s10], [sflag:s9] =	dma.local @!p0 [hbm:s5], $0x80  }
0x12: {  	s20 =	simm.s32 @!p0 $0x3  }
0x13: {  	_ =	swait.ge @!p0 [sflag:s20], $0x80  }
0x14: {  	[sflag:s20] =	ssyncset.done @!p0 $0x0  }
0x15: {  	[sflag:s20] =	ssyncadd.s32 @!p0 $0xFFFFFF80  }
0x16: {  	[tilespmem:s11], [sflag:$0x3] =	stream.linear.gather [hbm4b:s6+s3], $0x3E80, $0x38;
	[tilespmem:$0xD280] =	vst v63  }
0x17: {  	_ =	swait.ge [sflag:s12], $0x3E80  }
0x18: {  	[sflag:s12] =	ssyncset.done $0x0  }
0x19: {  	s20 =	simm.s32 $0x0;
	[sflag:s12] =	ssyncadd.s32 $0xFFFFC180  }
0x1a: {  	v1 =	vld [tilespmem:s20+$0x4000]  }
0x1b: {  	v2 =	vld [tilespmem:s20+$0x4010]  }
0x1c: {  	v4 =	vld [tilespmem:s20+$0x4020]  }
0x1d: {  	v5 =	vld [tilespmem:s20+$0x4030]  }
0x1e: {  	v6 =	vld [tilespmem:s20+$0x4040]  }
0x1f: {  	v3 =	vshrl.u32 v1, $0x7  }
0x20: {  	[tilespmem:s20+$0x4000] =	vst v3;
	v3 =	vshrl.u32 v2, $0x7  }
0x21: {  	[tilespmem:s20+$0x4010] =	vst v3;
	v3 =	vshrl.u32 v4, $0x7  }
0x22: {  	[tilespmem:s20+$0x4020] =	vst v3;
	v3 =	vshrl.u32 v5, $0x7  }
0x23: {  	s21 =	simm.s32 $0x80;
	v7 =	vshrl.u32 v6, $0x7;
	v1 =	vand.u32 $0x7F, v1;
	[tilespmem:s20+$0x4030] =	vst v3  }
0x24: {  	v6 =	vand.u32 $0x7F, v6;
	v2 =	vand.u32 $0x7F, v2;
	v3 =	vld [tilespmem:s21+$0x4000];
	[tilespmem:s20+$0x4040] =	vst v7;
	v7 =	vor.u32 v0, v1  }
0x25: {  	v8 =	vor.u32 v0, v2;
	v4 =	vand.u32 $0x7F, v4;
	v5 =	vand.u32 $0x7F, v5;
	v1 =	vld [tilespmem:s21+$0x4010];
	[tilespmem:s20+$0x0] =	vst v7  }
0x26: {  	s22 =	simm.s32 $0x400;
	v6 =	vor.u32 v0, v6;
	v4 =	vor.u32 v0, v4;
	v5 =	vor.u32 v0, v5;
	v2 =	vld [tilespmem:s21+$0x4020];
	[tilespmem:s20+$0x10] =	vst v8  }
.LBB2_2:
0x27: {  	p1 =	sne.s32 s22, $0xF800;
	v7 =	vld [tilespmem:s21+$0x4030];
	[tilespmem:s20+$0x20] =	vst v4  }
0x28: {  	v8 =	vld [tilespmem:s21+$0x4040];
	[tilespmem:s20+$0x30] =	vst v5  }
0x29: {  	v4 =	vshrl.u32 v3, $0x7;
	v3 =	vand.u32 $0x7F, v3;
	[tilespmem:s20+$0x40] =	vst v6;
	s20 =	smov.u32 s21  }
0x2a: {  	v9 =	vor.u32 v0, v3;
	[tilespmem:s20+$0x4000] =	vst v4;
	v3 =	vshrl.u32 v1, $0x7;
	v1 =	vand.u32 $0x7F, v1  }
0x2b: {  	v10 =	vor.u32 v0, v1;
	[tilespmem:s20+$0x4010] =	vst v3;
	v1 =	vshrl.u32 v2, $0x7;
	v2 =	vand.u32 $0x7F, v2  }
.Ltmp0:
0x2c: {  	v4 =	vor.u32 v0, v2;
	[tilespmem:s20+$0x4020] =	vst v1;
	v1 =	vshrl.u32 v7, $0x7;
	v2 =	vand.u32 $0x7F, v7;
	(pc) =	sbr.rel @p1 .LBB2_2-.Ltmp0, $4  }
0x2d: {  	s21 =	sshra.s32 s22, $0x2;
	v5 =	vor.u32 v0, v2;
	[tilespmem:s20+$0x4030] =	vst v1;
	v1 =	vshrl.u32 v8, $0x7;
	v2 =	vand.u32 $0x7F, v8  }
0x2e: {  	v3 =	vld [tilespmem:s21+$0x4000];
	v6 =	vor.u32 v0, v2;
	[tilespmem:s20+$0x4040] =	vst v1  }
0x2f: {  	v1 =	vld [tilespmem:s21+$0x4010];
	[tilespmem:s20+$0x0] =	vst v9  }
0x30: {  	s22 =	sadd.s32 $0x200, s22;
	v2 =	vld [tilespmem:s21+$0x4020];
	[tilespmem:s20+$0x10] =	vst v10  }
0x31: {  	v7 =	vld [tilespmem:s21+$0x4030];
	[tilespmem:s20+$0x20] =	vst v4  }
0x32: {  	v4 =	vld [tilespmem:s21+$0x4040];
	[tilespmem:s20+$0x30] =	vst v5  }
0x33: {  	[tilespmem:s20+$0x40] =	vst v6;
	v59 =	vshrl.u32 v3, $0x7  }
0x34: {  	v3 =	vand.u32 $0x7F, v3;
	[tilespmem:s21+$0x4000] =	vst v59;
	v60 =	vshrl.u32 v1, $0x7  }
0x35: {  	v3 =	vor.u32 v0, v3;
	[tilespmem:s21+$0x4010] =	vst v60  }
0x36: {  	v1 =	vand.u32 $0x7F, v1;
	v61 =	vshrl.u32 v2, $0x7;
	[tilespmem:s21+$0x0] =	vst v3  }
0x37: {  	v1 =	vor.u32 v0, v1;
	[tilespmem:s21+$0x4020] =	vst v61  }
0x38: {  	v2 =	vand.u32 $0x7F, v2;
	v62 =	vshrl.u32 v7, $0x7;
	[tilespmem:s21+$0x10] =	vst v1  }
0x39: {  	v2 =	vor.u32 v0, v2;
	[tilespmem:s21+$0x4030] =	vst v62  }
0x3a: {  	v3 =	vand.u32 $0x7F, v7;
	v63 =	vshrl.u32 v4, $0x7;
	[tilespmem:s21+$0x20] =	vst v2  }
0x3b: {  	v1 =	vor.u32 v0, v3;
	v3 =	vand.u32 $0x7F, v4;
	[tilespmem:s21+$0x4040] =	vst v63  }
0x3c: {  	v2 =	vor.u32 v0, v3;
	[tilespmem:s21+$0x30] =	vst v1  }
0x3d: {  	[tilespmem:s21+$0x40] =	vst v2  }
0x3e: {  	s26 =	simm.s32 $0x0;
	[bflag:$0x0] =	sbarrier.arrive $0xFFFF  }
0x3f: {  	[tilespmem:s14], [sflag:$0x1] =	stream.indirect.gather [hbm4b:s4+s13], $0x80, s26, s13, $0xb8;
	[tilespmem:$0xD280] =	vst v63  }
0x40: {  	s28 =	simm.s32 $0x80  }
0x41: {  	[tilespmem:s15], [sflag:$0x2] =	stream.indirect.gather [hbm4b:s4+s13], $0x80, s28, s13, $0xb8;
	[tilespmem:$0xD280] =	vst v63  }
0x42: {  	_ =	swait.ge [sflag:s16], $0x2800  }
0x43: {  	[sflag:s16] =	ssyncset.done $0x0  }
0x44: {  	s29 =	simm.s32 $0x4000;
	[sflag:s16] =	ssyncadd.s32 $0xFFFFD800  }
0x45: {  	[spmem:s1] =	stream.indirect.scatter.add.f32 [tilespmem:s14], [sflag:$0x3], $0x80, s29, s13, $0xb8;
	[tilespmem:$0xD280] =	vst v63  }
0x46: {  	_ =	swait.ge [sflag:s12], $0x2800  }
0x47: {  	[sflag:s12] =	ssyncset.done $0x0  }
0x48: {  	s30 =	simm.s32 $0x100;
	[sflag:s12] =	ssyncadd.s32 $0xFFFFD800  }
0x49: {  	[tilespmem:s14], [sflag:$0x1] =	stream.indirect.gather [hbm4b:s4+s13], $0x80, s30, s13, $0xb8;
	[tilespmem:$0xD280] =	vst v63  }
0x4a: {  	_ =	swait.ge [sflag:s17], $0x2800  }
0x4b: {  	[sflag:s17] =	ssyncset.done $0x0  }
0x4c: {  	s31 =	simm.s32 $0x4080;
	[sflag:s17] =	ssyncadd.s32 $0xFFFFD800  }
0x4d: {  	[spmem:s1] =	stream.indirect.scatter.add.f32 [tilespmem:s15], [sflag:$0x3], $0x80, s31, s13, $0xb8;
	[tilespmem:$0xD280] =	vst v63  }
0x4e: {  	_ =	swait.ge [sflag:s12], $0x2800  }
0x4f: {  	s20 =	simm.s32 $0x100;
	s21 =	simm.s32 $0x800;
	[sflag:s12] =	ssyncset.done $0x0  }
.LBB2_4:
0x50: {  	s22 =	sadd.s32 $0x80, s20  }
0x51: {  	[sflag:s12] =	ssyncadd.s32 $0xFFFFD800;
	s23 =	smov.u32 s21;
	s24 =	sadd.s32 $0x400, s21  }
0x52: {  	[tilespmem:s15], [sflag:$0x2] =	stream.indirect.gather [hbm4b:s4+s13], $0x80, s22, s13, $0xb8;
	[tilespmem:$0xD280] =	vst v63  }
0x53: {  	p1 =	sne.s32 s21, $0xF400;
	_ =	swait.ge [sflag:s16], $0x2800  }
0x54: {  	[sflag:s16] =	ssyncset.done $0x0  }
0x55: {  	s21 =	sadd.s32 $0x4000, s20;
	[sflag:s16] =	ssyncadd.s32 $0xFFFFD800  }
0x56: {  	[spmem:s1] =	stream.indirect.scatter.add.f32 [tilespmem:s14], [sflag:$0x3], $0x80, s21, s13, $0xb8;
	[tilespmem:$0xD280] =	vst v63  }
0x57: {  	_ =	swait.ge [sflag:s12], $0x2800  }
0x58: {  	[sflag:s12] =	ssyncset.done $0x0  }
0x59: {  	s21 =	sadd.s32 $0x100, s20;
	[sflag:s12] =	ssyncadd.s32 $0xFFFFD800  }
0x5a: {  	[tilespmem:s14], [sflag:$0x1] =	stream.indirect.gather [hbm4b:s4+s13], $0x80, s21, s13, $0xb8;
	[tilespmem:$0xD280] =	vst v63  }
0x5b: {  	_ =	swait.ge [sflag:s17], $0x2800  }
.Ltmp1:
0x5c: {  	[sflag:s17] =	ssyncset.done $0x0;
	(pc) =	sbr.rel @p1 .LBB2_4-.Ltmp1, $4  }
0x5d: {  	s20 =	sadd.s32 $0x4080, s20;
	[sflag:s17] =	ssyncadd.s32 $0xFFFFD800  }
0x5e: {  	[spmem:s1] =	stream.indirect.scatter.add.f32 [tilespmem:s15], [sflag:$0x3], $0x80, s20, s13, $0xb8;
	[tilespmem:$0xD280] =	vst v63  }
0x5f: {  	_ =	swait.ge [sflag:s12], $0x2800  }
0x60: {  	s21 =	smov.u32 s24;
	s20 =	sshra.s32 s23, $0x2;
	[sflag:s12] =	ssyncset.done $0x0  }
0x61: {  	s21 =	sadd.s32 $0x80, s20;
	[sflag:s12] =	ssyncadd.s32 $0xFFFFD800  }
0x62: {  	[tilespmem:s15], [sflag:$0x2] =	stream.indirect.gather [hbm4b:s4+s13], $0x80, s21, s13, $0xb8;
	[tilespmem:$0xD280] =	vst v63  }
0x63: {  	_ =	swait.ge [sflag:s16], $0x2800  }
0x64: {  	[sflag:s16] =	ssyncset.done $0x0  }
0x65: {  	s29 =	sadd.s32 $0x4000, s20;
	[sflag:s16] =	ssyncadd.s32 $0xFFFFD800  }
0x66: {  	[spmem:s1] =	stream.indirect.scatter.add.f32 [tilespmem:s14], [sflag:$0x3], $0x80, s29, s13, $0xb8;
	[tilespmem:$0xD280] =	vst v63  }
0x67: {  	_ =	swait.ge [sflag:s12], $0x2800  }
0x68: {  	[sflag:s12] =	ssyncset.done $0x0  }
0x69: {  	s30 =	sadd.s32 $0x100, s20;
	[sflag:s12] =	ssyncadd.s32 $0xFFFFD800  }
0x6a: {  	[tilespmem:s14], [sflag:$0x1] =	stream.indirect.gather [hbm4b:s4+s13], $0x80, s30, s13, $0xb8;
	[tilespmem:$0xD280] =	vst v63  }
0x6b: {  	_ =	swait.ge [sflag:s17], $0x2800  }
0x6c: {  	[sflag:s17] =	ssyncset.done $0x0  }
0x6d: {  	s31 =	sadd.s32 $0x4080, s20;
	[sflag:s17] =	ssyncadd.s32 $0xFFFFD800  }
0x6e: {  	[spmem:s1] =	stream.indirect.scatter.add.f32 [tilespmem:s15], [sflag:$0x3], $0x80, s31, s13, $0xb8;
	[tilespmem:$0xD280] =	vst v63  }
0x6f: {  	_ =	swait.ge [sflag:s12], $0x2800  }
0x70: {  	[sflag:s12] =	ssyncset.done $0x0  }
0x71: {  	[sflag:s12] =	ssyncadd.s32 $0xFFFFD800  }
0x72: {  	_ =	swait.ge [sflag:s16], $0x2800  }
0x73: {  	[sflag:s16] =	ssyncset.done $0x0  }
0x74: {  	[sflag:s16] =	ssyncadd.s32 $0xFFFFD800  }
0x75: {  	[spmem:s1] =	stream.indirect.scatter.add.f32 [tilespmem:s14], [sflag:$0x3], $0x80, s18, s13, $0xb8;
	[tilespmem:$0xD280] =	vst v63  }
0x76: {  	_ =	swait.ge [sflag:s12], $0x2800  }
0x77: {  	s19 =	sadd.s32 $0x1, s19;
	[sflag:s12] =	ssyncset.done $0x0  }
0x78: {  	p1 =	sne.s32 s19, s8;
	[sflag:s12] =	ssyncadd.s32 $0xFFFFD800  }
.Ltmp2:
0x79: {  	s20 =	simm.s32 @!p0 $0x3;
	[bflag:$0x0] =	sbarrier.arrive $0xFFFF;
	(pc) =	sbr.rel @p1 .LBB2_1-.Ltmp2, $4  }
0x7a: {  	[hbm:s7], [sflag:s9] =	dma.local @!p0 [spmem:s10], $0x80  }
0x7b: {  	_ =	swait.ge @!p0 [sflag:s20], $0x80  }
0x7c: {  	[sflag:s20] =	ssyncset.done @!p0 $0x0  }
0x7d: {  	[sflag:s20] =	ssyncadd.s32 @!p0 $0xFFFFFF80  }
0x7e: {  	_ =	sfence.sel $0x180000  }
0x7f: {  	[bflag:$0x0] =	sbarrier.arrive $0xFFFF  }
0x80: {  	p0 =	sne.s32 s2, $0x0;
	_ =	strace $0x90000047  }
0x81: {  	s0 =	sadd.s32 @!p0 $0x100000, s0;
	[bflag:$0x2] =	sbarrier.arrive $0xFFFF  }
0x82: {  	[sflag:s0] =	ssyncadd.tile.s32 @!p0 $0x1;
	_ =	shalt  }
.Lfunc_end2:
_tile_overlayer_lowered:
.L_overlay_start_2:
0x83: {  	(tag) =	ssettag $0x2  }
0x84: {  	s0 =	rddreg [dreg:$0x0];
	s2 =	stileid.u32  }
0x85: {  	s1 =	rddreg [dreg:$0x1];
	p0 =	sne.s32 s2, $0x0  }
0x86: {  	s3 =	rddreg [dreg:$0x2];
	[bflag:$0x3] =	sbarrier.arrive $0xFFFF;
	s2 =	simm.s32 @!p0 $0x1C03  }
0x87: {  	[timem:s3], [sflag:s2] =	dma.local @!p0 [hbm:s0], s1  }
0x88: {  	s0 =	simm.s32 @!p0 $0x3  }
0x89: {  	_ =	swait.ge @!p0 [sflag:s0], s1  }
0x8a: {  	s1 =	ssub.s32 @!p0 $0x0, s1;
	[sflag:s0] =	ssyncset.done @!p0 $0x0  }
0x8b: {  	[sflag:s0] =	ssyncadd.s32 @!p0 s1  }
0x8c: {  	[bflag:$0x3] =	sbarrier.arrive $0xFFFF  }
0x8d: {  	_ =	shalt  }

// kernel: kernel.13.cloned.1.call-start
scs
__scs_entry_jumppad:
0x0: {  	(pc) =	sbr.rel $0x88, $3  }
0x1: {  	(tag) =	ssettag $0x0;
	lr =	simm.s32 $0x1  }
0x2: {  	[smem:$0x3F9B] =	sst lr;
	_ =	strace $0xD0000000  }
0x3: {  	_ = 	snop  }
0x4: {  	_ = 	snop  }
0x5: {  	_ = 	snop  }
0x6: {  	_ = 	snop  }
0x7: {  	_ = 	snop  }
__scs_overlays_trampoline_lowered:
0x8: {  	[smem:$0x3FAA] =	sst s0  }
0x9: {  	[smem:$0x3FAB] =	sst s1  }
0xa: {  	[smem:$0x3FAC] =	sst s2  }
0xb: {  	[smem:$0x3FAD] =	sst s3  }
0xc: {  	[smem:$0x3FAE] =	sst s4  }
0xd: {  	[smem:$0x3FAF] =	sst s5  }
0xe: {  	[smem:$0x3FB0] =	sst s6  }
0xf: {  	[smem:$0x3FB1] =	sst s7  }
0x10: {  	[smem:$0x3FB2] =	sst s8  }
0x11: {  	[smem:$0x3FB3] =	sst s9;
	s0 =	simm.s32 @!p0 $0x0  }
0x12: {  	s1 =	sld [smem:$0x3F99];
	s0 =	simm.s32 @p0 $0x1  }
0x13: {  	[smem:$0x3FB4] =	sst s0;
	s0 =	simm.s32 @!p1 $0x0  }
0x14: {  	s2 =	sld [smem:$0x3F98];
	s0 =	simm.s32 @p1 $0x1  }
0x15: {  	[smem:$0x3FB5] =	sst s0;
	s0 =	simm.s32 @!p2 $0x0  }
0x16: {  	s3 =	sld [smem:$0x3FDB];
	s0 =	simm.s32 @p2 $0x1  }
0x17: {  	s4 =	simm.s32 $0x1BF5;
	[smem:$0x3FB7] =	sst s0  }
0x18: {  	s0 =	sld [smem:$0x3F9A];
	_ =	swait.ge [sflag:s4], $0x0  }
0x19: {  	s7 =	sld [smem:$0x3F9B]  }
0x1a: {  	s8 =	sadd.s32 $0xFFFFE003, lr  }
0x1b: {  	s9 =	sadd.s32 $0xFFFFFEF7, lr;
	s5 =	simm.s32 $0xFFFFFFFF;
	p2 =	slt.u32 s8, $0xFFFFF086  }
0x1c: {  	p1 =	slt.u32 s9, $0xF7A;
	s5 =	simm.s32 @!p2 $0x0  }
0x1d: {  	s5 =	simm.s32 @p1 $0x1;
	p0 =	seq.s32 s7, s2  }
0x1e: {  	s7 =	smul.u32 @!p0 $0xF7A, s2;
	p2 =	seq.s32 @!p0 s5, $0x0  }
0x1f: {  	s9 =	smul.u32 $0xF7A, s1;
	s8 =	simm.s32 @!p0 $0x1BF5;
	p2 =	por !p2, p0  }
0x20: {  	[sflag:s8] =	ssyncset.s32 @!p0 $0xFFFFF086;
	s6 =	sadd.s32 @!p0 s3, s7;
	s7 =	simm.s32 @!p0 $0x108  }
0x21: {  	s3 =	sadd.s32 s3, s9;
	s6 =	sadd.s32 @!p0 $0x88, s6;
	s7 =	simm.s32 @p2 $0x1082  }
0x22: {  	[simem:s7], [sflag:s8] =	dma.local @!p0 [hbm:s6], $0xF7A  }
0x23: {  	s9 =	sor.u32 $0xD0000000, s2;
	s6 =	simm.s32 $0x108;
	_ =	swait.ge @!p0 [sflag:s8], $0x0  }
0x24: {  	s3 =	sadd.s32 $0x88, s3;
	s6 =	simm.s32 @!p1 $0x1082;
	[sflag:s4] =	ssyncset.s32 $0xFFFFF086  }
0x25: {  	[simem:s6], [sflag:s4] =	dma.local [hbm:s3], $0xF7A  }
0x26: {  	[smem:$0x3F9B] =	sst s1;
	(tag) =	ssettag s2;
	_ =	strace s9  }
0x27: {  	s1 =	sld [smem:$0x3FAB]  }
0x28: {  	s2 =	sld [smem:$0x3FAC]  }
0x29: {  	s4 =	sld [smem:$0x3FAE]  }
0x2a: {  	p0 =	seq.s32 s5, $0x0;
	s5 =	sld [smem:$0x3FAF]  }
0x2b: {  	s6 =	sld [smem:$0x3FB0]  }
0x2c: {  	s7 =	sld [smem:$0x3FB1]  }
0x2d: {  	s3 =	simm.s32 $0x108;
	s8 =	sld [smem:$0x3FB2]  }
0x2e: {  	s3 =	simm.s32 @!p0 $0x1082;
	s9 =	sld [smem:$0x3FB3]  }
0x2f: {  	lr =	sadd.s32 s0, s3;
	s0 =	sld [smem:$0x3FAA]  }
0x30: {  	s3 =	sld [smem:$0x3FAD]  }
0x31: {  	[smem:$0x3FB6] =	sst s10  }
0x32: {  	s10 =	sld [smem:$0x3FB4];
	_ =	sdelay $0x3  }
0x33: {  	p0 =	seq.s32 s10, $0x1;
	s10 =	sld [smem:$0x3FB6];
	_ =	sdelay $0x3  }
0x34: {  	[smem:$0x3FB6] =	sst s10  }
0x35: {  	s10 =	sld [smem:$0x3FB5];
	_ =	sdelay $0x3  }
0x36: {  	p1 =	seq.s32 s10, $0x1;
	s10 =	sld [smem:$0x3FB6];
	_ =	sdelay $0x3  }
0x37: {  	[smem:$0x3FB6] =	sst s10  }
0x38: {  	s10 =	sld [smem:$0x3FB7]  }
0x39: {  	_ = 	snop;
	(pc) =	sbr.ind lr, $3  }
0x3a: {  	_ = 	snop  }
0x3b: {  	_ = 	snop  }
0x3c: {  	p2 =	seq.s32 s10, $0x1;
	s10 =	sld [smem:$0x3FB6]  }
0x3d: {  	_ =	shalt  }
0x3e: {  	_ =	shalt  }
0x3f: {  	_ =	shalt  }
0x40: {  	_ =	shalt  }
0x41: {  	_ =	shalt  }
0x42: {  	_ =	shalt  }
0x43: {  	_ =	shalt  }
0x44: {  	_ =	shalt  }
0x45: {  	_ =	shalt  }
0x46: {  	_ =	shalt  }
0x47: {  	_ =	shalt  }
0x48: {  	_ =	shalt  }
0x49: {  	_ =	shalt  }
0x4a: {  	_ =	shalt  }
0x4b: {  	_ =	shalt  }
0x4c: {  	_ =	shalt  }
0x4d: {  	_ =	shalt  }
0x4e: {  	_ =	shalt  }
0x4f: {  	_ =	shalt  }
0x50: {  	_ =	shalt  }
0x51: {  	_ =	shalt  }
0x52: {  	_ =	shalt  }
0x53: {  	_ =	shalt  }
0x54: {  	_ =	shalt  }
0x55: {  	_ =	shalt  }
0x56: {  	_ =	shalt  }
0x57: {  	_ =	shalt  }
0x58: {  	_ =	shalt  }
0x59: {  	_ =	shalt  }
0x5a: {  	_ =	shalt  }
0x5b: {  	_ =	shalt  }
0x5c: {  	_ =	shalt  }
0x5d: {  	_ =	shalt  }
0x5e: {  	_ =	shalt  }
0x5f: {  	_ =	shalt  }
0x60: {  	_ =	shalt  }
0x61: {  	_ =	shalt  }
0x62: {  	_ =	shalt  }
0x63: {  	_ =	shalt  }
0x64: {  	_ =	shalt  }
0x65: {  	_ =	shalt  }
0x66: {  	_ =	shalt  }
0x67: {  	_ =	shalt  }
0x68: {  	_ =	shalt  }
0x69: {  	_ =	shalt  }
0x6a: {  	_ =	shalt  }
0x6b: {  	_ =	shalt  }
0x6c: {  	_ =	shalt  }
0x6d: {  	_ =	shalt  }
0x6e: {  	_ =	shalt  }
0x6f: {  	_ =	shalt  }
0x70: {  	_ =	shalt  }
0x71: {  	_ =	shalt  }
0x72: {  	_ =	shalt  }
0x73: {  	_ =	shalt  }
0x74: {  	_ =	shalt  }
0x75: {  	_ =	shalt  }
0x76: {  	_ =	shalt  }
0x77: {  	_ =	shalt  }
0x78: {  	_ =	shalt  }
0x79: {  	_ =	shalt  }
0x7a: {  	_ =	shalt  }
0x7b: {  	_ =	shalt  }
0x7c: {  	_ =	shalt  }
0x7d: {  	_ =	shalt  }
0x7e: {  	_ =	shalt  }
0x7f: {  	_ =	shalt  }
0x80: {  	_ =	shalt  }
0x81: {  	_ =	shalt  }
0x82: {  	_ =	shalt  }
0x83: {  	_ =	shalt  }
0x84: {  	_ =	shalt  }
0x85: {  	_ =	shalt  }
0x86: {  	_ =	shalt  }
0x87: {  	_ =	shalt  }
.Lfunc_end0:
.L_simem_size_0:
called_computation.1_lowered:
.L_overlay_start_0:
0x88: {  	s2 =	sld [smem:$0x3FD9]  }
0x89: {  	s3 =	sld [smem:$0x3FFE];
	_ =	sdelay $0x1  }
0x8a: {  	s1 =	srdreg.scid  }
0x8b: {  	s0 =	sand.u32 $0x1, s1  }
0x8c: {  	s16 =	sshll.u32 s0, $0xA;
	s2 =	sadd.s32 s3, s2  }
0x8d: {  	s2 =	sadd.s32 s2, s16  }
0x8e: {  	[smem:$0x3FC2] =	sst s2  }
0x8f: {  	_ = 	snop  }
0x90: {  	(tm) =	ssettm $0x1  }
0x91: {  	s17 =	sld [smem:$0x3FFB];
	_ =	sdelay $0x3  }
0x92: {  	_ =	strace s17  }
0x93: {  	s2 =	sld [smem:$0x3FFC];
	_ =	sdelay $0x3  }
0x94: {  	_ =	strace s2  }
0x95: {  	s2 =	sld [smem:$0x3FFD];
	_ =	sdelay $0x3  }
0x96: {  	_ =	strace s2  }
0x97: {  	_ =	strace $0x8FFFFFFF  }
0x98: {  	s18 =	sld [smem:$0x3FDB];
	_ =	sdelay $0x1  }
0x99: {  	s19 =	simm.s32 $_scs_section_size  }
0x9a: {  	s4 =	simm.s32 $_size__tile_overlayer_lowered;
	s5 =	simm.s32 $_tile_overlayer_lowered  }
0x9b: {  	s22 =	simm.s32 $0x1BFF;
	s21 =	sshll.u32 s5, $0x1;
	s2 =	sadd.s32 s19, s18  }
0x9c: {  	s6 =	simm.s32 $0x0;
	s20 =	sshll.u32 s4, $0x1;
	s4 =	sadd.s32 s21, s2  }
0x9d: {  	[timem:s6], [sflag:s22] =	dma.local [hbm:s4], s20  }
0x9e: {  	_ =	swait.ge [sflag:s22], s20  }
0x9f: {  	s3 =	ssub.s32 $0x0, s20;
	[sflag:s22] =	ssyncset.done $0x0  }
0xa0: {  	[sflag:s22] =	ssyncadd.s32 s3;
	_ =	sdelay $0x1  }
0xa1: {  	s23 =	simm.s32 $0x1B8B  }
0xa2: {  	_ =	swait.ge [sflag:s23], $0x1  }
0xa3: {  	[sflag:s23] =	ssyncset.done $0x0  }
0xa4: {  	s25 =	simm.s32 $0x1B8E;
	s24 =	sld [smem:$0x3FFE];
	[sflag:s23] =	ssyncadd.s32 $0xFFFFFFFF  }
0xa5: {  	s26 =	simm.s32 $execute0_lowered;
	[smem:$0x3FD2] =	sst s25  }
0xa6: {  	s4 =	sshll.u32 s26, $0x1;
	_ =	strace $0x80000049;
	[dreg:$0x1] =	wrdreg $0xFFFFFFFF  }
0xa7: {  	s28 =	simm.s32 $_size_execute0_lowered;
	s2 =	sadd.s32 s2, s4;
	[dreg:$0x0] =	wrdreg $0x0  }
0xa8: {  	s4 =	sshll.u32 s28, $0x1;
	[dreg:$0x2] =	wrdreg s2  }
0xa9: {  	[dreg:$0x3] =	wrdreg s4  }
0xaa: {  	[dreg:$0x4] =	wrdreg $0xC0  }
0xab: {  	_ =	task [dreg:s6], $0x5FFFF  }
0xac: {  	[dreg:$0x1] =	wrdreg $0xFFFFFFFF  }
0xad: {  	[dreg:$0x0] =	wrdreg $0x60  }
0xae: {  	[dreg:$0x2] =	wrdreg s24  }
0xaf: {  	[dreg:$0x3] =	wrdreg $0x150000  }
0xb0: {  	[dreg:$0x4] =	wrdreg $0x9  }
0xb1: {  	_ =	task.clear_ibuf [dreg:s6], $0x5FFFF;
	_ =	strace $0x90000049  }
0xb2: {  	s29 =	simm.s32 $0x9;
	_ =	strace $0x8000004B  }
0xb3: {  	_ =	swait.ge [sflag:s29], $0x1  }
0xb4: {  	[sflag:s29] =	ssyncadd.s32 $0xFFFFFFFF  }
0xb5: {  	_ =	strace $0x9000004B  }
0xb6: {  	_ =	sfence  }
0xb7: {  	s30 =	sld [smem:$0x0];
	_ =	sdelay $0x2  }
0xb8: {  	s31 =	sshll.u32 s1, $0xD;
	s1 =	sshrl.u32 s1, $0x2  }
0xb9: {  	s3 =	sand.u32 $0x4000, s31;
	s1 =	sadd.s32 s1, s30  }
0xba: {  	s0 =	sor.u32 s3, s0;
	s1 =	sshll.u32 s1, $0x11  }
0xbb: {  	s0 =	sor.u32 s1, s0  }
0xbc: {  	s0 =	sadd.s32 $0x8F2B, s0  }
0xbd: {  	[sflag:s0] =	ssyncadd.remote.s32 $0x1  }
0xbe: {  	_ =	sfence.sel $0xFFFF  }
0xbf: {  	[dreg:$0x0] =	wrdreg $0xFFFFFFFF;
	(pc) =	sbr.abs _section_cstart, $3  }
0xc0: {  	[dreg:$0x1] =	wrdreg $0xFFFFFFFF  }
0xc1: {  	_ =	task.clear_ibuf [dreg:s6], $0x2FFFF;
	_ =	strace $0x9FFFFFFF  }
0xc2: {  	(tm) =	ssettm $0x7FFFFFFF  }
0xc3: {  	_ =	shalt  }
tec
execute0_lowered:
.L_overlay_start_1:
0x0: {  	(tag) =	ssettag $0x1  }
0x1: {  	s0 =	rddreg [dreg:$0x0]  }
0x2: {  	s1 =	rddreg [dreg:$0x1]  }
0x3: {  	s3 =	simm.s32 $0x0;
	s2 =	stileid.u32;
	s4 =	srdreg.scid  }
0x4: {  	s20 =	simm.s32 $0xBE80;
	s21 =	simm.s32 $0x50;
	s30 =	simm.s32 $0x0  }
0x5: {  	[smem:$0x7FF] =	sst s3;
	s9 =	sadd.s32 $0x35E00, s0;
	s11 =	smul.u32 $0x9C00, s2  }
0x6: {  	s7 =	sand.u32 $0x1, s4;
	s12 =	sadd.s32 $0x2400, s0;
	s4 =	sadd.s32 $0x45E00, s0  }
0x7: {  	s10 =	smul.u32 $0x27000, s2;
	s13 =	sadd.s32 $0x6D000, s0;
	s23 =	sshll.u32 s2, $0x6  }
0x8: {  	s17 =	sadd.s32 $0x9C000, s1;
	s24 =	sshll.u32 s2, $0xB;
	p0 =	sne.s32 s2, $0xF  }
0x9: {  	_ =	strace $0x8000004A;
	s5 =	ssub.s32 $0x2, s7;
	s28 =	smul.u32 $0x1388, s7  }
0xa: {  	s16 =	smul.u32 $0x9C800, s7;
	s7 =	sadd.s32 $0x35C00, s0;
	s25 =	sor.u32 $0x8000, s24  }
0xb: {  	s17 =	sshrl.u32 @!p0 s17, $0x3;
	s6 =	sshrl.u32 s11, $0x3;
	s8 =	sshrl.u32 s5, $0x1  }
0xc: {  	s22 =	sshrl.u32 s10, $0x2;
	s10 =	sadd.s32 s12, s24;
	s6 =	sadd.s32 s6, s0  }
0xd: {  	s14 =	ssub.s32 s5, s8;
	s15 =	sadd.s32 s22, s1;
	s8 =	sadd.s32 s9, s24  }
0xe: {  	s9 =	sadd.s32 s9, s25;
	s18 =	sadd.s32 s11, s16;
	s11 =	sadd.s32 s12, s25  }
0xf: {  	s16 =	sshrl.u32 s16, $0x3;
	s29 =	sadd.s32 $0x1388, s28;
	s22 =	simm.s32 $0x10000  }
0x10: {  	s24 =	simm.s32 $0x1;
	s25 =	simm.s32 $0x2;
	v0 =	vmov s28;
	s28 =	simm.s32 $0xFC00  }
0x11: {  	s5 =	sadd.s32 $0x22400, s6;
	s6 =	sor.u32 $0x1C03, s23;
	s26 =	sshrl.u32 s18, $0x3  }
0x12: {  	s31 =	sadd.s32 s13, s16;
	s14 =	smax.u32 s14, $0x1;
	s15 =	sshrl.u32 s15, $0x3  }
0x13: {  	s16 =	simm.s32 $0x3;
	s23 =	simm.s32 $0x12800;
	v1 =	vmov s29;
	s29 =	simm.s32 $0xFC80  }
0x14: {  	s12 =	sadd.s32 s13, s26;
	s13 =	sadd.s32 $0x13800, s31;
	s26 =	simm.s32 $0x7C80  }
.LBB2_1:
0x15: {  	[spmem:s15], [sflag:s6] =	dma.local [hbm:s5], $0x1380  }
0x16: {  	_ =	swait.ge [sflag:s16], $0x1380  }
0x17: {  	[sflag:s16] =	ssyncset.done $0x0  }
0x18: {  	s0 =	simm.s32 @!p0 $0x3;
	[sflag:s16] =	ssyncadd.s32 $0xFFFFEC80  }
0x19: {  	[spmem:s17], [sflag:s6] =	dma.local @!p0 [hbm:s7], $0x100  }
0x1a: {  	_ =	swait.ge @!p0 [sflag:s0], $0x100  }
0x1b: {  	[sflag:s0] =	ssyncset.done @!p0 $0x0  }
0x1c: {  	[sflag:s0] =	ssyncadd.s32 @!p0 $0xFFFFFF00  }
0x1d: {  	[tilespmem:s3], [sflag:$0x3] =	stream.linear.gather [hbm4b:s8+s3], $0x3E80, $0x38;
	[tilespmem:$0x1EC80] =	vst v63  }
0x1e: {  	_ =	swait.ge [sflag:s16], $0x3E80  }
0x1f: {  	[sflag:s16] =	ssyncset.done $0x0  }
0x20: {  	s18 =	simm.s32 $0x3E80;
	[sflag:s16] =	ssyncadd.s32 $0xFFFFC180  }
0x21: {  	[tilespmem:s18], [sflag:$0x3] =	stream.linear.gather [hbm4b:s9+s3], $0x3E80, $0x38;
	[tilespmem:$0x1EC80] =	vst v63  }
0x22: {  	_ =	swait.ge [sflag:s16], $0x3E80  }
0x23: {  	[sflag:s16] =	ssyncset.done $0x0  }
0x24: {  	s19 =	simm.s32 $0x8000;
	[sflag:s16] =	ssyncadd.s32 $0xFFFFC180  }
0x25: {  	[tilespmem:s19], [sflag:$0x3] =	stream.linear.gather [hbm4b:s10+s3], $0x3E80, $0x38;
	[tilespmem:$0x1EC80] =	vst v63  }
0x26: {  	_ =	swait.ge [sflag:s16], $0x3E80  }
0x27: {  	[sflag:s16] =	ssyncset.done $0x0  }
0x28: {  	[sflag:s16] =	ssyncadd.s32 $0xFFFFC180  }
0x29: {  	[tilespmem:s20], [sflag:$0x3] =	stream.linear.gather [hbm4b:s11+s3], $0x3E80, $0x38;
	[tilespmem:$0x1EC80] =	vst v63  }
0x2a: {  	_ =	swait.ge [sflag:s16], $0x3E80  }
0x2b: {  	[sflag:s16] =	ssyncset.done $0x0  }
0x2c: {  	s31 =	simm.s32 $0x0;
	[sflag:s16] =	ssyncadd.s32 $0xFFFFC180  }
0x2d: {  	v3 =	vld [tilespmem:s31+$0x8040];
	_ =	sdelay $0x2  }
0x2e: {  	v4 =	vld [tilespmem:s31+$0x8020]  }
0x2f: {  	v5 =	vld [tilespmem:s31+$0x8000]  }
0x30: {  	vm0 =	vge.s32 v3, v0;
	vm1 =	vlt.s32 v3, v1  }
0x31: {  	v2 =	vld [tilespmem:s31+$0x8030];
	v6 =	vsub.s32 v3, v0;
	vm0 =	vmand vm0, vm1  }
0x32: {  	v3 =	vld [tilespmem:s31+$0x8010];
	v6 =	vnsel vm0, $0x1388, v6  }
0x33: {  	s0 =	simm.s32 $0x200;
	vm1 =	vlt.s32 v4, v1;
	vm0 =	vge.s32 v4, v0;
	[tilespmem:s31+$0x8040] =	vst v6  }
.LBB2_2:
0x34: {  	s2 =	sshra.s32 s0, $0x2;
	p1 =	sne.s32 s0, $0x1F200;
	s0 =	sadd.s32 $0x200, s0;
	vm2 =	vlt.s32 v5, v1;
	v6 =	vsub.s32 v5, v0  }
0x35: {  	vm3 =	vge.s32 v5, v0;
	vm0 =	vmand vm0, vm1;
	v4 =	vsub.s32 v4, v0;
	v7 =	vld [tilespmem:s2+$0x8040]  }
0x36: {  	vm1 =	vmand vm3, vm2;
	v4 =	vnsel vm0, $0x1388, v4;
	vm0 =	vge.s32 v2, v0  }
0x37: {  	v5 =	vnsel vm1, $0x1388, v6;
	vm2 =	vlt.s32 v2, v1;
	vm1 =	vlt.s32 v3, v1;
	[tilespmem:s31+$0x8020] =	vst v4  }
0x38: {  	v2 =	vsub.s32 v2, v0;
	vm3 =	vge.s32 v3, v0;
	vm0 =	vmand vm0, vm2;
	v4 =	vld [tilespmem:s2+$0x8020];
	[tilespmem:s31+$0x8000] =	vst v5  }
.Ltmp0:
0x39: {  	v3 =	vsub.s32 v3, v0;
	vm1 =	vmand vm3, vm1;
	v2 =	vnsel vm0, $0x1388, v2;
	v5 =	vld [tilespmem:s2+$0x8000];
	(pc) =	sbr.rel @p1 .LBB2_2-.Ltmp0, $4  }
0x3a: {  	v3 =	vnsel vm1, $0x1388, v3;
	vm0 =	vge.s32 v7, v0;
	vm2 =	vlt.s32 v7, v1;
	[tilespmem:s31+$0x8030] =	vst v2  }
0x3b: {  	v6 =	vsub.s32 v7, v0;
	v2 =	vld [tilespmem:s2+$0x8030];
	vm0 =	vmand vm0, vm2;
	[tilespmem:s31+$0x8010] =	vst v3;
	s31 =	smov.u32 s2  }
0x3c: {  	v3 =	vld [tilespmem:s31+$0x8010];
	v6 =	vnsel vm0, $0x1388, v6  }
0x3d: {  	vm0 =	vge.s32 v4, v0;
	vm1 =	vlt.s32 v4, v1;
	[tilespmem:s31+$0x8040] =	vst v6  }
0x3e: {  	vm2 =	vlt.s32 v5, v1;
	v6 =	vsub.s32 v5, v0  }
0x3f: {  	vm3 =	vge.s32 v5, v0;
	vm0 =	vmand vm0, vm1;
	v4 =	vsub.s32 v4, v0  }
0x40: {  	vm11 =	vmand vm3, vm2;
	v4 =	vnsel vm0, $0x1388, v4;
	vm12 =	vge.s32 v2, v0  }
0x41: {  	v63 =	vnsel vm11, $0x1388, v6;
	vm14 =	vlt.s32 v2, v1;
	v2 =	vsub.s32 v2, v0  }
0x42: {  	[tilespmem:s31+$0x8020] =	vst v4;
	vm13 =	vlt.s32 v3, v1;
	vm15 =	vge.s32 v3, v0;
	vm0 =	vmand vm12, vm14  }
0x43: {  	[tilespmem:s31+$0x8000] =	vst v63;
	v3 =	vsub.s32 v3, v0;
	vm1 =	vmand vm15, vm13;
	v2 =	vnsel vm0, $0x1388, v2  }
0x44: {  	v3 =	vnsel vm1, $0x1388, v3;
	[tilespmem:s31+$0x8030] =	vst v2  }
0x45: {  	[tilespmem:s31+$0x8010] =	vst v3  }
0x46: {  	s0 =	simm.s32 $0x0;
	[bflag:$0x0] =	sbarrier.arrive $0xFFFF  }
0x47: {  	[tilespmem:s22], [sflag:$0x1] =	stream.indirect.gather [hbm4b:s4+s21], $0x80, s0, s21, $0xb8;
	[tilespmem:$0x1EC80] =	vst v63  }
0x48: {  	s19 =	simm.s32 $0x80  }
0x49: {  	[tilespmem:s23], [sflag:$0x2] =	stream.indirect.gather [hbm4b:s4+s21], $0x80, s19, s21, $0xb8;
	[tilespmem:$0x1EC80] =	vst v63  }
0x4a: {  	_ =	swait.ge [sflag:s24], $0x2800  }
0x4b: {  	[sflag:s24] =	ssyncset.done $0x0  }
0x4c: {  	s2 =	simm.s32 $0x8000;
	[sflag:s24] =	ssyncadd.s32 $0xFFFFD800  }
0x4d: {  	[spmem:s1] =	stream.indirect.scatter.add.f32 [tilespmem:s22], [sflag:$0x3], $0x80, s2, s21, $0xb8;
	[tilespmem:$0x1EC80] =	vst v63  }
0x4e: {  	_ =	swait.ge [sflag:s16], $0x2800  }
0x4f: {  	[sflag:s16] =	ssyncset.done $0x0  }
0x50: {  	s18 =	simm.s32 $0x100;
	[sflag:s16] =	ssyncadd.s32 $0xFFFFD800  }
0x51: {  	[tilespmem:s22], [sflag:$0x1] =	stream.indirect.gather [hbm4b:s4+s21], $0x80, s18, s21, $0xb8;
	[tilespmem:$0x1EC80] =	vst v63  }
0x52: {  	_ =	swait.ge [sflag:s25], $0x2800  }
0x53: {  	[sflag:s25] =	ssyncset.done $0x0  }
0x54: {  	s19 =	simm.s32 $0x8080;
	[sflag:s25] =	ssyncadd.s32 $0xFFFFD800  }
0x55: {  	[spmem:s1] =	stream.indirect.scatter.add.f32 [tilespmem:s23], [sflag:$0x3], $0x80, s19, s21, $0xb8;
	[tilespmem:$0x1EC80] =	vst v63  }
0x56: {  	_ =	swait.ge [sflag:s16], $0x2800  }
0x57: {  	s31 =	simm.s32 $0x100;
	s0 =	simm.s32 $0x800;
	[sflag:s16] =	ssyncset.done $0x0  }
.LBB2_4:
0x58: {  	s2 =	sadd.s32 $0x80, s31  }
0x59: {  	[sflag:s16] =	ssyncadd.s32 $0xFFFFD800;
	s18 =	smov.u32 s0;
	s19 =	sadd.s32 $0x400, s0  }
0x5a: {  	[tilespmem:s23], [sflag:$0x2] =	stream.indirect.gather [hbm4b:s4+s21], $0x80, s2, s21, $0xb8;
	[tilespmem:$0x1EC80] =	vst v63  }
0x5b: {  	p1 =	sne.s32 s0, $0x1EC00;
	_ =	swait.ge [sflag:s24], $0x2800  }
0x5c: {  	[sflag:s24] =	ssyncset.done $0x0  }
0x5d: {  	s0 =	sadd.s32 $0x8000, s31;
	[sflag:s24] =	ssyncadd.s32 $0xFFFFD800  }
0x5e: {  	[spmem:s1] =	stream.indirect.scatter.add.f32 [tilespmem:s22], [sflag:$0x3], $0x80, s0, s21, $0xb8;
	[tilespmem:$0x1EC80] =	vst v63  }
0x5f: {  	_ =	swait.ge [sflag:s16], $0x2800  }
0x60: {  	[sflag:s16] =	ssyncset.done $0x0  }
0x61: {  	s0 =	sadd.s32 $0x100, s31;
	[sflag:s16] =	ssyncadd.s32 $0xFFFFD800  }
0x62: {  	[tilespmem:s22], [sflag:$0x1] =	stream.indirect.gather [hbm4b:s4+s21], $0x80, s0, s21, $0xb8;
	[tilespmem:$0x1EC80] =	vst v63  }
0x63: {  	_ =	swait.ge [sflag:s25], $0x2800  }
.Ltmp1:
0x64: {  	[sflag:s25] =	ssyncset.done $0x0;
	(pc) =	sbr.rel @p1 .LBB2_4-.Ltmp1, $4  }
0x65: {  	s0 =	sadd.s32 $0x8080, s31;
	[sflag:s25] =	ssyncadd.s32 $0xFFFFD800  }
0x66: {  	[spmem:s1] =	stream.indirect.scatter.add.f32 [tilespmem:s23], [sflag:$0x3], $0x80, s0, s21, $0xb8;
	[tilespmem:$0x1EC80] =	vst v63  }
0x67: {  	_ =	swait.ge [sflag:s16], $0x2800  }
0x68: {  	s31 =	sshra.s32 s18, $0x2;
	s0 =	smov.u32 s19;
	[sflag:s16] =	ssyncset.done $0x0  }
0x69: {  	s0 =	sadd.s32 $0x80, s31;
	[sflag:s16] =	ssyncadd.s32 $0xFFFFD800  }
0x6a: {  	[tilespmem:s23], [sflag:$0x2] =	stream.indirect.gather [hbm4b:s4+s21], $0x80, s0, s21, $0xb8;
	[tilespmem:$0x1EC80] =	vst v63  }
0x6b: {  	_ =	swait.ge [sflag:s24], $0x2800  }
0x6c: {  	[sflag:s24] =	ssyncset.done $0x0  }
0x6d: {  	s18 =	sadd.s32 $0x8000, s31;
	[sflag:s24] =	ssyncadd.s32 $0xFFFFD800  }
0x6e: {  	[spmem:s1] =	stream.indirect.scatter.add.f32 [tilespmem:s22], [sflag:$0x3], $0x80, s18, s21, $0xb8;
	[tilespmem:$0x1EC80] =	vst v63  }
0x6f: {  	_ =	swait.ge [sflag:s16], $0x2800  }
0x70: {  	[sflag:s16] =	ssyncset.done $0x0  }
0x71: {  	s19 =	sadd.s32 $0x100, s31;
	[sflag:s16] =	ssyncadd.s32 $0xFFFFD800  }
0x72: {  	[tilespmem:s22], [sflag:$0x1] =	stream.indirect.gather [hbm4b:s4+s21], $0x80, s19, s21, $0xb8;
	[tilespmem:$0x1EC80] =	vst v63  }
0x73: {  	_ =	swait.ge [sflag:s25], $0x2800  }
0x74: {  	[sflag:s25] =	ssyncset.done $0x0  }
0x75: {  	s31 =	sadd.s32 $0x8080, s31;
	[sflag:s25] =	ssyncadd.s32 $0xFFFFD800  }
0x76: {  	[spmem:s1] =	stream.indirect.scatter.add.f32 [tilespmem:s23], [sflag:$0x3], $0x80, s31, s21, $0xb8;
	[tilespmem:$0x1EC80] =	vst v63  }
0x77: {  	_ =	swait.ge [sflag:s16], $0x2800  }
0x78: {  	[sflag:s16] =	ssyncset.done $0x0  }
0x79: {  	[sflag:s16] =	ssyncadd.s32 $0xFFFFD800  }
0x7a: {  	[tilespmem:s23], [sflag:$0x2] =	stream.indirect.gather [hbm4b:s4+s21], $0x80, s26, s21, $0xb8;
	[tilespmem:$0x1EC80] =	vst v63  }
0x7b: {  	_ =	swait.ge [sflag:s24], $0x2800  }
0x7c: {  	[sflag:s24] =	ssyncset.done $0x0  }
0x7d: {  	[sflag:s24] =	ssyncadd.s32 $0xFFFFD800  }
0x7e: {  	[spmem:s1] =	stream.indirect.scatter.add.f32 [tilespmem:s22], [sflag:$0x3], $0x80, s28, s21, $0xb8;
	[tilespmem:$0x1EC80] =	vst v63  }
0x7f: {  	_ =	swait.ge [sflag:s16], $0x2800  }
0x80: {  	[sflag:s16] =	ssyncset.done $0x0  }
0x81: {  	[sflag:s16] =	ssyncadd.s32 $0xFFFFD800  }
0x82: {  	_ =	swait.ge [sflag:s25], $0x2800  }
0x83: {  	[sflag:s25] =	ssyncset.done $0x0  }
0x84: {  	[sflag:s25] =	ssyncadd.s32 $0xFFFFD800  }
0x85: {  	[spmem:s1] =	stream.indirect.scatter.add.f32 [tilespmem:s23], [sflag:$0x3], $0x80, s29, s21, $0xb8;
	[tilespmem:$0x1EC80] =	vst v63  }
0x86: {  	_ =	swait.ge [sflag:s16], $0x2800  }
0x87: {  	[sflag:s16] =	ssyncset.done $0x0  }
0x88: {  	[sflag:s16] =	ssyncadd.s32 $0xFFFFD800  }
0x89: {  	[bflag:$0x0] =	sbarrier.arrive $0xFFFF  }
0x8a: {  	[hbm:s12], [sflag:s6] =	dma.local [spmem:s15], $0x1380  }
0x8b: {  	s30 =	sadd.s32 $0x1, s30;
	_ =	swait.ge [sflag:s16], $0x1380  }
0x8c: {  	p1 =	sne.s32 s30, s14;
	[sflag:s16] =	ssyncset.done $0x0  }
.Ltmp2:
0x8d: {  	s0 =	simm.s32 @!p0 $0x3;
	[sflag:s16] =	ssyncadd.s32 $0xFFFFEC80;
	(pc) =	sbr.rel @p1 .LBB2_1-.Ltmp2, $4  }
0x8e: {  	[hbm:s13], [sflag:s6] =	dma.local @!p0 [spmem:s17], $0x100  }
0x8f: {  	_ =	swait.ge @!p0 [sflag:s0], $0x100  }
0x90: {  	[sflag:s0] =	ssyncset.done @!p0 $0x0  }
0x91: {  	[sflag:s0] =	ssyncadd.s32 @!p0 $0xFFFFFF00  }
0x92: {  	_ =	sfence.sel $0x180000  }
0x93: {  	[bflag:$0x0] =	sbarrier.arrive $0xFFFF  }
0x94: {  	_ =	strace $0x9000004A  }
0x95: {  	s0 =	stileid.u32;
	[bflag:$0x2] =	sbarrier.arrive $0xFFFF  }
0x96: {  	p0 =	sne.s32 s0, $0x0;
	s0 =	rddreg [dreg:$0x2]  }
0x97: {  	s0 =	sadd.s32 @!p0 $0x100000, s0  }
0x98: {  	[sflag:s0] =	ssyncadd.tile.s32 @!p0 $0x1;
	_ =	shalt  }
.Lfunc_end2:
_tile_overlayer_lowered:
.L_overlay_start_2:
0x99: {  	(tag) =	ssettag $0x2  }
0x9a: {  	s0 =	rddreg [dreg:$0x0];
	s2 =	stileid.u32  }
0x9b: {  	s1 =	rddreg [dreg:$0x1];
	p0 =	sne.s32 s2, $0x0  }
0x9c: {  	s3 =	rddreg [dreg:$0x2];
	[bflag:$0x3] =	sbarrier.arrive $0xFFFF;
	s2 =	simm.s32 @!p0 $0x1C03  }
0x9d: {  	[timem:s3], [sflag:s2] =	dma.local @!p0 [hbm:s0], s1  }
0x9e: {  	s0 =	simm.s32 @!p0 $0x3  }
0x9f: {  	_ =	swait.ge @!p0 [sflag:s0], s1  }
0xa0: {  	s1 =	ssub.s32 @!p0 $0x0, s1;
	[sflag:s0] =	ssyncset.done @!p0 $0x0  }
0xa1: {  	[sflag:s0] =	ssyncadd.s32 @!p0 s1  }
0xa2: {  	[bflag:$0x3] =	sbarrier.arrive $0xFFFF  }
0xa3: {  	_ =	shalt  }

// kernel: kernel.16.cloned.1.call-start
scs
__scs_entry_jumppad:
0x0: {  	(pc) =	sbr.rel $0x88, $3  }
0x1: {  	(tag) =	ssettag $0x0;
	lr =	simm.s32 $0x1  }
0x2: {  	[smem:$0x3F9B] =	sst lr;
	_ =	strace $0xD0000000  }
0x3: {  	_ = 	snop  }
0x4: {  	_ = 	snop  }
0x5: {  	_ = 	snop  }
0x6: {  	_ = 	snop  }
0x7: {  	_ = 	snop  }
__scs_overlays_trampoline_lowered:
0x8: {  	[smem:$0x3FAA] =	sst s0  }
0x9: {  	[smem:$0x3FAB] =	sst s1  }
0xa: {  	[smem:$0x3FAC] =	sst s2  }
0xb: {  	[smem:$0x3FAD] =	sst s3  }
0xc: {  	[smem:$0x3FAE] =	sst s4  }
0xd: {  	[smem:$0x3FAF] =	sst s5  }
0xe: {  	[smem:$0x3FB0] =	sst s6  }
0xf: {  	[smem:$0x3FB1] =	sst s7  }
0x10: {  	[smem:$0x3FB2] =	sst s8  }
0x11: {  	[smem:$0x3FB3] =	sst s9;
	s0 =	simm.s32 @!p0 $0x0  }
0x12: {  	s1 =	sld [smem:$0x3F99];
	s0 =	simm.s32 @p0 $0x1  }
0x13: {  	[smem:$0x3FB4] =	sst s0;
	s0 =	simm.s32 @!p1 $0x0  }
0x14: {  	s2 =	sld [smem:$0x3F98];
	s0 =	simm.s32 @p1 $0x1  }
0x15: {  	[smem:$0x3FB5] =	sst s0;
	s0 =	simm.s32 @!p2 $0x0  }
0x16: {  	s3 =	sld [smem:$0x3FDB];
	s0 =	simm.s32 @p2 $0x1  }
0x17: {  	s4 =	simm.s32 $0x1BF5;
	[smem:$0x3FB7] =	sst s0  }
0x18: {  	s0 =	sld [smem:$0x3F9A];
	_ =	swait.ge [sflag:s4], $0x0  }
0x19: {  	s7 =	sld [smem:$0x3F9B]  }
0x1a: {  	s8 =	sadd.s32 $0xFFFFE003, lr  }
0x1b: {  	s9 =	sadd.s32 $0xFFFFFEF7, lr;
	s5 =	simm.s32 $0xFFFFFFFF;
	p2 =	slt.u32 s8, $0xFFFFF086  }
0x1c: {  	p1 =	slt.u32 s9, $0xF7A;
	s5 =	simm.s32 @!p2 $0x0  }
0x1d: {  	s5 =	simm.s32 @p1 $0x1;
	p0 =	seq.s32 s7, s2  }
0x1e: {  	s7 =	smul.u32 @!p0 $0xF7A, s2;
	p2 =	seq.s32 @!p0 s5, $0x0  }
0x1f: {  	s9 =	smul.u32 $0xF7A, s1;
	s8 =	simm.s32 @!p0 $0x1BF5;
	p2 =	por !p2, p0  }
0x20: {  	[sflag:s8] =	ssyncset.s32 @!p0 $0xFFFFF086;
	s6 =	sadd.s32 @!p0 s3, s7;
	s7 =	simm.s32 @!p0 $0x108  }
0x21: {  	s3 =	sadd.s32 s3, s9;
	s6 =	sadd.s32 @!p0 $0x88, s6;
	s7 =	simm.s32 @p2 $0x1082  }
0x22: {  	[simem:s7], [sflag:s8] =	dma.local @!p0 [hbm:s6], $0xF7A  }
0x23: {  	s9 =	sor.u32 $0xD0000000, s2;
	s6 =	simm.s32 $0x108;
	_ =	swait.ge @!p0 [sflag:s8], $0x0  }
0x24: {  	s3 =	sadd.s32 $0x88, s3;
	s6 =	simm.s32 @!p1 $0x1082;
	[sflag:s4] =	ssyncset.s32 $0xFFFFF086  }
0x25: {  	[simem:s6], [sflag:s4] =	dma.local [hbm:s3], $0xF7A  }
0x26: {  	[smem:$0x3F9B] =	sst s1;
	(tag) =	ssettag s2;
	_ =	strace s9  }
0x27: {  	s1 =	sld [smem:$0x3FAB]  }
0x28: {  	s2 =	sld [smem:$0x3FAC]  }
0x29: {  	s4 =	sld [smem:$0x3FAE]  }
0x2a: {  	p0 =	seq.s32 s5, $0x0;
	s5 =	sld [smem:$0x3FAF]  }
0x2b: {  	s6 =	sld [smem:$0x3FB0]  }
0x2c: {  	s7 =	sld [smem:$0x3FB1]  }
0x2d: {  	s3 =	simm.s32 $0x108;
	s8 =	sld [smem:$0x3FB2]  }
0x2e: {  	s3 =	simm.s32 @!p0 $0x1082;
	s9 =	sld [smem:$0x3FB3]  }
0x2f: {  	lr =	sadd.s32 s0, s3;
	s0 =	sld [smem:$0x3FAA]  }
0x30: {  	s3 =	sld [smem:$0x3FAD]  }
0x31: {  	[smem:$0x3FB6] =	sst s10  }
0x32: {  	s10 =	sld [smem:$0x3FB4];
	_ =	sdelay $0x3  }
0x33: {  	p0 =	seq.s32 s10, $0x1;
	s10 =	sld [smem:$0x3FB6];
	_ =	sdelay $0x3  }
0x34: {  	[smem:$0x3FB6] =	sst s10  }
0x35: {  	s10 =	sld [smem:$0x3FB5];
	_ =	sdelay $0x3  }
0x36: {  	p1 =	seq.s32 s10, $0x1;
	s10 =	sld [smem:$0x3FB6];
	_ =	sdelay $0x3  }
0x37: {  	[smem:$0x3FB6] =	sst s10  }
0x38: {  	s10 =	sld [smem:$0x3FB7]  }
0x39: {  	_ = 	snop;
	(pc) =	sbr.ind lr, $3  }
0x3a: {  	_ = 	snop  }
0x3b: {  	_ = 	snop  }
0x3c: {  	p2 =	seq.s32 s10, $0x1;
	s10 =	sld [smem:$0x3FB6]  }
0x3d: {  	_ =	shalt  }
0x3e: {  	_ =	shalt  }
0x3f: {  	_ =	shalt  }
0x40: {  	_ =	shalt  }
0x41: {  	_ =	shalt  }
0x42: {  	_ =	shalt  }
0x43: {  	_ =	shalt  }
0x44: {  	_ =	shalt  }
0x45: {  	_ =	shalt  }
0x46: {  	_ =	shalt  }
0x47: {  	_ =	shalt  }
0x48: {  	_ =	shalt  }
0x49: {  	_ =	shalt  }
0x4a: {  	_ =	shalt  }
0x4b: {  	_ =	shalt  }
0x4c: {  	_ =	shalt  }
0x4d: {  	_ =	shalt  }
0x4e: {  	_ =	shalt  }
0x4f: {  	_ =	shalt  }
0x50: {  	_ =	shalt  }
0x51: {  	_ =	shalt  }
0x52: {  	_ =	shalt  }
0x53: {  	_ =	shalt  }
0x54: {  	_ =	shalt  }
0x55: {  	_ =	shalt  }
0x56: {  	_ =	shalt  }
0x57: {  	_ =	shalt  }
0x58: {  	_ =	shalt  }
0x59: {  	_ =	shalt  }
0x5a: {  	_ =	shalt  }
0x5b: {  	_ =	shalt  }
0x5c: {  	_ =	shalt  }
0x5d: {  	_ =	shalt  }
0x5e: {  	_ =	shalt  }
0x5f: {  	_ =	shalt  }
0x60: {  	_ =	shalt  }
0x61: {  	_ =	shalt  }
0x62: {  	_ =	shalt  }
0x63: {  	_ =	shalt  }
0x64: {  	_ =	shalt  }
0x65: {  	_ =	shalt  }
0x66: {  	_ =	shalt  }
0x67: {  	_ =	shalt  }
0x68: {  	_ =	shalt  }
0x69: {  	_ =	shalt  }
0x6a: {  	_ =	shalt  }
0x6b: {  	_ =	shalt  }
0x6c: {  	_ =	shalt  }
0x6d: {  	_ =	shalt  }
0x6e: {  	_ =	shalt  }
0x6f: {  	_ =	shalt  }
0x70: {  	_ =	shalt  }
0x71: {  	_ =	shalt  }
0x72: {  	_ =	shalt  }
0x73: {  	_ =	shalt  }
0x74: {  	_ =	shalt  }
0x75: {  	_ =	shalt  }
0x76: {  	_ =	shalt  }
0x77: {  	_ =	shalt  }
0x78: {  	_ =	shalt  }
0x79: {  	_ =	shalt  }
0x7a: {  	_ =	shalt  }
0x7b: {  	_ =	shalt  }
0x7c: {  	_ =	shalt  }
0x7d: {  	_ =	shalt  }
0x7e: {  	_ =	shalt  }
0x7f: {  	_ =	shalt  }
0x80: {  	_ =	shalt  }
0x81: {  	_ =	shalt  }
0x82: {  	_ =	shalt  }
0x83: {  	_ =	shalt  }
0x84: {  	_ =	shalt  }
0x85: {  	_ =	shalt  }
0x86: {  	_ =	shalt  }
0x87: {  	_ =	shalt  }
.Lfunc_end0:
.L_simem_size_0:
called_computation.2_lowered:
.L_overlay_start_0:
0x88: {  	s2 =	sld [smem:$0x3FD9]  }
0x89: {  	s3 =	sld [smem:$0x3FFE];
	_ =	sdelay $0x1  }
0x8a: {  	s1 =	srdreg.scid  }
0x8b: {  	s0 =	sand.u32 $0x1, s1  }
0x8c: {  	s16 =	sshll.u32 s0, $0xA;
	s2 =	sadd.s32 s3, s2  }
0x8d: {  	s2 =	sadd.s32 s2, s16  }
0x8e: {  	[smem:$0x3FC2] =	sst s2  }
0x8f: {  	_ = 	snop  }
0x90: {  	(tm) =	ssettm $0x1  }
0x91: {  	s17 =	sld [smem:$0x3FFB];
	_ =	sdelay $0x3  }
0x92: {  	_ =	strace s17  }
0x93: {  	s2 =	sld [smem:$0x3FFC];
	_ =	sdelay $0x3  }
0x94: {  	_ =	strace s2  }
0x95: {  	s2 =	sld [smem:$0x3FFD];
	_ =	sdelay $0x3  }
0x96: {  	_ =	strace s2  }
0x97: {  	_ =	strace $0x8FFFFFFF  }
0x98: {  	s18 =	sld [smem:$0x3FDB];
	_ =	sdelay $0x1  }
0x99: {  	s19 =	simm.s32 $_scs_section_size  }
0x9a: {  	s4 =	simm.s32 $_size__tile_overlayer_lowered;
	s5 =	simm.s32 $_tile_overlayer_lowered  }
0x9b: {  	s22 =	simm.s32 $0x1BFF;
	s21 =	sshll.u32 s5, $0x1;
	s2 =	sadd.s32 s19, s18  }
0x9c: {  	s6 =	simm.s32 $0x0;
	s20 =	sshll.u32 s4, $0x1;
	s4 =	sadd.s32 s21, s2  }
0x9d: {  	[timem:s6], [sflag:s22] =	dma.local [hbm:s4], s20  }
0x9e: {  	_ =	swait.ge [sflag:s22], s20  }
0x9f: {  	s3 =	ssub.s32 $0x0, s20;
	[sflag:s22] =	ssyncset.done $0x0  }
0xa0: {  	[sflag:s22] =	ssyncadd.s32 s3;
	_ =	sdelay $0x1  }
0xa1: {  	s23 =	simm.s32 $0x1B8B  }
0xa2: {  	_ =	swait.ge [sflag:s23], $0x1  }
0xa3: {  	[sflag:s23] =	ssyncset.done $0x0  }
0xa4: {  	s25 =	simm.s32 $0x1B8E;
	s24 =	sld [smem:$0x3FFE];
	[sflag:s23] =	ssyncadd.s32 $0xFFFFFFFF  }
0xa5: {  	s26 =	simm.s32 $execute0_lowered;
	[smem:$0x3FD2] =	sst s25  }
0xa6: {  	s4 =	sshll.u32 s26, $0x1;
	_ =	strace $0x8000004C;
	[dreg:$0x1] =	wrdreg $0xFFFFFFFF  }
0xa7: {  	s28 =	simm.s32 $_size_execute0_lowered;
	s2 =	sadd.s32 s2, s4;
	[dreg:$0x0] =	wrdreg $0x0  }
0xa8: {  	s4 =	sshll.u32 s28, $0x1;
	[dreg:$0x2] =	wrdreg s2  }
0xa9: {  	[dreg:$0x3] =	wrdreg s4  }
0xaa: {  	[dreg:$0x4] =	wrdreg $0xC0  }
0xab: {  	_ =	task [dreg:s6], $0x5FFFF  }
0xac: {  	[dreg:$0x1] =	wrdreg $0xFFFFFFFF  }
0xad: {  	[dreg:$0x0] =	wrdreg $0x60  }
0xae: {  	[dreg:$0x2] =	wrdreg s24  }
0xaf: {  	[dreg:$0x3] =	wrdreg $0xD0000  }
0xb0: {  	[dreg:$0x4] =	wrdreg $0x9  }
0xb1: {  	_ =	task.clear_ibuf [dreg:s6], $0x5FFFF;
	_ =	strace $0x9000004C  }
0xb2: {  	s29 =	simm.s32 $0x9;
	_ =	strace $0x8000004E  }
0xb3: {  	_ =	swait.ge [sflag:s29], $0x1  }
0xb4: {  	[sflag:s29] =	ssyncadd.s32 $0xFFFFFFFF  }
0xb5: {  	_ =	strace $0x9000004E  }
0xb6: {  	_ =	sfence  }
0xb7: {  	s30 =	sld [smem:$0x0];
	_ =	sdelay $0x2  }
0xb8: {  	s31 =	sshll.u32 s1, $0xD;
	s1 =	sshrl.u32 s1, $0x2  }
0xb9: {  	s3 =	sand.u32 $0x4000, s31;
	s1 =	sadd.s32 s1, s30  }
0xba: {  	s0 =	sor.u32 s3, s0;
	s1 =	sshll.u32 s1, $0x11  }
0xbb: {  	s0 =	sor.u32 s1, s0  }
0xbc: {  	s0 =	sadd.s32 $0x8F2B, s0  }
0xbd: {  	[sflag:s0] =	ssyncadd.remote.s32 $0x1  }
0xbe: {  	_ =	sfence.sel $0xFFFF  }
0xbf: {  	[dreg:$0x0] =	wrdreg $0xFFFFFFFF;
	(pc) =	sbr.abs _section_cstart, $3  }
0xc0: {  	[dreg:$0x1] =	wrdreg $0xFFFFFFFF  }
0xc1: {  	_ =	task.clear_ibuf [dreg:s6], $0x2FFFF;
	_ =	strace $0x9FFFFFFF  }
0xc2: {  	(tm) =	ssettm $0x7FFFFFFF  }
0xc3: {  	_ =	shalt  }
tec
execute0_lowered:
.L_overlay_start_1:
0x0: {  	(tag) =	ssettag $0x1  }
0x1: {  	s6 =	rddreg [dreg:$0x0]  }
0x2: {  	s2 =	rddreg [dreg:$0x1];
	s3 =	srdreg.scid  }
0x3: {  	s0 =	rddreg [dreg:$0x2];
	s1 =	stileid.u32;
	s16 =	simm.s32 $0x4000  }
0x4: {  	s17 =	simm.s32 $0x50;
	s18 =	simm.s32 $0x8000;
	s19 =	simm.s32 $0xA800  }
0x5: {  	s20 =	simm.s32 $0x1;
	s21 =	simm.s32 $0x2;
	s22 =	simm.s32 $0x7E00  }
0x6: {  	s23 =	simm.s32 $0x0;
	s5 =	sand.u32 $0x1, s3;
	s28 =	smul.u32 $0x500, s1  }
0x7: {  	s3 =	simm.s32 $0x0;
	s7 =	sshll.u32 s1, $0xB;
	s10 =	smul.u32 $0xA000, s1  }
0x8: {  	s11 =	sadd.s32 $0x12400, s6;
	s30 =	smul.u32 $0x2800, s1;
	s15 =	sadd.s32 $0x25800, s2  }
0x9: {  	p0 =	seq.s32 s1, $0xF;
	s4 =	sshll.u32 s5, $0xF;
	[smem:$0x7FF] =	sst s3  }
0xa: {  	s9 =	ssub.s32 $0x2, s5;
	s13 =	smul.u32 $0x27400, s5;
	s4 =	sor.u32 s7, s4  }
0xb: {  	_ =	strace $0x8000004D;
	s7 =	sadd.s32 s28, s6;
	s12 =	sshrl.u32 s9, $0x1  }
0xc: {  	s29 =	sshrl.u32 s10, $0x2;
	s8 =	sadd.s32 s4, s6;
	s4 =	sadd.s32 $0x45E00, s6  }
0xd: {  	s12 =	ssub.s32 s9, s12;
	s14 =	sadd.s32 s29, s2;
	s5 =	sadd.s32 $0x22400, s7  }
0xe: {  	s6 =	sadd.s32 $0x26F00, s6;
	s9 =	sadd.s32 s30, s13;
	s31 =	sshrl.u32 s13, $0x3  }
0xf: {  	s13 =	sshll.u32 @!p0 s1, $0x6;
	s7 =	sadd.s32 $0x35E00, s8;
	s8 =	sadd.s32 $0x2400, s8  }
0x10: {  	s9 =	sshrl.u32 s9, $0x3;
	s10 =	sadd.s32 s11, s31;
	s13 =	sor.u32 @!p0 $0x1C03, s13  }
0x11: {  	s14 =	sshrl.u32 @!p0 s14, $0x3;
	s9 =	sadd.s32 s11, s9;
	s10 =	sadd.s32 $0x4B00, s10  }
0x12: {  	s11 =	smax.u32 s12, $0x1;
	s12 =	sshrl.u32 @p0 s15, $0x3;
	s15 =	simm.s32 $0x3  }
.LBB2_1:
0x13: {  	s24 =	simm.s32 @p0 $0x1FC3  }
0x14: {  	[spmem:s12], [sflag:s24] =	dma.local @p0 [hbm:s6], $0x380  }
0x15: {  	s24 =	simm.s32 @p0 $0x3  }
0x16: {  	_ =	swait.ge @p0 [sflag:s24], $0x380  }
0x17: {  	[sflag:s24] =	ssyncset.done @p0 $0x0  }
0x18: {  	[sflag:s24] =	ssyncadd.s32 @p0 $0xFFFFFC80;
	s24 =	simm.s32 @!p0 $0x3  }
0x19: {  	[spmem:s14], [sflag:s13] =	dma.local @!p0 [hbm:s5], $0x500  }
0x1a: {  	_ =	swait.ge @!p0 [sflag:s24], $0x500  }
0x1b: {  	[sflag:s24] =	ssyncset.done @!p0 $0x0  }
0x1c: {  	[sflag:s24] =	ssyncadd.s32 @!p0 $0xFFFFFB00  }
0x1d: {  	[tilespmem:s3], [sflag:$0x3] =	stream.linear.gather [hbm4b:s7+s3], $0x3E80, $0x38;
	[tilespmem:$0xF740] =	vst v63  }
0x1e: {  	_ =	swait.ge [sflag:s15], $0x3E80  }
0x1f: {  	[sflag:s15] =	ssyncset.done $0x0  }
0x20: {  	[sflag:s15] =	ssyncadd.s32 $0xFFFFC180  }
0x21: {  	[tilespmem:s16], [sflag:$0x3] =	stream.linear.gather [hbm4b:s8+s3], $0x3E80, $0x38;
	[tilespmem:$0xF740] =	vst v63  }
0x22: {  	_ =	swait.ge [sflag:s15], $0x3E80  }
0x23: {  	[sflag:s15] =	ssyncset.done $0x0  }
0x24: {  	s25 =	simm.s32 $0x0;
	[sflag:s15] =	ssyncadd.s32 $0xFFFFC180  }
0x25: {  	v0 =	vld [tilespmem:s25+$0x4010]  }
0x26: {  	v2 =	vld [tilespmem:s25+$0x4000]  }
0x27: {  	v1 =	vld [tilespmem:s25+$0x4030]  }
0x28: {  	v3 =	vld [tilespmem:s25+$0x4020]  }
0x29: {  	v4 =	vld [tilespmem:s25+$0x30]  }
0x2a: {  	v5 =	vld [tilespmem:s25+$0x10]  }
0x2b: {  	v7 =	vld [tilespmem:s25+$0x4040];
	v6 =	vshrl.u32 v2, $0x3  }
0x2c: {  	v9 =	vld [tilespmem:s25+$0x0];
	v8 =	vshrl.u32 v0, $0x3;
	[tilespmem:s25+$0x4000] =	vst v6  }
0x2d: {  	s24 =	simm.s32 $0x80;
	v10 =	vld [tilespmem:s25+$0x20];
	v12 =	vand.u32 $0x7, v1;
	[tilespmem:s25+$0x4010] =	vst v8;
	v8 =	vshrl.u32 v3, $0x3  }
0x2e: {  	v1 =	vshrl.u32 v1, $0x3;
	v0 =	vand.u32 $0x7, v0;
	v11 =	vld [tilespmem:s24+$0x4010];
	[tilespmem:s25+$0x4020] =	vst v8;
	v8 =	vmul.u32 $0x2710, v12  }
0x2f: {  	v63 =	vld [tilespmem:s24+$0x4000];
	[tilespmem:s25+$0x4030] =	vst v1;
	v1 =	vmul.u32 $0x2710, v0  }
0x30: {  	v6 =	vld [tilespmem:s25+$0x40];
	v4 =	vadd.s32 v4, v8  }
0x31: {  	v2 =	vand.u32 $0x7, v2;
	v0 =	vld [tilespmem:s24+$0x4030];
	[tilespmem:s25+$0x30] =	vst v4;
	v4 =	vadd.s32 v5, v1  }
0x32: {  	v5 =	vmul.u32 $0x2710, v2;
	v1 =	vld [tilespmem:s24+$0x4020];
	[tilespmem:s25+$0x10] =	vst v4;
	v4 =	vshrl.u32 v7, $0x3;
	v7 =	vand.u32 $0x7, v7  }
0x33: {  	v3 =	vand.u32 $0x7, v3;
	v7 =	vmul.u32 $0x2710, v7  }
0x34: {  	v13 =	vmul.u32 $0x2710, v3;
	v2 =	vld [tilespmem:s24+$0x30];
	[tilespmem:s25+$0x4040] =	vst v4;
	v5 =	vadd.s32 v9, v5  }
0x35: {  	v4 =	vld [tilespmem:s24+$0x10];
	[tilespmem:s25+$0x0] =	vst v5;
	v6 =	vadd.s32 v6, v7  }
0x36: {  	v10 =	vadd.s32 v10, v13;
	v8 =	vshrl.u32 v11, $0x3;
	v3 =	vshrl.u32 v63, $0x3;
	v5 =	vld [tilespmem:s24+$0x4040];
	[tilespmem:s25+$0x40] =	vst v6  }
0x37: {  	s26 =	simm.s32 $0x400;
	v7 =	vand.u32 $0x7, v11;
	v9 =	vand.u32 $0x7, v0;
	v6 =	vand.u32 $0x7, v63;
	[tilespmem:s24+$0x4000] =	vst v3;
	v3 =	vld [tilespmem:s24+$0x40]  }
.LBB2_2:
0x38: {  	s28 =	sshra.s32 s26, $0x2;
	p1 =	sne.s32 s26, $0xF800;
	s26 =	sadd.s32 $0x200, s26;
	v11 =	vld [tilespmem:s24+$0x0];
	v9 =	vmul.u32 $0x2710, v9;
	[tilespmem:s25+$0x20] =	vst v10;
	v10 =	vmov v1  }
0x39: {  	v1 =	vmul.u32 $0x2710, v7;
	s25 =	smov.u32 s24;
	[tilespmem:s24+$0x4010] =	vst v8;
	v7 =	vshrl.u32 v10, $0x3;
	v12 =	vld [tilespmem:s24+$0x20];
	s24 =	smov.u32 s28  }
0x3a: {  	v0 =	vshrl.u32 v0, $0x3;
	v13 =	vld [tilespmem:s24+$0x4010];
	[tilespmem:s25+$0x4020] =	vst v7;
	v2 =	vadd.s32 v2, v9  }
0x3b: {  	v4 =	vadd.s32 v4, v1;
	v9 =	vld [tilespmem:s24+$0x4000];
	[tilespmem:s25+$0x4030] =	vst v0;
	v7 =	vshrl.u32 v5, $0x3;
	v1 =	vand.u32 $0x7, v5  }
0x3c: {  	v5 =	vmul.u32 $0x2710, v6;
	v0 =	vld [tilespmem:s24+$0x4030];
	[tilespmem:s25+$0x30] =	vst v2;
	v6 =	vmul.u32 $0x2710, v1  }
.Ltmp0:
0x3d: {  	v1 =	vld [tilespmem:s24+$0x4020];
	[tilespmem:s25+$0x10] =	vst v4;
	(pc) =	sbr.rel @p1 .LBB2_2-.Ltmp0, $4  }
0x3e: {  	v10 =	vand.u32 $0x7, v10;
	v5 =	vadd.s32 v11, v5;
	v2 =	vld [tilespmem:s24+$0x30];
	v3 =	vadd.s32 v3, v6;
	[tilespmem:s25+$0x4040] =	vst v7  }
0x3f: {  	v10 =	vmul.u32 $0x2710, v10;
	v8 =	vshrl.u32 v13, $0x3;
	v7 =	vand.u32 $0x7, v13;
	v4 =	vld [tilespmem:s24+$0x10];
	[tilespmem:s25+$0x0] =	vst v5  }
0x40: {  	v11 =	vshrl.u32 v9, $0x3;
	v6 =	vand.u32 $0x7, v9;
	v5 =	vld [tilespmem:s24+$0x4040];
	[tilespmem:s25+$0x40] =	vst v3  }
0x41: {  	v10 =	vadd.s32 v12, v10;
	[tilespmem:s24+$0x4000] =	vst v11;
	v9 =	vand.u32 $0x7, v0;
	v3 =	vld [tilespmem:s24+$0x40]  }
0x42: {  	v11 =	vld [tilespmem:s24+$0x0];
	[tilespmem:s25+$0x20] =	vst v10  }
0x43: {  	v56 =	vmul.u32 $0x2710, v9;
	v57 =	vshrl.u32 v1, $0x3;
	[tilespmem:s24+$0x4010] =	vst v8  }
0x44: {  	v7 =	vmul.u32 $0x2710, v7;
	v0 =	vshrl.u32 v0, $0x3;
	[tilespmem:s24+$0x4020] =	vst v57  }
0x45: {  	v10 =	vld [tilespmem:s24+$0x20];
	[tilespmem:s24+$0x4030] =	vst v0;
	v2 =	vadd.s32 v2, v56  }
0x46: {  	v6 =	vmul.u32 $0x2710, v6;
	v58 =	vadd.s32 v4, v7;
	v59 =	vand.u32 $0x7, v5;
	[tilespmem:s24+$0x30] =	vst v2  }
0x47: {  	v61 =	vand.u32 $0x7, v1;
	v60 =	vshrl.u32 v5, $0x3;
	[tilespmem:s24+$0x10] =	vst v58;
	v4 =	vmul.u32 $0x2710, v59  }
0x48: {  	v0 =	vmul.u32 $0x2710, v61;
	[tilespmem:s24+$0x4040] =	vst v60;
	v62 =	vadd.s32 v11, v6  }
0x49: {  	v63 =	vadd.s32 v3, v4;
	[tilespmem:s24+$0x0] =	vst v62  }
0x4a: {  	v0 =	vadd.s32 v10, v0;
	[tilespmem:s24+$0x40] =	vst v63  }
0x4b: {  	[tilespmem:s24+$0x20] =	vst v0  }
0x4c: {  	s26 =	simm.s32 $0x0;
	[bflag:$0x0] =	sbarrier.arrive $0xFFFF  }
0x4d: {  	[tilespmem:s18], [sflag:$0x1] =	stream.indirect.gather [hbm4b:s4+s17], $0x80, s26, s17, $0xb8;
	[tilespmem:$0xF740] =	vst v63  }
0x4e: {  	s28 =	simm.s32 $0x80  }
0x4f: {  	[tilespmem:s19], [sflag:$0x2] =	stream.indirect.gather [hbm4b:s4+s17], $0x80, s28, s17, $0xb8;
	[tilespmem:$0xF740] =	vst v63  }
0x50: {  	_ =	swait.ge [sflag:s20], $0x2800  }
0x51: {  	[sflag:s20] =	ssyncset.done $0x0  }
0x52: {  	s29 =	simm.s32 $0x4000;
	[sflag:s20] =	ssyncadd.s32 $0xFFFFD800  }
0x53: {  	[spmem:s2] =	stream.indirect.scatter.add.f32 [tilespmem:s18], [sflag:$0x3], $0x80, s29, s17, $0xb8;
	[tilespmem:$0xF740] =	vst v63  }
0x54: {  	_ =	swait.ge [sflag:s15], $0x2800  }
0x55: {  	[sflag:s15] =	ssyncset.done $0x0  }
0x56: {  	s30 =	simm.s32 $0x100;
	[sflag:s15] =	ssyncadd.s32 $0xFFFFD800  }
0x57: {  	[tilespmem:s18], [sflag:$0x1] =	stream.indirect.gather [hbm4b:s4+s17], $0x80, s30, s17, $0xb8;
	[tilespmem:$0xF740] =	vst v63  }
0x58: {  	_ =	swait.ge [sflag:s21], $0x2800  }
0x59: {  	[sflag:s21] =	ssyncset.done $0x0  }
0x5a: {  	s31 =	simm.s32 $0x4080;
	[sflag:s21] =	ssyncadd.s32 $0xFFFFD800  }
0x5b: {  	[spmem:s2] =	stream.indirect.scatter.add.f32 [tilespmem:s19], [sflag:$0x3], $0x80, s31, s17, $0xb8;
	[tilespmem:$0xF740] =	vst v63  }
0x5c: {  	_ =	swait.ge [sflag:s15], $0x2800  }
0x5d: {  	s25 =	simm.s32 $0x800;
	s24 =	simm.s32 $0x100;
	[sflag:s15] =	ssyncset.done $0x0  }
.LBB2_4:
0x5e: {  	s26 =	sadd.s32 $0x80, s24  }
0x5f: {  	[sflag:s15] =	ssyncadd.s32 $0xFFFFD800;
	s28 =	smov.u32 s25;
	s29 =	sadd.s32 $0x400, s25  }
0x60: {  	[tilespmem:s19], [sflag:$0x2] =	stream.indirect.gather [hbm4b:s4+s17], $0x80, s26, s17, $0xb8;
	[tilespmem:$0xF740] =	vst v63  }
0x61: {  	p1 =	sne.s32 s25, $0xF400;
	_ =	swait.ge [sflag:s20], $0x2800  }
0x62: {  	[sflag:s20] =	ssyncset.done $0x0  }
0x63: {  	s25 =	sadd.s32 $0x4000, s24;
	[sflag:s20] =	ssyncadd.s32 $0xFFFFD800  }
0x64: {  	[spmem:s2] =	stream.indirect.scatter.add.f32 [tilespmem:s18], [sflag:$0x3], $0x80, s25, s17, $0xb8;
	[tilespmem:$0xF740] =	vst v63  }
0x65: {  	_ =	swait.ge [sflag:s15], $0x2800  }
0x66: {  	[sflag:s15] =	ssyncset.done $0x0  }
0x67: {  	s25 =	sadd.s32 $0x100, s24;
	[sflag:s15] =	ssyncadd.s32 $0xFFFFD800  }
0x68: {  	[tilespmem:s18], [sflag:$0x1] =	stream.indirect.gather [hbm4b:s4+s17], $0x80, s25, s17, $0xb8;
	[tilespmem:$0xF740] =	vst v63  }
0x69: {  	_ =	swait.ge [sflag:s21], $0x2800  }
.Ltmp1:
0x6a: {  	[sflag:s21] =	ssyncset.done $0x0;
	(pc) =	sbr.rel @p1 .LBB2_4-.Ltmp1, $4  }
0x6b: {  	s24 =	sadd.s32 $0x4080, s24;
	[sflag:s21] =	ssyncadd.s32 $0xFFFFD800  }
0x6c: {  	[spmem:s2] =	stream.indirect.scatter.add.f32 [tilespmem:s19], [sflag:$0x3], $0x80, s24, s17, $0xb8;
	[tilespmem:$0xF740] =	vst v63  }
0x6d: {  	_ =	swait.ge [sflag:s15], $0x2800  }
0x6e: {  	s25 =	smov.u32 s29;
	s24 =	sshra.s32 s28, $0x2;
	[sflag:s15] =	ssyncset.done $0x0  }
0x6f: {  	s25 =	sadd.s32 $0x80, s24;
	[sflag:s15] =	ssyncadd.s32 $0xFFFFD800  }
0x70: {  	[tilespmem:s19], [sflag:$0x2] =	stream.indirect.gather [hbm4b:s4+s17], $0x80, s25, s17, $0xb8;
	[tilespmem:$0xF740] =	vst v63  }
0x71: {  	_ =	swait.ge [sflag:s20], $0x2800  }
0x72: {  	[sflag:s20] =	ssyncset.done $0x0  }
0x73: {  	s29 =	sadd.s32 $0x4000, s24;
	[sflag:s20] =	ssyncadd.s32 $0xFFFFD800  }
0x74: {  	[spmem:s2] =	stream.indirect.scatter.add.f32 [tilespmem:s18], [sflag:$0x3], $0x80, s29, s17, $0xb8;
	[tilespmem:$0xF740] =	vst v63  }
0x75: {  	_ =	swait.ge [sflag:s15], $0x2800  }
0x76: {  	[sflag:s15] =	ssyncset.done $0x0  }
0x77: {  	s30 =	sadd.s32 $0x100, s24;
	[sflag:s15] =	ssyncadd.s32 $0xFFFFD800  }
0x78: {  	[tilespmem:s18], [sflag:$0x1] =	stream.indirect.gather [hbm4b:s4+s17], $0x80, s30, s17, $0xb8;
	[tilespmem:$0xF740] =	vst v63  }
0x79: {  	_ =	swait.ge [sflag:s21], $0x2800  }
0x7a: {  	[sflag:s21] =	ssyncset.done $0x0  }
0x7b: {  	s31 =	sadd.s32 $0x4080, s24;
	[sflag:s21] =	ssyncadd.s32 $0xFFFFD800  }
0x7c: {  	[spmem:s2] =	stream.indirect.scatter.add.f32 [tilespmem:s19], [sflag:$0x3], $0x80, s31, s17, $0xb8;
	[tilespmem:$0xF740] =	vst v63  }
0x7d: {  	_ =	swait.ge [sflag:s15], $0x2800  }
0x7e: {  	[sflag:s15] =	ssyncset.done $0x0  }
0x7f: {  	[sflag:s15] =	ssyncadd.s32 $0xFFFFD800  }
0x80: {  	_ =	swait.ge [sflag:s20], $0x2800  }
0x81: {  	[sflag:s20] =	ssyncset.done $0x0  }
0x82: {  	[sflag:s20] =	ssyncadd.s32 $0xFFFFD800  }
0x83: {  	[spmem:s2] =	stream.indirect.scatter.add.f32 [tilespmem:s18], [sflag:$0x3], $0x80, s22, s17, $0xb8;
	[tilespmem:$0xF740] =	vst v63  }
0x84: {  	_ =	swait.ge [sflag:s15], $0x2800  }
0x85: {  	[sflag:s15] =	ssyncset.done $0x0  }
0x86: {  	[sflag:s15] =	ssyncadd.s32 $0xFFFFD800  }
0x87: {  	s24 =	simm.s32 @p0 $0x1FC3;
	[bflag:$0x0] =	sbarrier.arrive $0xFFFF  }
0x88: {  	[hbm:s10], [sflag:s24] =	dma.local @p0 [spmem:s12], $0x380  }
0x89: {  	s24 =	simm.s32 @p0 $0x3  }
0x8a: {  	s23 =	sadd.s32 $0x1, s23;
	_ =	swait.ge @p0 [sflag:s24], $0x380  }
0x8b: {  	p1 =	sne.s32 s23, s11;
	[sflag:s24] =	ssyncset.done @p0 $0x0  }
.Ltmp2:
0x8c: {  	[sflag:s24] =	ssyncadd.s32 @p0 $0xFFFFFC80;
	s24 =	simm.s32 @!p0 $0x3;
	(pc) =	sbr.rel @p1 .LBB2_1-.Ltmp2, $4  }
0x8d: {  	[hbm:s9], [sflag:s13] =	dma.local @!p0 [spmem:s14], $0x500  }
0x8e: {  	_ =	swait.ge @!p0 [sflag:s24], $0x500  }
0x8f: {  	[sflag:s24] =	ssyncset.done @!p0 $0x0  }
0x90: {  	[sflag:s24] =	ssyncadd.s32 @!p0 $0xFFFFFB00  }
0x91: {  	_ =	sfence.sel $0x180000  }
0x92: {  	[bflag:$0x0] =	sbarrier.arrive $0xFFFF  }
0x93: {  	p0 =	sne.s32 s1, $0x0;
	_ =	strace $0x9000004D  }
0x94: {  	s0 =	sadd.s32 @!p0 $0x100000, s0;
	[bflag:$0x2] =	sbarrier.arrive $0xFFFF  }
0x95: {  	[sflag:s0] =	ssyncadd.tile.s32 @!p0 $0x1;
	_ =	shalt  }
.Lfunc_end2:
_tile_overlayer_lowered:
.L_overlay_start_2:
0x96: {  	(tag) =	ssettag $0x2  }
0x97: {  	s0 =	rddreg [dreg:$0x0];
	s2 =	stileid.u32  }
0x98: {  	s1 =	rddreg [dreg:$0x1];
	p0 =	sne.s32 s2, $0x0  }
0x99: {  	s3 =	rddreg [dreg:$0x2];
	[bflag:$0x3] =	sbarrier.arrive $0xFFFF;
	s2 =	simm.s32 @!p0 $0x1C03  }
0x9a: {  	[timem:s3], [sflag:s2] =	dma.local @!p0 [hbm:s0], s1  }
0x9b: {  	s0 =	simm.s32 @!p0 $0x3  }
0x9c: {  	_ =	swait.ge @!p0 [sflag:s0], s1  }
0x9d: {  	s1 =	ssub.s32 @!p0 $0x0, s1;
	[sflag:s0] =	ssyncset.done @!p0 $0x0  }
0x9e: {  	[sflag:s0] =	ssyncadd.s32 @!p0 s1  }
0x9f: {  	[bflag:$0x3] =	sbarrier.arrive $0xFFFF  }
0xa0: {  	_ =	shalt  }

</sc_bundles>
